<compile_context>
chip_gen: v7x
topology: tpu7x:2x2x1
jax: 0.10.2.dev20260603
libtpu: 0.0.44.dev20260713+nightly
codegen_flags: <defaults>
</compile_context>

<pallas_src>
import functools

import jax
import jax.numpy as jnp
from jax import lax
from jax.experimental import pallas as pl
from jax.experimental.pallas import tpu as pltpu
from jax.experimental.pallas import tpu_sc as plsc

K = 20
ROWS = 256
NWORKERS = 32
CH = 16
IDX_SLICE = 64


def _knn_kernel(x_ref, xt_ref, o_ref):
    n = x_ref.shape[1]
    r = xt_ref.shape[0]
    x0 = x_ref[0:1, :]
    x1 = x_ref[1:2, :]
    x2 = x_ref[2:3, :]
    c0 = xt_ref[:, 0:1]
    c1 = xt_ref[:, 1:2]
    c2 = xt_ref[:, 2:3]
    bf = lambda v: v.astype(jnp.bfloat16).astype(jnp.float32)
    g = bf(c0) * bf(x0) + bf(c1) * bf(x1) + bf(c2) * bf(x2)
    rr = c0 * c0 + c1 * c1 + c2 * c2
    xx = x0 * x0 + x1 * x1 + x2 * x2
    d = 2.0 * g - rr - xx
    iota = lax.broadcasted_iota(jnp.int32, (r, n), 1).astype(jnp.float32)
    neg = jnp.float32(-3.0e38)
    bigi = jnp.float32(n)
    cols = []
    for _ in range(K):
        m = jnp.max(d, axis=1, keepdims=True)
        am = jnp.min(jnp.where(d == m, iota, bigi), axis=1, keepdims=True)
        cols.append(am)
        d = jnp.where(iota == am, neg, d)
    base = (pl.program_id(0) % (pl.num_programs(0) // 2)) * n
    o_ref[...] = jnp.concatenate(cols, axis=1).astype(jnp.int32) + base


def _mm_kernel(u_ref, m_ref, o_ref):
    o_ref[...] = lax.dot_general(
        u_ref[...], m_ref[...], (((1,), (0,)), ((), ())),
        preferred_element_type=jnp.float32)


def _sc_body(t_hbm, r_hbm, i1_hbm, i2_hbm, out_hbm,
             i1v, i2v, pv, qv, rv, ov, sem):
    nslc = (CH * K) // IDX_SLICE
    ppw = t_hbm.shape[0] // NWORKERS
    nchunks = ppw // CH
    wid = lax.axis_index("s") * 2 + lax.axis_index("c")
    base = wid * ppw

    def chunk_body(ci, carry):
        off = base + ci * CH
        cid = wid * nchunks + ci
        pltpu.sync_copy(i1_hbm.at[cid], i1v)
        pltpu.sync_copy(i2_hbm.at[cid], i2v)
        copies = []
        for t in range(nslc):
            dst = pl.ds(t * IDX_SLICE, IDX_SLICE)
            copies.append(pltpu.async_copy(t_hbm.at[i1v.at[t]], pv.at[dst], sem))
            copies.append(pltpu.async_copy(t_hbm.at[i2v.at[t]], qv.at[dst], sem))
        pltpu.sync_copy(r_hbm.at[pl.ds(off, CH)], rv)
        for cp in copies:
            cp.wait()

        def pt_body(i, c2):
            for j in range(4):
                sl = pl.ds(j * 16, 16)
                slq = pl.ds(64 + j * 16, 16)
                rvec = rv[i, sl]
                row = i * K
                t0 = pv[row, sl] + qv[row, slq] + rvec
                acc = jnp.maximum(t0, t0 * 0.2)
                for ki in range(1, K):
                    t = pv[row + ki, sl] + qv[row + ki, slq] + rvec
                    acc = jnp.maximum(acc, jnp.maximum(t, t * 0.2))
                ov[i, sl] = acc
            return c2

        lax.fori_loop(0, CH, pt_body, 0)
        pltpu.sync_copy(ov, out_hbm.at[pl.ds(off, CH)])
        return carry

    lax.fori_loop(0, nchunks, chunk_body, 0)


def _make_sc_gather(npts):
    mesh = plsc.VectorSubcoreMesh(core_axis_name="c", subcore_axis_name="s")
    return functools.partial(
        pl.kernel,
        mesh=mesh,
        out_type=jax.ShapeDtypeStruct((npts, 64), jnp.float32),
        scratch_types=[
            pltpu.VMEM(((CH * K) // IDX_SLICE, IDX_SLICE), jnp.int32),
            pltpu.VMEM(((CH * K) // IDX_SLICE, IDX_SLICE), jnp.int32),
            pltpu.VMEM((CH * K, 128), jnp.float32),
            pltpu.VMEM((CH * K, 128), jnp.float32),
            pltpu.VMEM((CH, 64), jnp.float32),
            pltpu.VMEM((CH, 64), jnp.float32),
            pltpu.SemaphoreType.DMA,
        ],
    )(_sc_body)


def _knn_pallas(x2, xt2):
    nb, _, n = x2.shape
    grid = (nb, n // ROWS)
    return pl.pallas_call(
        _knn_kernel,
        grid=grid,
        in_specs=[
            pl.BlockSpec((None, 3, n), lambda g, r: (g, 0, 0)),
            pl.BlockSpec((None, ROWS, 3), lambda g, r: (g, r, 0)),
        ],
        out_specs=pl.BlockSpec((None, ROWS, K), lambda g, r: (g, r, 0)),
        out_shape=jax.ShapeDtypeStruct((nb, n, K), jnp.int32),
    )(x2, xt2)


def _pqr_pallas(u, m):
    npts = u.shape[0]
    rb = 2048
    return pl.pallas_call(
        _mm_kernel,
        grid=(npts // rb,),
        in_specs=[
            pl.BlockSpec((rb, u.shape[1]), lambda r: (r, 0)),
            pl.BlockSpec(m.shape, lambda r: (0, 0)),
        ],
        out_specs=pl.BlockSpec((rb, 192), lambda r: (r, 0)),
        out_shape=jax.ShapeDtypeStruct((npts, 192), jnp.float32),
    )(u, m)


def kernel(x, normalandRGB, W1, gamma, beta):
    b, _, n = x.shape
    npts = b * n
    x2 = jnp.concatenate([x[:, 0:3, :], x[:, 3:6, :]], axis=0)
    xt2 = jnp.transpose(x2, (0, 2, 1))
    xyz = xt2[:b]
    feats = xt2[b:]
    nr = jnp.transpose(normalandRGB, (0, 2, 1))

    gidx = _knn_pallas(x2, xt2)
    nslc = (CH * K) // IDX_SLICE
    i1 = gidx[:b].reshape(npts // CH, nslc, IDX_SLICE)
    i2 = gidx[b:].reshape(npts // CH, nslc, IDX_SLICE)

    wa = W1[:, 0:3]
    wb = W1[:, 3:6]
    wc = W1[:, 6:9]
    wd = W1[:, 9:12]
    we = W1[:, 12:15]
    mh = jnp.zeros((10, 192), jnp.float32)
    mh = mh.at[0:3, 0:64].set(wa.T)
    mh = mh.at[6:9, 0:64].set(we.T)
    mh = mh.at[3:6, 64:128].set((wc + wd).T)
    mh = mh.at[0:3, 128:192].set((wb - wa).T)
    mh = mh.at[3:6, 128:192].set(-wc.T)
    gamma3 = jnp.concatenate([gamma, gamma, gamma])
    mh = mh * gamma3[None, :]
    mh = mh.at[9, 128:192].set(beta)
    u = jnp.concatenate(
        [xyz, feats, nr, jnp.ones((b, n, 1), jnp.float32)], axis=-1
    ).reshape(npts, 10)
    pqr = _pqr_pallas(u, mh)
    t = pqr[:, 0:128]
    r = pqr[:, 128:192]

    out_flat = _make_sc_gather(npts)(t, r, i1, i2)
    return jnp.transpose(out_flat.reshape(b, n, 64), (0, 2, 1))

# --- scband reference (transcript-rebuilt; emitter-appended) ---
"""Pipeline reference for scband-iafnet-82179904242192 (READ-ONLY COPY).

The authoritative reference and input builder live on the scoring server;
editing this copy changes nothing except your own understanding.
"""

import jax, jax.numpy as jnp
import numpy as np


def knn(x, k):
    # x: [B, C, N] -> idx: [B, N, k], matches torch knn() helper
    inner = -2.0 * jnp.einsum('bcn,bcm->bnm', x, x)
    xx = jnp.sum(x ** 2, axis=1, keepdims=True)  # [B,1,N]
    pairwise = -jnp.transpose(xx, (0, 2, 1)) - inner - xx  # [B,N,N]
    _, idx = jax.lax.top_k(pairwise, k)
    return idx


def gather_neighbors(feat_bnc, idx_bnk):
    # feat: [B,N,C], idx: [B,N,k] -> [B,N,k,C]
    return jax.vmap(lambda f, i: f[i])(feat_bnc, idx_bnk)


def setup_inputs(seed: int = 0):
    key = jax.random.key(seed)
    ks = jax.random.split(key, 5)
    B, N = 8, 2048
    x = jax.random.normal(ks[0], (B, 6, N), dtype=jnp.float32)
    normalandRGB = jax.random.normal(ks[1], (B, 3, N), dtype=jnp.float32)
    # first-layer 1x1 conv over 15-dim graph features -> 64 channels
    W1 = jax.random.normal(ks[2], (64, 15), dtype=jnp.float32) * 0.05
    gamma = jnp.ones((64,), dtype=jnp.float32)
    beta = jnp.zeros((64,), dtype=jnp.float32)
    return {"x": x, "normalandRGB": normalandRGB, "W1": W1, "gamma": gamma, "beta": beta}


def reference(x, normalandRGB, W1, gamma, beta):
    k = 20
    B, _, N = x.shape
    xyz = jnp.transpose(x[:, 0:3, :], (0, 2, 1))    # [B,N,3]
    feats = jnp.transpose(x[:, 3:6, :], (0, 2, 1))  # [B,N,3]
    nr = jnp.transpose(normalandRGB, (0, 2, 1))     # [B,N,3]
    idx1 = knn(x[:, 0:3, :], k)  # spatial kNN
    idx2 = knn(x[:, 3:6, :], k)  # feature-space kNN
    # get_graph_feature_firstLayer
    xyz_nb = gather_neighbors(xyz, idx1)   # [B,N,k,3]
    nr_nb = gather_neighbors(nr, idx1)     # [B,N,k,3]
    feat_nb = gather_neighbors(feats, idx2)  # [B,N,k,3]
    xyz_c = xyz[:, :, None, :]
    feat_c = feats[:, :, None, :]
    feat1 = jnp.concatenate([xyz_nb - xyz_c, jnp.broadcast_to(xyz_c, xyz_nb.shape)], axis=3)
    feat2 = jnp.concatenate([feat_nb - feat_c, feat_nb], axis=3)
    feature = jnp.concatenate([feat1, feat2, nr_nb], axis=3)  # [B,N,k,15]
    # 1x1 Conv2d + BN(identity stats) + LeakyReLU(0.2)
    h = jnp.einsum('bnkc,oc->bonk', feature, W1)  # [B,64,N,k]
    h = h * gamma[None, :, None, None] + beta[None, :, None, None]
    h = jnp.where(h > 0, h, 0.2 * h)
    out = jnp.max(h, axis=-1)  # [B,64,N]
    return out

if __name__ == "__main__":
    import jax
    _d = setup_inputs()
    print(jax.jit(kernel)(*tuple(_d.values())))

</pallas_src>

<mosaic_0001>
#map = affine_map<(d0, d1) -> (0, 0)>
#map1 = affine_map<(d0, d1) -> (0, 0, 0)>
module attributes {stable_mosaic.version = 14 : i64} {
  func.func @_sc_body(%arg0: i32, %arg1: i32, %arg2: memref<16384x128xf32, #tpu.memory_space<hbm>>, %arg3: memref<16384x64xf32, #tpu.memory_space<hbm>>, %arg4: memref<1024x5x64xi32, #tpu.memory_space<hbm>>, %arg5: memref<1024x5x64xi32, #tpu.memory_space<hbm>>, %arg6: memref<16384x64xf32, #tpu.memory_space<hbm>>, %arg7: memref<5x64xi32, #tpu.memory_space<vmem>>, %arg8: memref<5x64xi32, #tpu.memory_space<vmem>>, %arg9: memref<320x128xf32, #tpu.memory_space<vmem>>, %arg10: memref<320x128xf32, #tpu.memory_space<vmem>>, %arg11: memref<16x64xf32, #tpu.memory_space<vmem>>, %arg12: memref<16x64xf32, #tpu.memory_space<vmem>>, %arg13: memref<!tpu.dma_semaphore, #tpu.memory_space<semaphore_mem>>) attributes {dimension_semantics = [#tpu.dimension_semantics<core_parallel>, #tpu.dimension_semantics<subcore_parallel>], iteration_bounds = array<i64: 2, 16>, scalar_prefetch = 0 : i64, scratch_operands = 7 : i64, tpu.core_type = #tpu.core_type<sc_vector_subcore>, window_params = [{transform_indices = #map}, {transform_indices = #map}, {transform_indices = #map1}, {transform_indices = #map1}, {transform_indices = #map}]} {
    %mul3A = arith.constant 2 : i32
    %mul3A_0 = arith.muli %arg1, %mul3A : i32
    %add3A = arith.addi %mul3A_0, %arg0 : i32
    %mul3A_1 = arith.constant 512 : i32
    %mul3A_2 = arith.muli %add3A, %mul3A_1 : i32
    %scan3A = arith.constant 0 : i32
    %scan3A_3 = arith.constant 0 : i32
    %scan3A_4 = arith.constant 32 : i32
    %scan3A_5 = arith.addi %scan3A_3, %scan3A_4 : i32
    %scan3A_6 = arith.constant 1 : i32
    scf.for %scan3A_8 = %scan3A_3 to %scan3A_5 step %scan3A_6  : i32 {
      %mul3A_9 = arith.constant 16 : i32
      %mul3A_10 = arith.muli %scan3A_8, %mul3A_9 : i32
      %add3A_11 = arith.addi %mul3A_2, %mul3A_10 : i32
      %mul3A_12 = arith.constant 32 : i32
      %mul3A_13 = arith.muli %add3A, %mul3A_12 : i32
      %add3A_14 = arith.addi %mul3A_13, %scan3A_8 : i32
      "tpu.region"() ({
        %run_scoped3A = tpu.sem_alloc : memref<!tpu.dma_semaphore, #tpu.memory_space<semaphore_mem>>
        %dma_start3A_219 = arith.constant 0 : i32
        %dma_start3A_220 = arith.constant 0 : i32
        %dma_start3A_221 = tpu.memref_slice %arg4[%add3A_14, %dma_start3A_219, %dma_start3A_220] : memref<1024x5x64xi32, #tpu.memory_space<hbm>> -> memref<1x5x64xi32, #tpu.memory_space<hbm>>
        %dma_start3A_222 = tpu.memref_squeeze %dma_start3A_221 : memref<1x5x64xi32, #tpu.memory_space<hbm>> -> memref<5x64xi32, #tpu.memory_space<hbm>>
        %dma_start3A_223 = arith.constant 0 : i32
        %dma_start3A_224 = arith.constant 0 : i32
        %dma_start3A_225 = tpu.memref_slice %arg4[%add3A_14, %dma_start3A_223, %dma_start3A_224] : memref<1024x5x64xi32, #tpu.memory_space<hbm>> -> memref<1x5x64xi32, #tpu.memory_space<hbm>>
        %dma_start3A_226 = tpu.memref_squeeze %dma_start3A_225 : memref<1x5x64xi32, #tpu.memory_space<hbm>> -> memref<5x64xi32, #tpu.memory_space<hbm>>
        tpu.enqueue_dma source(%dma_start3A_226 : memref<5x64xi32, #tpu.memory_space<hbm>>) target(%arg7 : memref<5x64xi32, #tpu.memory_space<vmem>>) target_semaphore(%run_scoped3A : memref<!tpu.dma_semaphore, #tpu.memory_space<semaphore_mem>>)
        %dma_wait3A_227 = arith.constant 0 : i32
        %dma_wait3A_228 = arith.constant 0 : i32
        %dma_wait3A_229 = tpu.memref_slice %arg4[%add3A_14, %dma_wait3A_227, %dma_wait3A_228] : memref<1024x5x64xi32, #tpu.memory_space<hbm>> -> memref<1x5x64xi32, #tpu.memory_space<hbm>>
        %dma_wait3A_230 = tpu.memref_squeeze %dma_wait3A_229 : memref<1x5x64xi32, #tpu.memory_space<hbm>> -> memref<5x64xi32, #tpu.memory_space<hbm>>
        %dma_wait3A_231 = arith.constant 0 : i32
        %dma_wait3A_232 = arith.constant 0 : i32
        %dma_wait3A_233 = tpu.memref_slice %arg4[%add3A_14, %dma_wait3A_231, %dma_wait3A_232] : memref<1024x5x64xi32, #tpu.memory_space<hbm>> -> memref<1x5x64xi32, #tpu.memory_space<hbm>>
        %dma_wait3A_234 = tpu.memref_squeeze %dma_wait3A_233 : memref<1x5x64xi32, #tpu.memory_space<hbm>> -> memref<5x64xi32, #tpu.memory_space<hbm>>
        tpu.wait_dma2 semaphore(%run_scoped3A : memref<!tpu.dma_semaphore, #tpu.memory_space<semaphore_mem>>) src(%dma_wait3A_234 : memref<5x64xi32, #tpu.memory_space<hbm>>) dst(%arg7 : memref<5x64xi32, #tpu.memory_space<vmem>>)
        tpu.yield
      }) : () -> ()
      "tpu.region"() ({
        %run_scoped3A = tpu.sem_alloc : memref<!tpu.dma_semaphore, #tpu.memory_space<semaphore_mem>>
        %dma_start3A_219 = arith.constant 0 : i32
        %dma_start3A_220 = arith.constant 0 : i32
        %dma_start3A_221 = tpu.memref_slice %arg5[%add3A_14, %dma_start3A_219, %dma_start3A_220] : memref<1024x5x64xi32, #tpu.memory_space<hbm>> -> memref<1x5x64xi32, #tpu.memory_space<hbm>>
        %dma_start3A_222 = tpu.memref_squeeze %dma_start3A_221 : memref<1x5x64xi32, #tpu.memory_space<hbm>> -> memref<5x64xi32, #tpu.memory_space<hbm>>
        %dma_start3A_223 = arith.constant 0 : i32
        %dma_start3A_224 = arith.constant 0 : i32
        %dma_start3A_225 = tpu.memref_slice %arg5[%add3A_14, %dma_start3A_223, %dma_start3A_224] : memref<1024x5x64xi32, #tpu.memory_space<hbm>> -> memref<1x5x64xi32, #tpu.memory_space<hbm>>
        %dma_start3A_226 = tpu.memref_squeeze %dma_start3A_225 : memref<1x5x64xi32, #tpu.memory_space<hbm>> -> memref<5x64xi32, #tpu.memory_space<hbm>>
        tpu.enqueue_dma source(%dma_start3A_226 : memref<5x64xi32, #tpu.memory_space<hbm>>) target(%arg8 : memref<5x64xi32, #tpu.memory_space<vmem>>) target_semaphore(%run_scoped3A : memref<!tpu.dma_semaphore, #tpu.memory_space<semaphore_mem>>)
        %dma_wait3A_227 = arith.constant 0 : i32
        %dma_wait3A_228 = arith.constant 0 : i32
        %dma_wait3A_229 = tpu.memref_slice %arg5[%add3A_14, %dma_wait3A_227, %dma_wait3A_228] : memref<1024x5x64xi32, #tpu.memory_space<hbm>> -> memref<1x5x64xi32, #tpu.memory_space<hbm>>
        %dma_wait3A_230 = tpu.memref_squeeze %dma_wait3A_229 : memref<1x5x64xi32, #tpu.memory_space<hbm>> -> memref<5x64xi32, #tpu.memory_space<hbm>>
        %dma_wait3A_231 = arith.constant 0 : i32
        %dma_wait3A_232 = arith.constant 0 : i32
        %dma_wait3A_233 = tpu.memref_slice %arg5[%add3A_14, %dma_wait3A_231, %dma_wait3A_232] : memref<1024x5x64xi32, #tpu.memory_space<hbm>> -> memref<1x5x64xi32, #tpu.memory_space<hbm>>
        %dma_wait3A_234 = tpu.memref_squeeze %dma_wait3A_233 : memref<1x5x64xi32, #tpu.memory_space<hbm>> -> memref<5x64xi32, #tpu.memory_space<hbm>>
        tpu.wait_dma2 semaphore(%run_scoped3A : memref<!tpu.dma_semaphore, #tpu.memory_space<semaphore_mem>>) src(%dma_wait3A_234 : memref<5x64xi32, #tpu.memory_space<hbm>>) dst(%arg8 : memref<5x64xi32, #tpu.memory_space<vmem>>)
        tpu.yield
      }) : () -> ()
      %dma_start3A = arith.constant 0 : i32
      %dma_start3A_15 = arith.constant 0 : i32
      %dma_start3A_16 = arith.constant 0 : i32
      %dma_start3A_17 = tpu.memref_slice %arg9[%dma_start3A_15, %dma_start3A_16] : memref<320x128xf32, #tpu.memory_space<vmem>> -> memref<64x128xf32, #tpu.memory_space<vmem>>
      %dma_start3A_18 = arith.constant 0 : i32
      %dma_start3A_19 = tpu.memref_slice %arg7[%dma_start3A, %dma_start3A_18] : memref<5x64xi32, #tpu.memory_space<vmem>> -> memref<1x64xi32, #tpu.memory_space<vmem>>
      %dma_start3A_20 = tpu.memref_squeeze %dma_start3A_19 : memref<1x64xi32, #tpu.memory_space<vmem>> -> memref<64xi32, #tpu.memory_space<vmem>>
      %dma_start3A_21 = arith.constant 0 : i32
      %dma_start3A_22 = arith.constant 0 : i32
      %dma_start3A_23 = tpu.memref_slice %arg2[%dma_start3A_21, %dma_start3A_22] : memref<16384x128xf32, #tpu.memory_space<hbm>> -> memref<16384x128xf32, #tpu.memory_space<hbm>>
      tpu.enqueue_indirect_dma source(%dma_start3A_23 : memref<16384x128xf32, #tpu.memory_space<hbm>>) target(%dma_start3A_17 : memref<64x128xf32, #tpu.memory_space<vmem>>) offsets(%dma_start3A_20 : memref<64xi32, #tpu.memory_space<vmem>>) semaphore(%arg13 : memref<!tpu.dma_semaphore, #tpu.memory_space<semaphore_mem>>)
      %dma_start3A_24 = arith.constant 0 : i32
      %dma_start3A_25 = arith.constant 0 : i32
      %dma_start3A_26 = arith.constant 0 : i32
      %dma_start3A_27 = tpu.memref_slice %arg10[%dma_start3A_25, %dma_start3A_26] : memref<320x128xf32, #tpu.memory_space<vmem>> -> memref<64x128xf32, #tpu.memory_space<vmem>>
      %dma_start3A_28 = arith.constant 0 : i32
      %dma_start3A_29 = tpu.memref_slice %arg8[%dma_start3A_24, %dma_start3A_28] : memref<5x64xi32, #tpu.memory_space<vmem>> -> memref<1x64xi32, #tpu.memory_space<vmem>>
      %dma_start3A_30 = tpu.memref_squeeze %dma_start3A_29 : memref<1x64xi32, #tpu.memory_space<vmem>> -> memref<64xi32, #tpu.memory_space<vmem>>
      %dma_start3A_31 = arith.constant 0 : i32
      %dma_start3A_32 = arith.constant 0 : i32
      %dma_start3A_33 = tpu.memref_slice %arg2[%dma_start3A_31, %dma_start3A_32] : memref<16384x128xf32, #tpu.memory_space<hbm>> -> memref<16384x128xf32, #tpu.memory_space<hbm>>
      tpu.enqueue_indirect_dma source(%dma_start3A_33 : memref<16384x128xf32, #tpu.memory_space<hbm>>) target(%dma_start3A_27 : memref<64x128xf32, #tpu.memory_space<vmem>>) offsets(%dma_start3A_30 : memref<64xi32, #tpu.memory_space<vmem>>) semaphore(%arg13 : memref<!tpu.dma_semaphore, #tpu.memory_space<semaphore_mem>>)
      %dma_start3A_34 = arith.constant 1 : i32
      %dma_start3A_35 = arith.constant 64 : i32
      %dma_start3A_36 = arith.constant 0 : i32
      %dma_start3A_37 = tpu.memref_slice %arg9[%dma_start3A_35, %dma_start3A_36] : memref<320x128xf32, #tpu.memory_space<vmem>> -> memref<64x128xf32, #tpu.memory_space<vmem>>
      %dma_start3A_38 = arith.constant 0 : i32
      %dma_start3A_39 = tpu.memref_slice %arg7[%dma_start3A_34, %dma_start3A_38] : memref<5x64xi32, #tpu.memory_space<vmem>> -> memref<1x64xi32, #tpu.memory_space<vmem>>
      %dma_start3A_40 = tpu.memref_squeeze %dma_start3A_39 : memref<1x64xi32, #tpu.memory_space<vmem>> -> memref<64xi32, #tpu.memory_space<vmem>>
      %dma_start3A_41 = arith.constant 0 : i32
      %dma_start3A_42 = arith.constant 0 : i32
      %dma_start3A_43 = tpu.memref_slice %arg2[%dma_start3A_41, %dma_start3A_42] : memref<16384x128xf32, #tpu.memory_space<hbm>> -> memref<16384x128xf32, #tpu.memory_space<hbm>>
      tpu.enqueue_indirect_dma source(%dma_start3A_43 : memref<16384x128xf32, #tpu.memory_space<hbm>>) target(%dma_start3A_37 : memref<64x128xf32, #tpu.memory_space<vmem>>) offsets(%dma_start3A_40 : memref<64xi32, #tpu.memory_space<vmem>>) semaphore(%arg13 : memref<!tpu.dma_semaphore, #tpu.memory_space<semaphore_mem>>)
      %dma_start3A_44 = arith.constant 1 : i32
      %dma_start3A_45 = arith.constant 64 : i32
      %dma_start3A_46 = arith.constant 0 : i32
      %dma_start3A_47 = tpu.memref_slice %arg10[%dma_start3A_45, %dma_start3A_46] : memref<320x128xf32, #tpu.memory_space<vmem>> -> memref<64x128xf32, #tpu.memory_space<vmem>>
      %dma_start3A_48 = arith.constant 0 : i32
      %dma_start3A_49 = tpu.memref_slice %arg8[%dma_start3A_44, %dma_start3A_48] : memref<5x64xi32, #tpu.memory_space<vmem>> -> memref<1x64xi32, #tpu.memory_space<vmem>>
      %dma_start3A_50 = tpu.memref_squeeze %dma_start3A_49 : memref<1x64xi32, #tpu.memory_space<vmem>> -> memref<64xi32, #tpu.memory_space<vmem>>
      %dma_start3A_51 = arith.constant 0 : i32
      %dma_start3A_52 = arith.constant 0 : i32
      %dma_start3A_53 = tpu.memref_slice %arg2[%dma_start3A_51, %dma_start3A_52] : memref<16384x128xf32, #tpu.memory_space<hbm>> -> memref<16384x128xf32, #tpu.memory_space<hbm>>
      tpu.enqueue_indirect_dma source(%dma_start3A_53 : memref<16384x128xf32, #tpu.memory_space<hbm>>) target(%dma_start3A_47 : memref<64x128xf32, #tpu.memory_space<vmem>>) offsets(%dma_start3A_50 : memref<64xi32, #tpu.memory_space<vmem>>) semaphore(%arg13 : memref<!tpu.dma_semaphore, #tpu.memory_space<semaphore_mem>>)
      %dma_start3A_54 = arith.constant 2 : i32
      %dma_start3A_55 = arith.constant 128 : i32
      %dma_start3A_56 = arith.constant 0 : i32
      %dma_start3A_57 = tpu.memref_slice %arg9[%dma_start3A_55, %dma_start3A_56] : memref<320x128xf32, #tpu.memory_space<vmem>> -> memref<64x128xf32, #tpu.memory_space<vmem>>
      %dma_start3A_58 = arith.constant 0 : i32
      %dma_start3A_59 = tpu.memref_slice %arg7[%dma_start3A_54, %dma_start3A_58] : memref<5x64xi32, #tpu.memory_space<vmem>> -> memref<1x64xi32, #tpu.memory_space<vmem>>
      %dma_start3A_60 = tpu.memref_squeeze %dma_start3A_59 : memref<1x64xi32, #tpu.memory_space<vmem>> -> memref<64xi32, #tpu.memory_space<vmem>>
      %dma_start3A_61 = arith.constant 0 : i32
      %dma_start3A_62 = arith.constant 0 : i32
      %dma_start3A_63 = tpu.memref_slice %arg2[%dma_start3A_61, %dma_start3A_62] : memref<16384x128xf32, #tpu.memory_space<hbm>> -> memref<16384x128xf32, #tpu.memory_space<hbm>>
      tpu.enqueue_indirect_dma source(%dma_start3A_63 : memref<16384x128xf32, #tpu.memory_space<hbm>>) target(%dma_start3A_57 : memref<64x128xf32, #tpu.memory_space<vmem>>) offsets(%dma_start3A_60 : memref<64xi32, #tpu.memory_space<vmem>>) semaphore(%arg13 : memref<!tpu.dma_semaphore, #tpu.memory_space<semaphore_mem>>)
      %dma_start3A_64 = arith.constant 2 : i32
      %dma_start3A_65 = arith.constant 128 : i32
      %dma_start3A_66 = arith.constant 0 : i32
      %dma_start3A_67 = tpu.memref_slice %arg10[%dma_start3A_65, %dma_start3A_66] : memref<320x128xf32, #tpu.memory_space<vmem>> -> memref<64x128xf32, #tpu.memory_space<vmem>>
      %dma_start3A_68 = arith.constant 0 : i32
      %dma_start3A_69 = tpu.memref_slice %arg8[%dma_start3A_64, %dma_start3A_68] : memref<5x64xi32, #tpu.memory_space<vmem>> -> memref<1x64xi32, #tpu.memory_space<vmem>>
      %dma_start3A_70 = tpu.memref_squeeze %dma_start3A_69 : memref<1x64xi32, #tpu.memory_space<vmem>> -> memref<64xi32, #tpu.memory_space<vmem>>
      %dma_start3A_71 = arith.constant 0 : i32
      %dma_start3A_72 = arith.constant 0 : i32
      %dma_start3A_73 = tpu.memref_slice %arg2[%dma_start3A_71, %dma_start3A_72] : memref<16384x128xf32, #tpu.memory_space<hbm>> -> memref<16384x128xf32, #tpu.memory_space<hbm>>
      tpu.enqueue_indirect_dma source(%dma_start3A_73 : memref<16384x128xf32, #tpu.memory_space<hbm>>) target(%dma_start3A_67 : memref<64x128xf32, #tpu.memory_space<vmem>>) offsets(%dma_start3A_70 : memref<64xi32, #tpu.memory_space<vmem>>) semaphore(%arg13 : memref<!tpu.dma_semaphore, #tpu.memory_space<semaphore_mem>>)
      %dma_start3A_74 = arith.constant 3 : i32
      %dma_start3A_75 = arith.constant 192 : i32
      %dma_start3A_76 = arith.constant 0 : i32
      %dma_start3A_77 = tpu.memref_slice %arg9[%dma_start3A_75, %dma_start3A_76] : memref<320x128xf32, #tpu.memory_space<vmem>> -> memref<64x128xf32, #tpu.memory_space<vmem>>
      %dma_start3A_78 = arith.constant 0 : i32
      %dma_start3A_79 = tpu.memref_slice %arg7[%dma_start3A_74, %dma_start3A_78] : memref<5x64xi32, #tpu.memory_space<vmem>> -> memref<1x64xi32, #tpu.memory_space<vmem>>
      %dma_start3A_80 = tpu.memref_squeeze %dma_start3A_79 : memref<1x64xi32, #tpu.memory_space<vmem>> -> memref<64xi32, #tpu.memory_space<vmem>>
      %dma_start3A_81 = arith.constant 0 : i32
      %dma_start3A_82 = arith.constant 0 : i32
      %dma_start3A_83 = tpu.memref_slice %arg2[%dma_start3A_81, %dma_start3A_82] : memref<16384x128xf32, #tpu.memory_space<hbm>> -> memref<16384x128xf32, #tpu.memory_space<hbm>>
      tpu.enqueue_indirect_dma source(%dma_start3A_83 : memref<16384x128xf32, #tpu.memory_space<hbm>>) target(%dma_start3A_77 : memref<64x128xf32, #tpu.memory_space<vmem>>) offsets(%dma_start3A_80 : memref<64xi32, #tpu.memory_space<vmem>>) semaphore(%arg13 : memref<!tpu.dma_semaphore, #tpu.memory_space<semaphore_mem>>)
      %dma_start3A_84 = arith.constant 3 : i32
      %dma_start3A_85 = arith.constant 192 : i32
      %dma_start3A_86 = arith.constant 0 : i32
      %dma_start3A_87 = tpu.memref_slice %arg10[%dma_start3A_85, %dma_start3A_86] : memref<320x128xf32, #tpu.memory_space<vmem>> -> memref<64x128xf32, #tpu.memory_space<vmem>>
      %dma_start3A_88 = arith.constant 0 : i32
      %dma_start3A_89 = tpu.memref_slice %arg8[%dma_start3A_84, %dma_start3A_88] : memref<5x64xi32, #tpu.memory_space<vmem>> -> memref<1x64xi32, #tpu.memory_space<vmem>>
      %dma_start3A_90 = tpu.memref_squeeze %dma_start3A_89 : memref<1x64xi32, #tpu.memory_space<vmem>> -> memref<64xi32, #tpu.memory_space<vmem>>
      %dma_start3A_91 = arith.constant 0 : i32
      %dma_start3A_92 = arith.constant 0 : i32
      %dma_start3A_93 = tpu.memref_slice %arg2[%dma_start3A_91, %dma_start3A_92] : memref<16384x128xf32, #tpu.memory_space<hbm>> -> memref<16384x128xf32, #tpu.memory_space<hbm>>
      tpu.enqueue_indirect_dma source(%dma_start3A_93 : memref<16384x128xf32, #tpu.memory_space<hbm>>) target(%dma_start3A_87 : memref<64x128xf32, #tpu.memory_space<vmem>>) offsets(%dma_start3A_90 : memref<64xi32, #tpu.memory_space<vmem>>) semaphore(%arg13 : memref<!tpu.dma_semaphore, #tpu.memory_space<semaphore_mem>>)
      %dma_start3A_94 = arith.constant 4 : i32
      %dma_start3A_95 = arith.constant 256 : i32
      %dma_start3A_96 = arith.constant 0 : i32
      %dma_start3A_97 = tpu.memref_slice %arg9[%dma_start3A_95, %dma_start3A_96] : memref<320x128xf32, #tpu.memory_space<vmem>> -> memref<64x128xf32, #tpu.memory_space<vmem>>
      %dma_start3A_98 = arith.constant 0 : i32
      %dma_start3A_99 = tpu.memref_slice %arg7[%dma_start3A_94, %dma_start3A_98] : memref<5x64xi32, #tpu.memory_space<vmem>> -> memref<1x64xi32, #tpu.memory_space<vmem>>
      %dma_start3A_100 = tpu.memref_squeeze %dma_start3A_99 : memref<1x64xi32, #tpu.memory_space<vmem>> -> memref<64xi32, #tpu.memory_space<vmem>>
      %dma_start3A_101 = arith.constant 0 : i32
      %dma_start3A_102 = arith.constant 0 : i32
      %dma_start3A_103 = tpu.memref_slice %arg2[%dma_start3A_101, %dma_start3A_102] : memref<16384x128xf32, #tpu.memory_space<hbm>> -> memref<16384x128xf32, #tpu.memory_space<hbm>>
      tpu.enqueue_indirect_dma source(%dma_start3A_103 : memref<16384x128xf32, #tpu.memory_space<hbm>>) target(%dma_start3A_97 : memref<64x128xf32, #tpu.memory_space<vmem>>) offsets(%dma_start3A_100 : memref<64xi32, #tpu.memory_space<vmem>>) semaphore(%arg13 : memref<!tpu.dma_semaphore, #tpu.memory_space<semaphore_mem>>)
      %dma_start3A_104 = arith.constant 4 : i32
      %dma_start3A_105 = arith.constant 256 : i32
      %dma_start3A_106 = arith.constant 0 : i32
      %dma_start3A_107 = tpu.memref_slice %arg10[%dma_start3A_105, %dma_start3A_106] : memref<320x128xf32, #tpu.memory_space<vmem>> -> memref<64x128xf32, #tpu.memory_space<vmem>>
      %dma_start3A_108 = arith.constant 0 : i32
      %dma_start3A_109 = tpu.memref_slice %arg8[%dma_start3A_104, %dma_start3A_108] : memref<5x64xi32, #tpu.memory_space<vmem>> -> memref<1x64xi32, #tpu.memory_space<vmem>>
      %dma_start3A_110 = tpu.memref_squeeze %dma_start3A_109 : memref<1x64xi32, #tpu.memory_space<vmem>> -> memref<64xi32, #tpu.memory_space<vmem>>
      %dma_start3A_111 = arith.constant 0 : i32
      %dma_start3A_112 = arith.constant 0 : i32
      %dma_start3A_113 = tpu.memref_slice %arg2[%dma_start3A_111, %dma_start3A_112] : memref<16384x128xf32, #tpu.memory_space<hbm>> -> memref<16384x128xf32, #tpu.memory_space<hbm>>
      tpu.enqueue_indirect_dma source(%dma_start3A_113 : memref<16384x128xf32, #tpu.memory_space<hbm>>) target(%dma_start3A_107 : memref<64x128xf32, #tpu.memory_space<vmem>>) offsets(%dma_start3A_110 : memref<64xi32, #tpu.memory_space<vmem>>) semaphore(%arg13 : memref<!tpu.dma_semaphore, #tpu.memory_space<semaphore_mem>>)
      "tpu.region"() ({
        %run_scoped3A = tpu.sem_alloc : memref<!tpu.dma_semaphore, #tpu.memory_space<semaphore_mem>>
        %dma_start3A_219 = arith.constant 0 : i32
        %dma_start3A_220 = tpu.memref_slice %arg3[%add3A_11, %dma_start3A_219] : memref<16384x64xf32, #tpu.memory_space<hbm>> -> memref<16x64xf32, #tpu.memory_space<hbm>>
        %dma_start3A_221 = arith.constant 0 : i32
        %dma_start3A_222 = tpu.memref_slice %arg3[%add3A_11, %dma_start3A_221] : memref<16384x64xf32, #tpu.memory_space<hbm>> -> memref<16x64xf32, #tpu.memory_space<hbm>>
        tpu.enqueue_dma source(%dma_start3A_222 : memref<16x64xf32, #tpu.memory_space<hbm>>) target(%arg11 : memref<16x64xf32, #tpu.memory_space<vmem>>) target_semaphore(%run_scoped3A : memref<!tpu.dma_semaphore, #tpu.memory_space<semaphore_mem>>)
        %dma_wait3A_223 = arith.constant 0 : i32
        %dma_wait3A_224 = tpu.memref_slice %arg3[%add3A_11, %dma_wait3A_223] : memref<16384x64xf32, #tpu.memory_space<hbm>> -> memref<16x64xf32, #tpu.memory_space<hbm>>
        %dma_wait3A_225 = arith.constant 0 : i32
        %dma_wait3A_226 = tpu.memref_slice %arg3[%add3A_11, %dma_wait3A_225] : memref<16384x64xf32, #tpu.memory_space<hbm>> -> memref<16x64xf32, #tpu.memory_space<hbm>>
        tpu.wait_dma2 semaphore(%run_scoped3A : memref<!tpu.dma_semaphore, #tpu.memory_space<semaphore_mem>>) src(%dma_wait3A_226 : memref<16x64xf32, #tpu.memory_space<hbm>>) dst(%arg11 : memref<16x64xf32, #tpu.memory_space<vmem>>)
        tpu.yield
      }) : () -> ()
      %dma_wait3A = arith.constant 0 : i32
      %dma_wait3A_114 = arith.constant 0 : i32
      %dma_wait3A_115 = arith.constant 0 : i32
      %dma_wait3A_116 = tpu.memref_slice %arg9[%dma_wait3A_114, %dma_wait3A_115] : memref<320x128xf32, #tpu.memory_space<vmem>> -> memref<64x128xf32, #tpu.memory_space<vmem>>
      %dma_wait3A_117 = arith.constant 0 : i32
      %dma_wait3A_118 = tpu.memref_slice %arg7[%dma_wait3A, %dma_wait3A_117] : memref<5x64xi32, #tpu.memory_space<vmem>> -> memref<1x64xi32, #tpu.memory_space<vmem>>
      %dma_wait3A_119 = tpu.memref_squeeze %dma_wait3A_118 : memref<1x64xi32, #tpu.memory_space<vmem>> -> memref<64xi32, #tpu.memory_space<vmem>>
      %dma_wait3A_120 = arith.constant 0 : i32
      %dma_wait3A_121 = arith.constant 0 : i32
      %dma_wait3A_122 = tpu.memref_slice %arg2[%dma_wait3A_120, %dma_wait3A_121] : memref<16384x128xf32, #tpu.memory_space<hbm>> -> memref<16384x128xf32, #tpu.memory_space<hbm>>
      tpu.wait_indirect_dma semaphore(%arg13 : memref<!tpu.dma_semaphore, #tpu.memory_space<semaphore_mem>>) src(%dma_wait3A_122 : memref<16384x128xf32, #tpu.memory_space<hbm>>) dst(%dma_wait3A_116 : memref<64x128xf32, #tpu.memory_space<vmem>>)
      %dma_wait3A_123 = arith.constant 0 : i32
      %dma_wait3A_124 = arith.constant 0 : i32
      %dma_wait3A_125 = arith.constant 0 : i32
      %dma_wait3A_126 = tpu.memref_slice %arg10[%dma_wait3A_124, %dma_wait3A_125] : memref<320x128xf32, #tpu.memory_space<vmem>> -> memref<64x128xf32, #tpu.memory_space<vmem>>
      %dma_wait3A_127 = arith.constant 0 : i32
      %dma_wait3A_128 = tpu.memref_slice %arg8[%dma_wait3A_123, %dma_wait3A_127] : memref<5x64xi32, #tpu.memory_space<vmem>> -> memref<1x64xi32, #tpu.memory_space<vmem>>
      %dma_wait3A_129 = tpu.memref_squeeze %dma_wait3A_128 : memref<1x64xi32, #tpu.memory_space<vmem>> -> memref<64xi32, #tpu.memory_space<vmem>>
      %dma_wait3A_130 = arith.constant 0 : i32
      %dma_wait3A_131 = arith.constant 0 : i32
      %dma_wait3A_132 = tpu.memref_slice %arg2[%dma_wait3A_130, %dma_wait3A_131] : memref<16384x128xf32, #tpu.memory_space<hbm>> -> memref<16384x128xf32, #tpu.memory_space<hbm>>
      tpu.wait_indirect_dma semaphore(%arg13 : memref<!tpu.dma_semaphore, #tpu.memory_space<semaphore_mem>>) src(%dma_wait3A_132 : memref<16384x128xf32, #tpu.memory_space<hbm>>) dst(%dma_wait3A_126 : memref<64x128xf32, #tpu.memory_space<vmem>>)
      %dma_wait3A_133 = arith.constant 1 : i32
      %dma_wait3A_134 = arith.constant 64 : i32
      %dma_wait3A_135 = arith.constant 0 : i32
      %dma_wait3A_136 = tpu.memref_slice %arg9[%dma_wait3A_134, %dma_wait3A_135] : memref<320x128xf32, #tpu.memory_space<vmem>> -> memref<64x128xf32, #tpu.memory_space<vmem>>
      %dma_wait3A_137 = arith.constant 0 : i32
      %dma_wait3A_138 = tpu.memref_slice %arg7[%dma_wait3A_133, %dma_wait3A_137] : memref<5x64xi32, #tpu.memory_space<vmem>> -> memref<1x64xi32, #tpu.memory_space<vmem>>
      %dma_wait3A_139 = tpu.memref_squeeze %dma_wait3A_138 : memref<1x64xi32, #tpu.memory_space<vmem>> -> memref<64xi32, #tpu.memory_space<vmem>>
      %dma_wait3A_140 = arith.constant 0 : i32
      %dma_wait3A_141 = arith.constant 0 : i32
      %dma_wait3A_142 = tpu.memref_slice %arg2[%dma_wait3A_140, %dma_wait3A_141] : memref<16384x128xf32, #tpu.memory_space<hbm>> -> memref<16384x128xf32, #tpu.memory_space<hbm>>
      tpu.wait_indirect_dma semaphore(%arg13 : memref<!tpu.dma_semaphore, #tpu.memory_space<semaphore_mem>>) src(%dma_wait3A_142 : memref<16384x128xf32, #tpu.memory_space<hbm>>) dst(%dma_wait3A_136 : memref<64x128xf32, #tpu.memory_space<vmem>>)
      %dma_wait3A_143 = arith.constant 1 : i32
      %dma_wait3A_144 = arith.constant 64 : i32
      %dma_wait3A_145 = arith.constant 0 : i32
      %dma_wait3A_146 = tpu.memref_slice %arg10[%dma_wait3A_144, %dma_wait3A_145] : memref<320x128xf32, #tpu.memory_space<vmem>> -> memref<64x128xf32, #tpu.memory_space<vmem>>
      %dma_wait3A_147 = arith.constant 0 : i32
      %dma_wait3A_148 = tpu.memref_slice %arg8[%dma_wait3A_143, %dma_wait3A_147] : memref<5x64xi32, #tpu.memory_space<vmem>> -> memref<1x64xi32, #tpu.memory_space<vmem>>
      %dma_wait3A_149 = tpu.memref_squeeze %dma_wait3A_148 : memref<1x64xi32, #tpu.memory_space<vmem>> -> memref<64xi32, #tpu.memory_space<vmem>>
      %dma_wait3A_150 = arith.constant 0 : i32
      %dma_wait3A_151 = arith.constant 0 : i32
      %dma_wait3A_152 = tpu.memref_slice %arg2[%dma_wait3A_150, %dma_wait3A_151] : memref<16384x128xf32, #tpu.memory_space<hbm>> -> memref<16384x128xf32, #tpu.memory_space<hbm>>
      tpu.wait_indirect_dma semaphore(%arg13 : memref<!tpu.dma_semaphore, #tpu.memory_space<semaphore_mem>>) src(%dma_wait3A_152 : memref<16384x128xf32, #tpu.memory_space<hbm>>) dst(%dma_wait3A_146 : memref<64x128xf32, #tpu.memory_space<vmem>>)
      %dma_wait3A_153 = arith.constant 2 : i32
      %dma_wait3A_154 = arith.constant 128 : i32
      %dma_wait3A_155 = arith.constant 0 : i32
      %dma_wait3A_156 = tpu.memref_slice %arg9[%dma_wait3A_154, %dma_wait3A_155] : memref<320x128xf32, #tpu.memory_space<vmem>> -> memref<64x128xf32, #tpu.memory_space<vmem>>
      %dma_wait3A_157 = arith.constant 0 : i32
      %dma_wait3A_158 = tpu.memref_slice %arg7[%dma_wait3A_153, %dma_wait3A_157] : memref<5x64xi32, #tpu.memory_space<vmem>> -> memref<1x64xi32, #tpu.memory_space<vmem>>
      %dma_wait3A_159 = tpu.memref_squeeze %dma_wait3A_158 : memref<1x64xi32, #tpu.memory_space<vmem>> -> memref<64xi32, #tpu.memory_space<vmem>>
      %dma_wait3A_160 = arith.constant 0 : i32
      %dma_wait3A_161 = arith.constant 0 : i32
      %dma_wait3A_162 = tpu.memref_slice %arg2[%dma_wait3A_160, %dma_wait3A_161] : memref<16384x128xf32, #tpu.memory_space<hbm>> -> memref<16384x128xf32, #tpu.memory_space<hbm>>
      tpu.wait_indirect_dma semaphore(%arg13 : memref<!tpu.dma_semaphore, #tpu.memory_space<semaphore_mem>>) src(%dma_wait3A_162 : memref<16384x128xf32, #tpu.memory_space<hbm>>) dst(%dma_wait3A_156 : memref<64x128xf32, #tpu.memory_space<vmem>>)
      %dma_wait3A_163 = arith.constant 2 : i32
      %dma_wait3A_164 = arith.constant 128 : i32
      %dma_wait3A_165 = arith.constant 0 : i32
      %dma_wait3A_166 = tpu.memref_slice %arg10[%dma_wait3A_164, %dma_wait3A_165] : memref<320x128xf32, #tpu.memory_space<vmem>> -> memref<64x128xf32, #tpu.memory_space<vmem>>
      %dma_wait3A_167 = arith.constant 0 : i32
      %dma_wait3A_168 = tpu.memref_slice %arg8[%dma_wait3A_163, %dma_wait3A_167] : memref<5x64xi32, #tpu.memory_space<vmem>> -> memref<1x64xi32, #tpu.memory_space<vmem>>
      %dma_wait3A_169 = tpu.memref_squeeze %dma_wait3A_168 : memref<1x64xi32, #tpu.memory_space<vmem>> -> memref<64xi32, #tpu.memory_space<vmem>>
      %dma_wait3A_170 = arith.constant 0 : i32
      %dma_wait3A_171 = arith.constant 0 : i32
      %dma_wait3A_172 = tpu.memref_slice %arg2[%dma_wait3A_170, %dma_wait3A_171] : memref<16384x128xf32, #tpu.memory_space<hbm>> -> memref<16384x128xf32, #tpu.memory_space<hbm>>
      tpu.wait_indirect_dma semaphore(%arg13 : memref<!tpu.dma_semaphore, #tpu.memory_space<semaphore_mem>>) src(%dma_wait3A_172 : memref<16384x128xf32, #tpu.memory_space<hbm>>) dst(%dma_wait3A_166 : memref<64x128xf32, #tpu.memory_space<vmem>>)
      %dma_wait3A_173 = arith.constant 3 : i32
      %dma_wait3A_174 = arith.constant 192 : i32
      %dma_wait3A_175 = arith.constant 0 : i32
      %dma_wait3A_176 = tpu.memref_slice %arg9[%dma_wait3A_174, %dma_wait3A_175] : memref<320x128xf32, #tpu.memory_space<vmem>> -> memref<64x128xf32, #tpu.memory_space<vmem>>
      %dma_wait3A_177 = arith.constant 0 : i32
      %dma_wait3A_178 = tpu.memref_slice %arg7[%dma_wait3A_173, %dma_wait3A_177] : memref<5x64xi32, #tpu.memory_space<vmem>> -> memref<1x64xi32, #tpu.memory_space<vmem>>
      %dma_wait3A_179 = tpu.memref_squeeze %dma_wait3A_178 : memref<1x64xi32, #tpu.memory_space<vmem>> -> memref<64xi32, #tpu.memory_space<vmem>>
      %dma_wait3A_180 = arith.constant 0 : i32
      %dma_wait3A_181 = arith.constant 0 : i32
      %dma_wait3A_182 = tpu.memref_slice %arg2[%dma_wait3A_180, %dma_wait3A_181] : memref<16384x128xf32, #tpu.memory_space<hbm>> -> memref<16384x128xf32, #tpu.memory_space<hbm>>
      tpu.wait_indirect_dma semaphore(%arg13 : memref<!tpu.dma_semaphore, #tpu.memory_space<semaphore_mem>>) src(%dma_wait3A_182 : memref<16384x128xf32, #tpu.memory_space<hbm>>) dst(%dma_wait3A_176 : memref<64x128xf32, #tpu.memory_space<vmem>>)
      %dma_wait3A_183 = arith.constant 3 : i32
      %dma_wait3A_184 = arith.constant 192 : i32
      %dma_wait3A_185 = arith.constant 0 : i32
      %dma_wait3A_186 = tpu.memref_slice %arg10[%dma_wait3A_184, %dma_wait3A_185] : memref<320x128xf32, #tpu.memory_space<vmem>> -> memref<64x128xf32, #tpu.memory_space<vmem>>
      %dma_wait3A_187 = arith.constant 0 : i32
      %dma_wait3A_188 = tpu.memref_slice %arg8[%dma_wait3A_183, %dma_wait3A_187] : memref<5x64xi32, #tpu.memory_space<vmem>> -> memref<1x64xi32, #tpu.memory_space<vmem>>
      %dma_wait3A_189 = tpu.memref_squeeze %dma_wait3A_188 : memref<1x64xi32, #tpu.memory_space<vmem>> -> memref<64xi32, #tpu.memory_space<vmem>>
      %dma_wait3A_190 = arith.constant 0 : i32
      %dma_wait3A_191 = arith.constant 0 : i32
      %dma_wait3A_192 = tpu.memref_slice %arg2[%dma_wait3A_190, %dma_wait3A_191] : memref<16384x128xf32, #tpu.memory_space<hbm>> -> memref<16384x128xf32, #tpu.memory_space<hbm>>
      tpu.wait_indirect_dma semaphore(%arg13 : memref<!tpu.dma_semaphore, #tpu.memory_space<semaphore_mem>>) src(%dma_wait3A_192 : memref<16384x128xf32, #tpu.memory_space<hbm>>) dst(%dma_wait3A_186 : memref<64x128xf32, #tpu.memory_space<vmem>>)
      %dma_wait3A_193 = arith.constant 4 : i32
      %dma_wait3A_194 = arith.constant 256 : i32
      %dma_wait3A_195 = arith.constant 0 : i32
      %dma_wait3A_196 = tpu.memref_slice %arg9[%dma_wait3A_194, %dma_wait3A_195] : memref<320x128xf32, #tpu.memory_space<vmem>> -> memref<64x128xf32, #tpu.memory_space<vmem>>
      %dma_wait3A_197 = arith.constant 0 : i32
      %dma_wait3A_198 = tpu.memref_slice %arg7[%dma_wait3A_193, %dma_wait3A_197] : memref<5x64xi32, #tpu.memory_space<vmem>> -> memref<1x64xi32, #tpu.memory_space<vmem>>
      %dma_wait3A_199 = tpu.memref_squeeze %dma_wait3A_198 : memref<1x64xi32, #tpu.memory_space<vmem>> -> memref<64xi32, #tpu.memory_space<vmem>>
      %dma_wait3A_200 = arith.constant 0 : i32
      %dma_wait3A_201 = arith.constant 0 : i32
      %dma_wait3A_202 = tpu.memref_slice %arg2[%dma_wait3A_200, %dma_wait3A_201] : memref<16384x128xf32, #tpu.memory_space<hbm>> -> memref<16384x128xf32, #tpu.memory_space<hbm>>
      tpu.wait_indirect_dma semaphore(%arg13 : memref<!tpu.dma_semaphore, #tpu.memory_space<semaphore_mem>>) src(%dma_wait3A_202 : memref<16384x128xf32, #tpu.memory_space<hbm>>) dst(%dma_wait3A_196 : memref<64x128xf32, #tpu.memory_space<vmem>>)
      %dma_wait3A_203 = arith.constant 4 : i32
      %dma_wait3A_204 = arith.constant 256 : i32
      %dma_wait3A_205 = arith.constant 0 : i32
      %dma_wait3A_206 = tpu.memref_slice %arg10[%dma_wait3A_204, %dma_wait3A_205] : memref<320x128xf32, #tpu.memory_space<vmem>> -> memref<64x128xf32, #tpu.memory_space<vmem>>
      %dma_wait3A_207 = arith.constant 0 : i32
      %dma_wait3A_208 = tpu.memref_slice %arg8[%dma_wait3A_203, %dma_wait3A_207] : memref<5x64xi32, #tpu.memory_space<vmem>> -> memref<1x64xi32, #tpu.memory_space<vmem>>
      %dma_wait3A_209 = tpu.memref_squeeze %dma_wait3A_208 : memref<1x64xi32, #tpu.memory_space<vmem>> -> memref<64xi32, #tpu.memory_space<vmem>>
      %dma_wait3A_210 = arith.constant 0 : i32
      %dma_wait3A_211 = arith.constant 0 : i32
      %dma_wait3A_212 = tpu.memref_slice %arg2[%dma_wait3A_210, %dma_wait3A_211] : memref<16384x128xf32, #tpu.memory_space<hbm>> -> memref<16384x128xf32, #tpu.memory_space<hbm>>
      tpu.wait_indirect_dma semaphore(%arg13 : memref<!tpu.dma_semaphore, #tpu.memory_space<semaphore_mem>>) src(%dma_wait3A_212 : memref<16384x128xf32, #tpu.memory_space<hbm>>) dst(%dma_wait3A_206 : memref<64x128xf32, #tpu.memory_space<vmem>>)
      %scan3A_213 = arith.constant 0 : i32
      %scan3A_214 = arith.constant 0 : i32
      %scan3A_215 = arith.constant 16 : i32
      %scan3A_216 = arith.addi %scan3A_214, %scan3A_215 : i32
      %scan3A_217 = arith.constant 1 : i32
      scf.for %scan3A_219 = %scan3A_214 to %scan3A_216 step %scan3A_217  : i32 {
        %get3A = arith.index_cast %scan3A_219 : i32 to index
        %get3A_220 = arith.constant 0 : index
        %get3A_221 = tpu.vector_load %arg11[%get3A, %get3A_220] {strides = array<i32>} : memref<16x64xf32, #tpu.memory_space<vmem>>, vector<1x16xf32>,
        %get3A_222 = vector.shape_cast %get3A_221 : vector<1x16xf32> to vector<16xf32>
        %mul3A_223 = arith.constant 20 : i32
        %mul3A_224 = arith.muli %scan3A_219, %mul3A_223 : i32
        %get3A_225 = arith.index_cast %mul3A_224 : i32 to index
        %get3A_226 = arith.constant 0 : index
        %get3A_227 = tpu.vector_load %arg9[%get3A_225, %get3A_226] {strides = array<i32>} : memref<320x128xf32, #tpu.memory_space<vmem>>, vector<1x16xf32>,
        %get3A_228 = vector.shape_cast %get3A_227 : vector<1x16xf32> to vector<16xf32>
        %get3A_229 = arith.index_cast %mul3A_224 : i32 to index
        %get3A_230 = arith.constant 64 : index
        %get3A_231 = tpu.vector_load %arg10[%get3A_229, %get3A_230] {strides = array<i32>} : memref<320x128xf32, #tpu.memory_space<vmem>>, vector<1x16xf32>,
        %get3A_232 = vector.shape_cast %get3A_231 : vector<1x16xf32> to vector<16xf32>
        %add3A_233 = arith.addf %get3A_228, %get3A_232 : vector<16xf32>
        %add3A_234 = arith.addf %add3A_233, %get3A_222 : vector<16xf32>
        %mul3A_235 = arith.constant 2.000000e-01 : f32
        %mul3A_236 = vector.broadcast %mul3A_235 : f32 to vector<16xf32>
        %mul3A_237 = arith.mulf %add3A_234, %mul3A_236 : vector<16xf32>
        %max3A = arith.maximumf %add3A_234, %mul3A_237 : vector<16xf32>
        %add3A_238 = arith.constant 1 : i32
        %add3A_239 = arith.addi %mul3A_224, %add3A_238 : i32
        %get3A_240 = arith.index_cast %add3A_239 : i32 to index
        %get3A_241 = arith.constant 0 : index
        %get3A_242 = tpu.vector_load %arg9[%get3A_240, %get3A_241] {strides = array<i32>} : memref<320x128xf32, #tpu.memory_space<vmem>>, vector<1x16xf32>,
        %get3A_243 = vector.shape_cast %get3A_242 : vector<1x16xf32> to vector<16xf32>
        %add3A_244 = arith.constant 1 : i32
        %add3A_245 = arith.addi %mul3A_224, %add3A_244 : i32
        %get3A_246 = arith.index_cast %add3A_245 : i32 to index
        %get3A_247 = arith.constant 64 : index
        %get3A_248 = tpu.vector_load %arg10[%get3A_246, %get3A_247] {strides = array<i32>} : memref<320x128xf32, #tpu.memory_space<vmem>>, vector<1x16xf32>,
        %get3A_249 = vector.shape_cast %get3A_248 : vector<1x16xf32> to vector<16xf32>
        %add3A_250 = arith.addf %get3A_243, %get3A_249 : vector<16xf32>
        %add3A_251 = arith.addf %add3A_250, %get3A_222 : vector<16xf32>
        %mul3A_252 = arith.constant 2.000000e-01 : f32
        %mul3A_253 = vector.broadcast %mul3A_252 : f32 to vector<16xf32>
        %mul3A_254 = arith.mulf %add3A_251, %mul3A_253 : vector<16xf32>
        %max3A_255 = arith.maximumf %add3A_251, %mul3A_254 : vector<16xf32>
        %max3A_256 = arith.maximumf %max3A, %max3A_255 : vector<16xf32>
        %add3A_257 = arith.constant 2 : i32
        %add3A_258 = arith.addi %mul3A_224, %add3A_257 : i32
        %get3A_259 = arith.index_cast %add3A_258 : i32 to index
        %get3A_260 = arith.constant 0 : index
        %get3A_261 = tpu.vector_load %arg9[%get3A_259, %get3A_260] {strides = array<i32>} : memref<320x128xf32, #tpu.memory_space<vmem>>, vector<1x16xf32>,
        %get3A_262 = vector.shape_cast %get3A_261 : vector<1x16xf32> to vector<16xf32>
        %add3A_263 = arith.constant 2 : i32
        %add3A_264 = arith.addi %mul3A_224, %add3A_263 : i32
        %get3A_265 = arith.index_cast %add3A_264 : i32 to index
        %get3A_266 = arith.constant 64 : index
        %get3A_267 = tpu.vector_load %arg10[%get3A_265, %get3A_266] {strides = array<i32>} : memref<320x128xf32, #tpu.memory_space<vmem>>, vector<1x16xf32>,
        %get3A_268 = vector.shape_cast %get3A_267 : vector<1x16xf32> to vector<16xf32>
        %add3A_269 = arith.addf %get3A_262, %get3A_268 : vector<16xf32>
        %add3A_270 = arith.addf %add3A_269, %get3A_222 : vector<16xf32>
        %mul3A_271 = arith.constant 2.000000e-01 : f32
        %mul3A_272 = vector.broadcast %mul3A_271 : f32 to vector<16xf32>
        %mul3A_273 = arith.mulf %add3A_270, %mul3A_272 : vector<16xf32>
        %max3A_274 = arith.maximumf %add3A_270, %mul3A_273 : vector<16xf32>
        %max3A_275 = arith.maximumf %max3A_256, %max3A_274 : vector<16xf32>
        %add3A_276 = arith.constant 3 : i32
        %add3A_277 = arith.addi %mul3A_224, %add3A_276 : i32
        %get3A_278 = arith.index_cast %add3A_277 : i32 to index
        %get3A_279 = arith.constant 0 : index
        %get3A_280 = tpu.vector_load %arg9[%get3A_278, %get3A_279] {strides = array<i32>} : memref<320x128xf32, #tpu.memory_space<vmem>>, vector<1x16xf32>,
        %get3A_281 = vector.shape_cast %get3A_280 : vector<1x16xf32> to vector<16xf32>
        %add3A_282 = arith.constant 3 : i32
        %add3A_283 = arith.addi %mul3A_224, %add3A_282 : i32
        %get3A_284 = arith.index_cast %add3A_283 : i32 to index
        %get3A_285 = arith.constant 64 : index
        %get3A_286 = tpu.vector_load %arg10[%get3A_284, %get3A_285] {strides = array<i32>} : memref<320x128xf32, #tpu.memory_space<vmem>>, vector<1x16xf32>,
        %get3A_287 = vector.shape_cast %get3A_286 : vector<1x16xf32> to vector<16xf32>
        %add3A_288 = arith.addf %get3A_281, %get3A_287 : vector<16xf32>
        %add3A_289 = arith.addf %add3A_288, %get3A_222 : vector<16xf32>
        %mul3A_290 = arith.constant 2.000000e-01 : f32
        %mul3A_291 = vector.broadcast %mul3A_290 : f32 to vector<16xf32>
        %mul3A_292 = arith.mulf %add3A_289, %mul3A_291 : vector<16xf32>
        %max3A_293 = arith.maximumf %add3A_289, %mul3A_292 : vector<16xf32>
        %max3A_294 = arith.maximumf %max3A_275, %max3A_293 : vector<16xf32>
        %add3A_295 = arith.constant 4 : i32
        %add3A_296 = arith.addi %mul3A_224, %add3A_295 : i32
        %get3A_297 = arith.index_cast %add3A_296 : i32 to index
        %get3A_298 = arith.constant 0 : index
        %get3A_299 = tpu.vector_load %arg9[%get3A_297, %get3A_298] {strides = array<i32>} : memref<320x128xf32, #tpu.memory_space<vmem>>, vector<1x16xf32>,
        %get3A_300 = vector.shape_cast %get3A_299 : vector<1x16xf32> to vector<16xf32>
        %add3A_301 = arith.constant 4 : i32
        %add3A_302 = arith.addi %mul3A_224, %add3A_301 : i32
        %get3A_303 = arith.index_cast %add3A_302 : i32 to index
        %get3A_304 = arith.constant 64 : index
        %get3A_305 = tpu.vector_load %arg10[%get3A_303, %get3A_304] {strides = array<i32>} : memref<320x128xf32, #tpu.memory_space<vmem>>, vector<1x16xf32>,
        %get3A_306 = vector.shape_cast %get3A_305 : vector<1x16xf32> to vector<16xf32>
        %add3A_307 = arith.addf %get3A_300, %get3A_306 : vector<16xf32>
        %add3A_308 = arith.addf %add3A_307, %get3A_222 : vector<16xf32>
        %mul3A_309 = arith.constant 2.000000e-01 : f32
        %mul3A_310 = vector.broadcast %mul3A_309 : f32 to vector<16xf32>
        %mul3A_311 = arith.mulf %add3A_308, %mul3A_310 : vector<16xf32>
        %max3A_312 = arith.maximumf %add3A_308, %mul3A_311 : vector<16xf32>
        %max3A_313 = arith.maximumf %max3A_294, %max3A_312 : vector<16xf32>
        %add3A_314 = arith.constant 5 : i32
        %add3A_315 = arith.addi %mul3A_224, %add3A_314 : i32
        %get3A_316 = arith.index_cast %add3A_315 : i32 to index
        %get3A_317 = arith.constant 0 : index
        %get3A_318 = tpu.vector_load %arg9[%get3A_316, %get3A_317] {strides = array<i32>} : memref<320x128xf32, #tpu.memory_space<vmem>>, vector<1x16xf32>,
        %get3A_319 = vector.shape_cast %get3A_318 : vector<1x16xf32> to vector<16xf32>
        %add3A_320 = arith.constant 5 : i32
        %add3A_321 = arith.addi %mul3A_224, %add3A_320 : i32
        %get3A_322 = arith.index_cast %add3A_321 : i32 to index
        %get3A_323 = arith.constant 64 : index
        %get3A_324 = tpu.vector_load %arg10[%get3A_322, %get3A_323] {strides = array<i32>} : memref<320x128xf32, #tpu.memory_space<vmem>>, vector<1x16xf32>,
        %get3A_325 = vector.shape_cast %get3A_324 : vector<1x16xf32> to vector<16xf32>
        %add3A_326 = arith.addf %get3A_319, %get3A_325 : vector<16xf32>
        %add3A_327 = arith.addf %add3A_326, %get3A_222 : vector<16xf32>
        %mul3A_328 = arith.constant 2.000000e-01 : f32
        %mul3A_329 = vector.broadcast %mul3A_328 : f32 to vector<16xf32>
        %mul3A_330 = arith.mulf %add3A_327, %mul3A_329 : vector<16xf32>
        %max3A_331 = arith.maximumf %add3A_327, %mul3A_330 : vector<16xf32>
        %max3A_332 = arith.maximumf %max3A_313, %max3A_331 : vector<16xf32>
        %add3A_333 = arith.constant 6 : i32
        %add3A_334 = arith.addi %mul3A_224, %add3A_333 : i32
        %get3A_335 = arith.index_cast %add3A_334 : i32 to index
        %get3A_336 = arith.constant 0 : index
        %get3A_337 = tpu.vector_load %arg9[%get3A_335, %get3A_336] {strides = array<i32>} : memref<320x128xf32, #tpu.memory_space<vmem>>, vector<1x16xf32>,
        %get3A_338 = vector.shape_cast %get3A_337 : vector<1x16xf32> to vector<16xf32>
        %add3A_339 = arith.constant 6 : i32
        %add3A_340 = arith.addi %mul3A_224, %add3A_339 : i32
        %get3A_341 = arith.index_cast %add3A_340 : i32 to index
        %get3A_342 = arith.constant 64 : index
        %get3A_343 = tpu.vector_load %arg10[%get3A_341, %get3A_342] {strides = array<i32>} : memref<320x128xf32, #tpu.memory_space<vmem>>, vector<1x16xf32>,
        %get3A_344 = vector.shape_cast %get3A_343 : vector<1x16xf32> to vector<16xf32>
        %add3A_345 = arith.addf %get3A_338, %get3A_344 : vector<16xf32>
        %add3A_346 = arith.addf %add3A_345, %get3A_222 : vector<16xf32>
        %mul3A_347 = arith.constant 2.000000e-01 : f32
        %mul3A_348 = vector.broadcast %mul3A_347 : f32 to vector<16xf32>
        %mul3A_349 = arith.mulf %add3A_346, %mul3A_348 : vector<16xf32>
        %max3A_350 = arith.maximumf %add3A_346, %mul3A_349 : vector<16xf32>
        %max3A_351 = arith.maximumf %max3A_332, %max3A_350 : vector<16xf32>
        %add3A_352 = arith.constant 7 : i32
        %add3A_353 = arith.addi %mul3A_224, %add3A_352 : i32
        %get3A_354 = arith.index_cast %add3A_353 : i32 to index
        %get3A_355 = arith.constant 0 : index
        %get3A_356 = tpu.vector_load %arg9[%get3A_354, %get3A_355] {strides = array<i32>} : memref<320x128xf32, #tpu.memory_space<vmem>>, vector<1x16xf32>,
        %get3A_357 = vector.shape_cast %get3A_356 : vector<1x16xf32> to vector<16xf32>
        %add3A_358 = arith.constant 7 : i32
        %add3A_359 = arith.addi %mul3A_224, %add3A_358 : i32
        %get3A_360 = arith.index_cast %add3A_359 : i32 to index
        %get3A_361 = arith.constant 64 : index
        %get3A_362 = tpu.vector_load %arg10[%get3A_360, %get3A_361] {strides = array<i32>} : memref<320x128xf32, #tpu.memory_space<vmem>>, vector<1x16xf32>,
        %get3A_363 = vector.shape_cast %get3A_362 : vector<1x16xf32> to vector<16xf32>
        %add3A_364 = arith.addf %get3A_357, %get3A_363 : vector<16xf32>
        %add3A_365 = arith.addf %add3A_364, %get3A_222 : vector<16xf32>
        %mul3A_366 = arith.constant 2.000000e-01 : f32
        %mul3A_367 = vector.broadcast %mul3A_366 : f32 to vector<16xf32>
        %mul3A_368 = arith.mulf %add3A_365, %mul3A_367 : vector<16xf32>
        %max3A_369 = arith.maximumf %add3A_365, %mul3A_368 : vector<16xf32>
        %max3A_370 = arith.maximumf %max3A_351, %max3A_369 : vector<16xf32>
        %add3A_371 = arith.constant 8 : i32
        %add3A_372 = arith.addi %mul3A_224, %add3A_371 : i32
        %get3A_373 = arith.index_cast %add3A_372 : i32 to index
        %get3A_374 = arith.constant 0 : index
        %get3A_375 = tpu.vector_load %arg9[%get3A_373, %get3A_374] {strides = array<i32>} : memref<320x128xf32, #tpu.memory_space<vmem>>, vector<1x16xf32>,
        %get3A_376 = vector.shape_cast %get3A_375 : vector<1x16xf32> to vector<16xf32>
        %add3A_377 = arith.constant 8 : i32
        %add3A_378 = arith.addi %mul3A_224, %add3A_377 : i32
        %get3A_379 = arith.index_cast %add3A_378 : i32 to index
        %get3A_380 = arith.constant 64 : index
        %get3A_381 = tpu.vector_load %arg10[%get3A_379, %get3A_380] {strides = array<i32>} : memref<320x128xf32, #tpu.memory_space<vmem>>, vector<1x16xf32>,
        %get3A_382 = vector.shape_cast %get3A_381 : vector<1x16xf32> to vector<16xf32>
        %add3A_383 = arith.addf %get3A_376, %get3A_382 : vector<16xf32>
        %add3A_384 = arith.addf %add3A_383, %get3A_222 : vector<16xf32>
        %mul3A_385 = arith.constant 2.000000e-01 : f32
        %mul3A_386 = vector.broadcast %mul3A_385 : f32 to vector<16xf32>
        %mul3A_387 = arith.mulf %add3A_384, %mul3A_386 : vector<16xf32>
        %max3A_388 = arith.maximumf %add3A_384, %mul3A_387 : vector<16xf32>
        %max3A_389 = arith.maximumf %max3A_370, %max3A_388 : vector<16xf32>
        %add3A_390 = arith.constant 9 : i32
        %add3A_391 = arith.addi %mul3A_224, %add3A_390 : i32
        %get3A_392 = arith.index_cast %add3A_391 : i32 to index
        %get3A_393 = arith.constant 0 : index
        %get3A_394 = tpu.vector_load %arg9[%get3A_392, %get3A_393] {strides = array<i32>} : memref<320x128xf32, #tpu.memory_space<vmem>>, vector<1x16xf32>,
        %get3A_395 = vector.shape_cast %get3A_394 : vector<1x16xf32> to vector<16xf32>
        %add3A_396 = arith.constant 9 : i32
        %add3A_397 = arith.addi %mul3A_224, %add3A_396 : i32
        %get3A_398 = arith.index_cast %add3A_397 : i32 to index
        %get3A_399 = arith.constant 64 : index
        %get3A_400 = tpu.vector_load %arg10[%get3A_398, %get3A_399] {strides = array<i32>} : memref<320x128xf32, #tpu.memory_space<vmem>>, vector<1x16xf32>,
        %get3A_401 = vector.shape_cast %get3A_400 : vector<1x16xf32> to vector<16xf32>
        %add3A_402 = arith.addf %get3A_395, %get3A_401 : vector<16xf32>
        %add3A_403 = arith.addf %add3A_402, %get3A_222 : vector<16xf32>
        %mul3A_404 = arith.constant 2.000000e-01 : f32
        %mul3A_405 = vector.broadcast %mul3A_404 : f32 to vector<16xf32>
        %mul3A_406 = arith.mulf %add3A_403, %mul3A_405 : vector<16xf32>
        %max3A_407 = arith.maximumf %add3A_403, %mul3A_406 : vector<16xf32>
        %max3A_408 = arith.maximumf %max3A_389, %max3A_407 : vector<16xf32>
        %add3A_409 = arith.constant 10 : i32
        %add3A_410 = arith.addi %mul3A_224, %add3A_409 : i32
        %get3A_411 = arith.index_cast %add3A_410 : i32 to index
        %get3A_412 = arith.constant 0 : index
        %get3A_413 = tpu.vector_load %arg9[%get3A_411, %get3A_412] {strides = array<i32>} : memref<320x128xf32, #tpu.memory_space<vmem>>, vector<1x16xf32>,
        %get3A_414 = vector.shape_cast %get3A_413 : vector<1x16xf32> to vector<16xf32>
        %add3A_415 = arith.constant 10 : i32
        %add3A_416 = arith.addi %mul3A_224, %add3A_415 : i32
        %get3A_417 = arith.index_cast %add3A_416 : i32 to index
        %get3A_418 = arith.constant 64 : index
        %get3A_419 = tpu.vector_load %arg10[%get3A_417, %get3A_418] {strides = array<i32>} : memref<320x128xf32, #tpu.memory_space<vmem>>, vector<1x16xf32>,
        %get3A_420 = vector.shape_cast %get3A_419 : vector<1x16xf32> to vector<16xf32>
        %add3A_421 = arith.addf %get3A_414, %get3A_420 : vector<16xf32>
        %add3A_422 = arith.addf %add3A_421, %get3A_222 : vector<16xf32>
        %mul3A_423 = arith.constant 2.000000e-01 : f32
        %mul3A_424 = vector.broadcast %mul3A_423 : f32 to vector<16xf32>
        %mul3A_425 = arith.mulf %add3A_422, %mul3A_424 : vector<16xf32>
        %max3A_426 = arith.maximumf %add3A_422, %mul3A_425 : vector<16xf32>
        %max3A_427 = arith.maximumf %max3A_408, %max3A_426 : vector<16xf32>
        %add3A_428 = arith.constant 11 : i32
        %add3A_429 = arith.addi %mul3A_224, %add3A_428 : i32
        %get3A_430 = arith.index_cast %add3A_429 : i32 to index
        %get3A_431 = arith.constant 0 : index
        %get3A_432 = tpu.vector_load %arg9[%get3A_430, %get3A_431] {strides = array<i32>} : memref<320x128xf32, #tpu.memory_space<vmem>>, vector<1x16xf32>,
        %get3A_433 = vector.shape_cast %get3A_432 : vector<1x16xf32> to vector<16xf32>
        %add3A_434 = arith.constant 11 : i32
        %add3A_435 = arith.addi %mul3A_224, %add3A_434 : i32
        %get3A_436 = arith.index_cast %add3A_435 : i32 to index
        %get3A_437 = arith.constant 64 : index
        %get3A_438 = tpu.vector_load %arg10[%get3A_436, %get3A_437] {strides = array<i32>} : memref<320x128xf32, #tpu.memory_space<vmem>>, vector<1x16xf32>,
        %get3A_439 = vector.shape_cast %get3A_438 : vector<1x16xf32> to vector<16xf32>
        %add3A_440 = arith.addf %get3A_433, %get3A_439 : vector<16xf32>
        %add3A_441 = arith.addf %add3A_440, %get3A_222 : vector<16xf32>
        %mul3A_442 = arith.constant 2.000000e-01 : f32
        %mul3A_443 = vector.broadcast %mul3A_442 : f32 to vector<16xf32>
        %mul3A_444 = arith.mulf %add3A_441, %mul3A_443 : vector<16xf32>
        %max3A_445 = arith.maximumf %add3A_441, %mul3A_444 : vector<16xf32>
        %max3A_446 = arith.maximumf %max3A_427, %max3A_445 : vector<16xf32>
        %add3A_447 = arith.constant 12 : i32
        %add3A_448 = arith.addi %mul3A_224, %add3A_447 : i32
        %get3A_449 = arith.index_cast %add3A_448 : i32 to index
        %get3A_450 = arith.constant 0 : index
        %get3A_451 = tpu.vector_load %arg9[%get3A_449, %get3A_450] {strides = array<i32>} : memref<320x128xf32, #tpu.memory_space<vmem>>, vector<1x16xf32>,
        %get3A_452 = vector.shape_cast %get3A_451 : vector<1x16xf32> to vector<16xf32>
        %add3A_453 = arith.constant 12 : i32
        %add3A_454 = arith.addi %mul3A_224, %add3A_453 : i32
        %get3A_455 = arith.index_cast %add3A_454 : i32 to index
        %get3A_456 = arith.constant 64 : index
        %get3A_457 = tpu.vector_load %arg10[%get3A_455, %get3A_456] {strides = array<i32>} : memref<320x128xf32, #tpu.memory_space<vmem>>, vector<1x16xf32>,
        %get3A_458 = vector.shape_cast %get3A_457 : vector<1x16xf32> to vector<16xf32>
        %add3A_459 = arith.addf %get3A_452, %get3A_458 : vector<16xf32>
        %add3A_460 = arith.addf %add3A_459, %get3A_222 : vector<16xf32>
        %mul3A_461 = arith.constant 2.000000e-01 : f32
        %mul3A_462 = vector.broadcast %mul3A_461 : f32 to vector<16xf32>
        %mul3A_463 = arith.mulf %add3A_460, %mul3A_462 : vector<16xf32>
        %max3A_464 = arith.maximumf %add3A_460, %mul3A_463 : vector<16xf32>
        %max3A_465 = arith.maximumf %max3A_446, %max3A_464 : vector<16xf32>
        %add3A_466 = arith.constant 13 : i32
        %add3A_467 = arith.addi %mul3A_224, %add3A_466 : i32
        %get3A_468 = arith.index_cast %add3A_467 : i32 to index
        %get3A_469 = arith.constant 0 : index
        %get3A_470 = tpu.vector_load %arg9[%get3A_468, %get3A_469] {strides = array<i32>} : memref<320x128xf32, #tpu.memory_space<vmem>>, vector<1x16xf32>,
        %get3A_471 = vector.shape_cast %get3A_470 : vector<1x16xf32> to vector<16xf32>
        %add3A_472 = arith.constant 13 : i32
        %add3A_473 = arith.addi %mul3A_224, %add3A_472 : i32
        %get3A_474 = arith.index_cast %add3A_473 : i32 to index
        %get3A_475 = arith.constant 64 : index
        %get3A_476 = tpu.vector_load %arg10[%get3A_474, %get3A_475] {strides = array<i32>} : memref<320x128xf32, #tpu.memory_space<vmem>>, vector<1x16xf32>,
        %get3A_477 = vector.shape_cast %get3A_476 : vector<1x16xf32> to vector<16xf32>
        %add3A_478 = arith.addf %get3A_471, %get3A_477 : vector<16xf32>
        %add3A_479 = arith.addf %add3A_478, %get3A_222 : vector<16xf32>
        %mul3A_480 = arith.constant 2.000000e-01 : f32
        %mul3A_481 = vector.broadcast %mul3A_480 : f32 to vector<16xf32>
        %mul3A_482 = arith.mulf %add3A_479, %mul3A_481 : vector<16xf32>
        %max3A_483 = arith.maximumf %add3A_479, %mul3A_482 : vector<16xf32>
        %max3A_484 = arith.maximumf %max3A_465, %max3A_483 : vector<16xf32>
        %add3A_485 = arith.constant 14 : i32
        %add3A_486 = arith.addi %mul3A_224, %add3A_485 : i32
        %get3A_487 = arith.index_cast %add3A_486 : i32 to index
        %get3A_488 = arith.constant 0 : index
        %get3A_489 = tpu.vector_load %arg9[%get3A_487, %get3A_488] {strides = array<i32>} : memref<320x128xf32, #tpu.memory_space<vmem>>, vector<1x16xf32>,
        %get3A_490 = vector.shape_cast %get3A_489 : vector<1x16xf32> to vector<16xf32>
        %add3A_491 = arith.constant 14 : i32
        %add3A_492 = arith.addi %mul3A_224, %add3A_491 : i32
        %get3A_493 = arith.index_cast %add3A_492 : i32 to index
        %get3A_494 = arith.constant 64 : index
        %get3A_495 = tpu.vector_load %arg10[%get3A_493, %get3A_494] {strides = array<i32>} : memref<320x128xf32, #tpu.memory_space<vmem>>, vector<1x16xf32>,
        %get3A_496 = vector.shape_cast %get3A_495 : vector<1x16xf32> to vector<16xf32>
        %add3A_497 = arith.addf %get3A_490, %get3A_496 : vector<16xf32>
        %add3A_498 = arith.addf %add3A_497, %get3A_222 : vector<16xf32>
        %mul3A_499 = arith.constant 2.000000e-01 : f32
        %mul3A_500 = vector.broadcast %mul3A_499 : f32 to vector<16xf32>
        %mul3A_501 = arith.mulf %add3A_498, %mul3A_500 : vector<16xf32>
        %max3A_502 = arith.maximumf %add3A_498, %mul3A_501 : vector<16xf32>
        %max3A_503 = arith.maximumf %max3A_484, %max3A_502 : vector<16xf32>
        %add3A_504 = arith.constant 15 : i32
        %add3A_505 = arith.addi %mul3A_224, %add3A_504 : i32
        %get3A_506 = arith.index_cast %add3A_505 : i32 to index
        %get3A_507 = arith.constant 0 : index
        %get3A_508 = tpu.vector_load %arg9[%get3A_506, %get3A_507] {strides = array<i32>} : memref<320x128xf32, #tpu.memory_space<vmem>>, vector<1x16xf32>,
        %get3A_509 = vector.shape_cast %get3A_508 : vector<1x16xf32> to vector<16xf32>
        %add3A_510 = arith.constant 15 : i32
        %add3A_511 = arith.addi %mul3A_224, %add3A_510 : i32
        %get3A_512 = arith.index_cast %add3A_511 : i32 to index
        %get3A_513 = arith.constant 64 : index
        %get3A_514 = tpu.vector_load %arg10[%get3A_512, %get3A_513] {strides = array<i32>} : memref<320x128xf32, #tpu.memory_space<vmem>>, vector<1x16xf32>,
        %get3A_515 = vector.shape_cast %get3A_514 : vector<1x16xf32> to vector<16xf32>
        %add3A_516 = arith.addf %get3A_509, %get3A_515 : vector<16xf32>
        %add3A_517 = arith.addf %add3A_516, %get3A_222 : vector<16xf32>
        %mul3A_518 = arith.constant 2.000000e-01 : f32
        %mul3A_519 = vector.broadcast %mul3A_518 : f32 to vector<16xf32>
        %mul3A_520 = arith.mulf %add3A_517, %mul3A_519 : vector<16xf32>
        %max3A_521 = arith.maximumf %add3A_517, %mul3A_520 : vector<16xf32>
        %max3A_522 = arith.maximumf %max3A_503, %max3A_521 : vector<16xf32>
        %add3A_523 = arith.constant 16 : i32
        %add3A_524 = arith.addi %mul3A_224, %add3A_523 : i32
        %get3A_525 = arith.index_cast %add3A_524 : i32 to index
        %get3A_526 = arith.constant 0 : index
        %get3A_527 = tpu.vector_load %arg9[%get3A_525, %get3A_526] {strides = array<i32>} : memref<320x128xf32, #tpu.memory_space<vmem>>, vector<1x16xf32>,
        %get3A_528 = vector.shape_cast %get3A_527 : vector<1x16xf32> to vector<16xf32>
        %add3A_529 = arith.constant 16 : i32
        %add3A_530 = arith.addi %mul3A_224, %add3A_529 : i32
        %get3A_531 = arith.index_cast %add3A_530 : i32 to index
        %get3A_532 = arith.constant 64 : index
        %get3A_533 = tpu.vector_load %arg10[%get3A_531, %get3A_532] {strides = array<i32>} : memref<320x128xf32, #tpu.memory_space<vmem>>, vector<1x16xf32>,
        %get3A_534 = vector.shape_cast %get3A_533 : vector<1x16xf32> to vector<16xf32>
        %add3A_535 = arith.addf %get3A_528, %get3A_534 : vector<16xf32>
        %add3A_536 = arith.addf %add3A_535, %get3A_222 : vector<16xf32>
        %mul3A_537 = arith.constant 2.000000e-01 : f32
        %mul3A_538 = vector.broadcast %mul3A_537 : f32 to vector<16xf32>
        %mul3A_539 = arith.mulf %add3A_536, %mul3A_538 : vector<16xf32>
        %max3A_540 = arith.maximumf %add3A_536, %mul3A_539 : vector<16xf32>
        %max3A_541 = arith.maximumf %max3A_522, %max3A_540 : vector<16xf32>
        %add3A_542 = arith.constant 17 : i32
        %add3A_543 = arith.addi %mul3A_224, %add3A_542 : i32
        %get3A_544 = arith.index_cast %add3A_543 : i32 to index
        %get3A_545 = arith.constant 0 : index
        %get3A_546 = tpu.vector_load %arg9[%get3A_544, %get3A_545] {strides = array<i32>} : memref<320x128xf32, #tpu.memory_space<vmem>>, vector<1x16xf32>,
        %get3A_547 = vector.shape_cast %get3A_546 : vector<1x16xf32> to vector<16xf32>
        %add3A_548 = arith.constant 17 : i32
        %add3A_549 = arith.addi %mul3A_224, %add3A_548 : i32
        %get3A_550 = arith.index_cast %add3A_549 : i32 to index
        %get3A_551 = arith.constant 64 : index
        %get3A_552 = tpu.vector_load %arg10[%get3A_550, %get3A_551] {strides = array<i32>} : memref<320x128xf32, #tpu.memory_space<vmem>>, vector<1x16xf32>,
        %get3A_553 = vector.shape_cast %get3A_552 : vector<1x16xf32> to vector<16xf32>
        %add3A_554 = arith.addf %get3A_547, %get3A_553 : vector<16xf32>
        %add3A_555 = arith.addf %add3A_554, %get3A_222 : vector<16xf32>
        %mul3A_556 = arith.constant 2.000000e-01 : f32
        %mul3A_557 = vector.broadcast %mul3A_556 : f32 to vector<16xf32>
        %mul3A_558 = arith.mulf %add3A_555, %mul3A_557 : vector<16xf32>
        %max3A_559 = arith.maximumf %add3A_555, %mul3A_558 : vector<16xf32>
        %max3A_560 = arith.maximumf %max3A_541, %max3A_559 : vector<16xf32>
        %add3A_561 = arith.constant 18 : i32
        %add3A_562 = arith.addi %mul3A_224, %add3A_561 : i32
        %get3A_563 = arith.index_cast %add3A_562 : i32 to index
        %get3A_564 = arith.constant 0 : index
        %get3A_565 = tpu.vector_load %arg9[%get3A_563, %get3A_564] {strides = array<i32>} : memref<320x128xf32, #tpu.memory_space<vmem>>, vector<1x16xf32>,
        %get3A_566 = vector.shape_cast %get3A_565 : vector<1x16xf32> to vector<16xf32>
        %add3A_567 = arith.constant 18 : i32
        %add3A_568 = arith.addi %mul3A_224, %add3A_567 : i32
        %get3A_569 = arith.index_cast %add3A_568 : i32 to index
        %get3A_570 = arith.constant 64 : index
        %get3A_571 = tpu.vector_load %arg10[%get3A_569, %get3A_570] {strides = array<i32>} : memref<320x128xf32, #tpu.memory_space<vmem>>, vector<1x16xf32>,
        %get3A_572 = vector.shape_cast %get3A_571 : vector<1x16xf32> to vector<16xf32>
        %add3A_573 = arith.addf %get3A_566, %get3A_572 : vector<16xf32>
        %add3A_574 = arith.addf %add3A_573, %get3A_222 : vector<16xf32>
        %mul3A_575 = arith.constant 2.000000e-01 : f32
        %mul3A_576 = vector.broadcast %mul3A_575 : f32 to vector<16xf32>
        %mul3A_577 = arith.mulf %add3A_574, %mul3A_576 : vector<16xf32>
        %max3A_578 = arith.maximumf %add3A_574, %mul3A_577 : vector<16xf32>
        %max3A_579 = arith.maximumf %max3A_560, %max3A_578 : vector<16xf32>
        %add3A_580 = arith.constant 19 : i32
        %add3A_581 = arith.addi %mul3A_224, %add3A_580 : i32
        %get3A_582 = arith.index_cast %add3A_581 : i32 to index
        %get3A_583 = arith.constant 0 : index
        %get3A_584 = tpu.vector_load %arg9[%get3A_582, %get3A_583] {strides = array<i32>} : memref<320x128xf32, #tpu.memory_space<vmem>>, vector<1x16xf32>,
        %get3A_585 = vector.shape_cast %get3A_584 : vector<1x16xf32> to vector<16xf32>
        %add3A_586 = arith.constant 19 : i32
        %add3A_587 = arith.addi %mul3A_224, %add3A_586 : i32
        %get3A_588 = arith.index_cast %add3A_587 : i32 to index
        %get3A_589 = arith.constant 64 : index
        %get3A_590 = tpu.vector_load %arg10[%get3A_588, %get3A_589] {strides = array<i32>} : memref<320x128xf32, #tpu.memory_space<vmem>>, vector<1x16xf32>,
        %get3A_591 = vector.shape_cast %get3A_590 : vector<1x16xf32> to vector<16xf32>
        %add3A_592 = arith.addf %get3A_585, %get3A_591 : vector<16xf32>
        %add3A_593 = arith.addf %add3A_592, %get3A_222 : vector<16xf32>
        %mul3A_594 = arith.constant 2.000000e-01 : f32
        %mul3A_595 = vector.broadcast %mul3A_594 : f32 to vector<16xf32>
        %mul3A_596 = arith.mulf %add3A_593, %mul3A_595 : vector<16xf32>
        %max3A_597 = arith.maximumf %add3A_593, %mul3A_596 : vector<16xf32>
        %max3A_598 = arith.maximumf %max3A_579, %max3A_597 : vector<16xf32>
        %swap3A = arith.index_cast %scan3A_219 : i32 to index
        %swap3A_599 = arith.constant 0 : index
        %swap3A_600 = tpu.vector_load %arg12[%swap3A, %swap3A_599] {strides = array<i32>} : memref<16x64xf32, #tpu.memory_space<vmem>>, vector<1x16xf32>,
        %swap3A_601 = vector.shape_cast %swap3A_600 : vector<1x16xf32> to vector<16xf32>
        %swap3A_602 = vector.shape_cast %max3A_598 : vector<16xf32> to vector<1x16xf32>
        tpu.vector_store %arg12[%swap3A, %swap3A_599], %swap3A_602 {strides = array<i32>} : memref<16x64xf32, #tpu.memory_space<vmem>>, vector<1x16xf32>,
        %get3A_603 = arith.index_cast %scan3A_219 : i32 to index
        %get3A_604 = arith.constant 16 : index
        %get3A_605 = tpu.vector_load %arg11[%get3A_603, %get3A_604] {strides = array<i32>} : memref<16x64xf32, #tpu.memory_space<vmem>>, vector<1x16xf32>,
        %get3A_606 = vector.shape_cast %get3A_605 : vector<1x16xf32> to vector<16xf32>
        %mul3A_607 = arith.constant 20 : i32
        %mul3A_608 = arith.muli %scan3A_219, %mul3A_607 : i32
        %get3A_609 = arith.index_cast %mul3A_608 : i32 to index
        %get3A_610 = arith.constant 16 : index
        %get3A_611 = tpu.vector_load %arg9[%get3A_609, %get3A_610] {strides = array<i32>} : memref<320x128xf32, #tpu.memory_space<vmem>>, vector<1x16xf32>,
        %get3A_612 = vector.shape_cast %get3A_611 : vector<1x16xf32> to vector<16xf32>
        %get3A_613 = arith.index_cast %mul3A_608 : i32 to index
        %get3A_614 = arith.constant 80 : index
        %get3A_615 = tpu.vector_load %arg10[%get3A_613, %get3A_614] {strides = array<i32>} : memref<320x128xf32, #tpu.memory_space<vmem>>, vector<1x16xf32>,
        %get3A_616 = vector.shape_cast %get3A_615 : vector<1x16xf32> to vector<16xf32>
        %add3A_617 = arith.addf %get3A_612, %get3A_616 : vector<16xf32>
        %add3A_618 = arith.addf %add3A_617, %get3A_606 : vector<16xf32>
        %mul3A_619 = arith.constant 2.000000e-01 : f32
        %mul3A_620 = vector.broadcast %mul3A_619 : f32 to vector<16xf32>
        %mul3A_621 = arith.mulf %add3A_618, %mul3A_620 : vector<16xf32>
        %max3A_622 = arith.maximumf %add3A_618, %mul3A_621 : vector<16xf32>
        %add3A_623 = arith.constant 1 : i32
        %add3A_624 = arith.addi %mul3A_608, %add3A_623 : i32
        %get3A_625 = arith.index_cast %add3A_624 : i32 to index
        %get3A_626 = arith.constant 16 : index
        %get3A_627 = tpu.vector_load %arg9[%get3A_625, %get3A_626] {strides = array<i32>} : memref<320x128xf32, #tpu.memory_space<vmem>>, vector<1x16xf32>,
        %get3A_628 = vector.shape_cast %get3A_627 : vector<1x16xf32> to vector<16xf32>
        %add3A_629 = arith.constant 1 : i32
        %add3A_630 = arith.addi %mul3A_608, %add3A_629 : i32
        %get3A_631 = arith.index_cast %add3A_630 : i32 to index
        %get3A_632 = arith.constant 80 : index
        %get3A_633 = tpu.vector_load %arg10[%get3A_631, %get3A_632] {strides = array<i32>} : memref<320x128xf32, #tpu.memory_space<vmem>>, vector<1x16xf32>,
        %get3A_634 = vector.shape_cast %get3A_633 : vector<1x16xf32> to vector<16xf32>
        %add3A_635 = arith.addf %get3A_628, %get3A_634 : vector<16xf32>
        %add3A_636 = arith.addf %add3A_635, %get3A_606 : vector<16xf32>
        %mul3A_637 = arith.constant 2.000000e-01 : f32
        %mul3A_638 = vector.broadcast %mul3A_637 : f32 to vector<16xf32>
        %mul3A_639 = arith.mulf %add3A_636, %mul3A_638 : vector<16xf32>
        %max3A_640 = arith.maximumf %add3A_636, %mul3A_639 : vector<16xf32>
        %max3A_641 = arith.maximumf %max3A_622, %max3A_640 : vector<16xf32>
        %add3A_642 = arith.constant 2 : i32
        %add3A_643 = arith.addi %mul3A_608, %add3A_642 : i32
        %get3A_644 = arith.index_cast %add3A_643 : i32 to index
        %get3A_645 = arith.constant 16 : index
        %get3A_646 = tpu.vector_load %arg9[%get3A_644, %get3A_645] {strides = array<i32>} : memref<320x128xf32, #tpu.memory_space<vmem>>, vector<1x16xf32>,
        %get3A_647 = vector.shape_cast %get3A_646 : vector<1x16xf32> to vector<16xf32>
        %add3A_648 = arith.constant 2 : i32
        %add3A_649 = arith.addi %mul3A_608, %add3A_648 : i32
        %get3A_650 = arith.index_cast %add3A_649 : i32 to index
        %get3A_651 = arith.constant 80 : index
        %get3A_652 = tpu.vector_load %arg10[%get3A_650, %get3A_651] {strides = array<i32>} : memref<320x128xf32, #tpu.memory_space<vmem>>, vector<1x16xf32>,
        %get3A_653 = vector.shape_cast %get3A_652 : vector<1x16xf32> to vector<16xf32>
        %add3A_654 = arith.addf %get3A_647, %get3A_653 : vector<16xf32>
        %add3A_655 = arith.addf %add3A_654, %get3A_606 : vector<16xf32>
        %mul3A_656 = arith.constant 2.000000e-01 : f32
        %mul3A_657 = vector.broadcast %mul3A_656 : f32 to vector<16xf32>
        %mul3A_658 = arith.mulf %add3A_655, %mul3A_657 : vector<16xf32>
        %max3A_659 = arith.maximumf %add3A_655, %mul3A_658 : vector<16xf32>
        %max3A_660 = arith.maximumf %max3A_641, %max3A_659 : vector<16xf32>
        %add3A_661 = arith.constant 3 : i32
        %add3A_662 = arith.addi %mul3A_608, %add3A_661 : i32
        %get3A_663 = arith.index_cast %add3A_662 : i32 to index
        %get3A_664 = arith.constant 16 : index
        %get3A_665 = tpu.vector_load %arg9[%get3A_663, %get3A_664] {strides = array<i32>} : memref<320x128xf32, #tpu.memory_space<vmem>>, vector<1x16xf32>,
        %get3A_666 = vector.shape_cast %get3A_665 : vector<1x16xf32> to vector<16xf32>
        %add3A_667 = arith.constant 3 : i32
        %add3A_668 = arith.addi %mul3A_608, %add3A_667 : i32
        %get3A_669 = arith.index_cast %add3A_668 : i32 to index
        %get3A_670 = arith.constant 80 : index
        %get3A_671 = tpu.vector_load %arg10[%get3A_669, %get3A_670] {strides = array<i32>} : memref<320x128xf32, #tpu.memory_space<vmem>>, vector<1x16xf32>,
        %get3A_672 = vector.shape_cast %get3A_671 : vector<1x16xf32> to vector<16xf32>
        %add3A_673 = arith.addf %get3A_666, %get3A_672 : vector<16xf32>
        %add3A_674 = arith.addf %add3A_673, %get3A_606 : vector<16xf32>
        %mul3A_675 = arith.constant 2.000000e-01 : f32
        %mul3A_676 = vector.broadcast %mul3A_675 : f32 to vector<16xf32>
        %mul3A_677 = arith.mulf %add3A_674, %mul3A_676 : vector<16xf32>
        %max3A_678 = arith.maximumf %add3A_674, %mul3A_677 : vector<16xf32>
        %max3A_679 = arith.maximumf %max3A_660, %max3A_678 : vector<16xf32>
        %add3A_680 = arith.constant 4 : i32
        %add3A_681 = arith.addi %mul3A_608, %add3A_680 : i32
        %get3A_682 = arith.index_cast %add3A_681 : i32 to index
        %get3A_683 = arith.constant 16 : index
        %get3A_684 = tpu.vector_load %arg9[%get3A_682, %get3A_683] {strides = array<i32>} : memref<320x128xf32, #tpu.memory_space<vmem>>, vector<1x16xf32>,
        %get3A_685 = vector.shape_cast %get3A_684 : vector<1x16xf32> to vector<16xf32>
        %add3A_686 = arith.constant 4 : i32
        %add3A_687 = arith.addi %mul3A_608, %add3A_686 : i32
        %get3A_688 = arith.index_cast %add3A_687 : i32 to index
        %get3A_689 = arith.constant 80 : index
        %get3A_690 = tpu.vector_load %arg10[%get3A_688, %get3A_689] {strides = array<i32>} : memref<320x128xf32, #tpu.memory_space<vmem>>, vector<1x16xf32>,
        %get3A_691 = vector.shape_cast %get3A_690 : vector<1x16xf32> to vector<16xf32>
        %add3A_692 = arith.addf %get3A_685, %get3A_691 : vector<16xf32>
        %add3A_693 = arith.addf %add3A_692, %get3A_606 : vector<16xf32>
        %mul3A_694 = arith.constant 2.000000e-01 : f32
        %mul3A_695 = vector.broadcast %mul3A_694 : f32 to vector<16xf32>
        %mul3A_696 = arith.mulf %add3A_693, %mul3A_695 : vector<16xf32>
        %max3A_697 = arith.maximumf %add3A_693, %mul3A_696 : vector<16xf32>
        %max3A_698 = arith.maximumf %max3A_679, %max3A_697 : vector<16xf32>
        %add3A_699 = arith.constant 5 : i32
        %add3A_700 = arith.addi %mul3A_608, %add3A_699 : i32
        %get3A_701 = arith.index_cast %add3A_700 : i32 to index
        %get3A_702 = arith.constant 16 : index
        %get3A_703 = tpu.vector_load %arg9[%get3A_701, %get3A_702] {strides = array<i32>} : memref<320x128xf32, #tpu.memory_space<vmem>>, vector<1x16xf32>,
        %get3A_704 = vector.shape_cast %get3A_703 : vector<1x16xf32> to vector<16xf32>
        %add3A_705 = arith.constant 5 : i32
        %add3A_706 = arith.addi %mul3A_608, %add3A_705 : i32
        %get3A_707 = arith.index_cast %add3A_706 : i32 to index
        %get3A_708 = arith.constant 80 : index
        %get3A_709 = tpu.vector_load %arg10[%get3A_707, %get3A_708] {strides = array<i32>} : memref<320x128xf32, #tpu.memory_space<vmem>>, vector<1x16xf32>,
        %get3A_710 = vector.shape_cast %get3A_709 : vector<1x16xf32> to vector<16xf32>
        %add3A_711 = arith.addf %get3A_704, %get3A_710 : vector<16xf32>
        %add3A_712 = arith.addf %add3A_711, %get3A_606 : vector<16xf32>
        %mul3A_713 = arith.constant 2.000000e-01 : f32
        %mul3A_714 = vector.broadcast %mul3A_713 : f32 to vector<16xf32>
        %mul3A_715 = arith.mulf %add3A_712, %mul3A_714 : vector<16xf32>
        %max3A_716 = arith.maximumf %add3A_712, %mul3A_715 : vector<16xf32>
        %max3A_717 = arith.maximumf %max3A_698, %max3A_716 : vector<16xf32>
        %add3A_718 = arith.constant 6 : i32
        %add3A_719 = arith.addi %mul3A_608, %add3A_718 : i32
        %get3A_720 = arith.index_cast %add3A_719 : i32 to index
        %get3A_721 = arith.constant 16 : index
        %get3A_722 = tpu.vector_load %arg9[%get3A_720, %get3A_721] {strides = array<i32>} : memref<320x128xf32, #tpu.memory_space<vmem>>, vector<1x16xf32>,
        %get3A_723 = vector.shape_cast %get3A_722 : vector<1x16xf32> to vector<16xf32>
        %add3A_724 = arith.constant 6 : i32
        %add3A_725 = arith.addi %mul3A_608, %add3A_724 : i32
        %get3A_726 = arith.index_cast %add3A_725 : i32 to index
        %get3A_727 = arith.constant 80 : index
        %get3A_728 = tpu.vector_load %arg10[%get3A_726, %get3A_727] {strides = array<i32>} : memref<320x128xf32, #tpu.memory_space<vmem>>, vector<1x16xf32>,
        %get3A_729 = vector.shape_cast %get3A_728 : vector<1x16xf32> to vector<16xf32>
        %add3A_730 = arith.addf %get3A_723, %get3A_729 : vector<16xf32>
        %add3A_731 = arith.addf %add3A_730, %get3A_606 : vector<16xf32>
        %mul3A_732 = arith.constant 2.000000e-01 : f32
        %mul3A_733 = vector.broadcast %mul3A_732 : f32 to vector<16xf32>
        %mul3A_734 = arith.mulf %add3A_731, %mul3A_733 : vector<16xf32>
        %max3A_735 = arith.maximumf %add3A_731, %mul3A_734 : vector<16xf32>
        %max3A_736 = arith.maximumf %max3A_717, %max3A_735 : vector<16xf32>
        %add3A_737 = arith.constant 7 : i32
        %add3A_738 = arith.addi %mul3A_608, %add3A_737 : i32
        %get3A_739 = arith.index_cast %add3A_738 : i32 to index
        %get3A_740 = arith.constant 16 : index
        %get3A_741 = tpu.vector_load %arg9[%get3A_739, %get3A_740] {strides = array<i32>} : memref<320x128xf32, #tpu.memory_space<vmem>>, vector<1x16xf32>,
        %get3A_742 = vector.shape_cast %get3A_741 : vector<1x16xf32> to vector<16xf32>
        %add3A_743 = arith.constant 7 : i32
        %add3A_744 = arith.addi %mul3A_608, %add3A_743 : i32
        %get3A_745 = arith.index_cast %add3A_744 : i32 to index
        %get3A_746 = arith.constant 80 : index
        %get3A_747 = tpu.vector_load %arg10[%get3A_745, %get3A_746] {strides = array<i32>} : memref<320x128xf32, #tpu.memory_space<vmem>>, vector<1x16xf32>,
        %get3A_748 = vector.shape_cast %get3A_747 : vector<1x16xf32> to vector<16xf32>
        %add3A_749 = arith.addf %get3A_742, %get3A_748 : vector<16xf32>
        %add3A_750 = arith.addf %add3A_749, %get3A_606 : vector<16xf32>
        %mul3A_751 = arith.constant 2.000000e-01 : f32
        %mul3A_752 = vector.broadcast %mul3A_751 : f32 to vector<16xf32>
        %mul3A_753 = arith.mulf %add3A_750, %mul3A_752 : vector<16xf32>
        %max3A_754 = arith.maximumf %add3A_750, %mul3A_753 : vector<16xf32>
        %max3A_755 = arith.maximumf %max3A_736, %max3A_754 : vector<16xf32>
        %add3A_756 = arith.constant 8 : i32
        %add3A_757 = arith.addi %mul3A_608, %add3A_756 : i32
        %get3A_758 = arith.index_cast %add3A_757 : i32 to index
        %get3A_759 = arith.constant 16 : index
        %get3A_760 = tpu.vector_load %arg9[%get3A_758, %get3A_759] {strides = array<i32>} : memref<320x128xf32, #tpu.memory_space<vmem>>, vector<1x16xf32>,
        %get3A_761 = vector.shape_cast %get3A_760 : vector<1x16xf32> to vector<16xf32>
        %add3A_762 = arith.constant 8 : i32
        %add3A_763 = arith.addi %mul3A_608, %add3A_762 : i32
        %get3A_764 = arith.index_cast %add3A_763 : i32 to index
        %get3A_765 = arith.constant 80 : index
        %get3A_766 = tpu.vector_load %arg10[%get3A_764, %get3A_765] {strides = array<i32>} : memref<320x128xf32, #tpu.memory_space<vmem>>, vector<1x16xf32>,
        %get3A_767 = vector.shape_cast %get3A_766 : vector<1x16xf32> to vector<16xf32>
        %add3A_768 = arith.addf %get3A_761, %get3A_767 : vector<16xf32>
        %add3A_769 = arith.addf %add3A_768, %get3A_606 : vector<16xf32>
        %mul3A_770 = arith.constant 2.000000e-01 : f32
        %mul3A_771 = vector.broadcast %mul3A_770 : f32 to vector<16xf32>
        %mul3A_772 = arith.mulf %add3A_769, %mul3A_771 : vector<16xf32>
        %max3A_773 = arith.maximumf %add3A_769, %mul3A_772 : vector<16xf32>
        %max3A_774 = arith.maximumf %max3A_755, %max3A_773 : vector<16xf32>
        %add3A_775 = arith.constant 9 : i32
        %add3A_776 = arith.addi %mul3A_608, %add3A_775 : i32
        %get3A_777 = arith.index_cast %add3A_776 : i32 to index
        %get3A_778 = arith.constant 16 : index
        %get3A_779 = tpu.vector_load %arg9[%get3A_777, %get3A_778] {strides = array<i32>} : memref<320x128xf32, #tpu.memory_space<vmem>>, vector<1x16xf32>,
        %get3A_780 = vector.shape_cast %get3A_779 : vector<1x16xf32> to vector<16xf32>
        %add3A_781 = arith.constant 9 : i32
        %add3A_782 = arith.addi %mul3A_608, %add3A_781 : i32
        %get3A_783 = arith.index_cast %add3A_782 : i32 to index
        %get3A_784 = arith.constant 80 : index
        %get3A_785 = tpu.vector_load %arg10[%get3A_783, %get3A_784] {strides = array<i32>} : memref<320x128xf32, #tpu.memory_space<vmem>>, vector<1x16xf32>,
        %get3A_786 = vector.shape_cast %get3A_785 : vector<1x16xf32> to vector<16xf32>
        %add3A_787 = arith.addf %get3A_780, %get3A_786 : vector<16xf32>
        %add3A_788 = arith.addf %add3A_787, %get3A_606 : vector<16xf32>
        %mul3A_789 = arith.constant 2.000000e-01 : f32
        %mul3A_790 = vector.broadcast %mul3A_789 : f32 to vector<16xf32>
        %mul3A_791 = arith.mulf %add3A_788, %mul3A_790 : vector<16xf32>
        %max3A_792 = arith.maximumf %add3A_788, %mul3A_791 : vector<16xf32>
        %max3A_793 = arith.maximumf %max3A_774, %max3A_792 : vector<16xf32>
        %add3A_794 = arith.constant 10 : i32
        %add3A_795 = arith.addi %mul3A_608, %add3A_794 : i32
        %get3A_796 = arith.index_cast %add3A_795 : i32 to index
        %get3A_797 = arith.constant 16 : index
        %get3A_798 = tpu.vector_load %arg9[%get3A_796, %get3A_797] {strides = array<i32>} : memref<320x128xf32, #tpu.memory_space<vmem>>, vector<1x16xf32>,
        %get3A_799 = vector.shape_cast %get3A_798 : vector<1x16xf32> to vector<16xf32>
        %add3A_800 = arith.constant 10 : i32
        %add3A_801 = arith.addi %mul3A_608, %add3A_800 : i32
        %get3A_802 = arith.index_cast %add3A_801 : i32 to index
        %get3A_803 = arith.constant 80 : index
        %get3A_804 = tpu.vector_load %arg10[%get3A_802, %get3A_803] {strides = array<i32>} : memref<320x128xf32, #tpu.memory_space<vmem>>, vector<1x16xf32>,
        %get3A_805 = vector.shape_cast %get3A_804 : vector<1x16xf32> to vector<16xf32>
        %add3A_806 = arith.addf %get3A_799, %get3A_805 : vector<16xf32>
        %add3A_807 = arith.addf %add3A_806, %get3A_606 : vector<16xf32>
        %mul3A_808 = arith.constant 2.000000e-01 : f32
        %mul3A_809 = vector.broadcast %mul3A_808 : f32 to vector<16xf32>
        %mul3A_810 = arith.mulf %add3A_807, %mul3A_809 : vector<16xf32>
        %max3A_811 = arith.maximumf %add3A_807, %mul3A_810 : vector<16xf32>
        %max3A_812 = arith.maximumf %max3A_793, %max3A_811 : vector<16xf32>
        %add3A_813 = arith.constant 11 : i32
        %add3A_814 = arith.addi %mul3A_608, %add3A_813 : i32
        %get3A_815 = arith.index_cast %add3A_814 : i32 to index
        %get3A_816 = arith.constant 16 : index
        %get3A_817 = tpu.vector_load %arg9[%get3A_815, %get3A_816] {strides = array<i32>} : memref<320x128xf32, #tpu.memory_space<vmem>>, vector<1x16xf32>,
        %get3A_818 = vector.shape_cast %get3A_817 : vector<1x16xf32> to vector<16xf32>
        %add3A_819 = arith.constant 11 : i32
        %add3A_820 = arith.addi %mul3A_608, %add3A_819 : i32
        %get3A_821 = arith.index_cast %add3A_820 : i32 to index
        %get3A_822 = arith.constant 80 : index
        %get3A_823 = tpu.vector_load %arg10[%get3A_821, %get3A_822] {strides = array<i32>} : memref<320x128xf32, #tpu.memory_space<vmem>>, vector<1x16xf32>,
        %get3A_824 = vector.shape_cast %get3A_823 : vector<1x16xf32> to vector<16xf32>
        %add3A_825 = arith.addf %get3A_818, %get3A_824 : vector<16xf32>
        %add3A_826 = arith.addf %add3A_825, %get3A_606 : vector<16xf32>
        %mul3A_827 = arith.constant 2.000000e-01 : f32
        %mul3A_828 = vector.broadcast %mul3A_827 : f32 to vector<16xf32>
        %mul3A_829 = arith.mulf %add3A_826, %mul3A_828 : vector<16xf32>
        %max3A_830 = arith.maximumf %add3A_826, %mul3A_829 : vector<16xf32>
        %max3A_831 = arith.maximumf %max3A_812, %max3A_830 : vector<16xf32>
        %add3A_832 = arith.constant 12 : i32
        %add3A_833 = arith.addi %mul3A_608, %add3A_832 : i32
        %get3A_834 = arith.index_cast %add3A_833 : i32 to index
        %get3A_835 = arith.constant 16 : index
        %get3A_836 = tpu.vector_load %arg9[%get3A_834, %get3A_835] {strides = array<i32>} : memref<320x128xf32, #tpu.memory_space<vmem>>, vector<1x16xf32>,
        %get3A_837 = vector.shape_cast %get3A_836 : vector<1x16xf32> to vector<16xf32>
        %add3A_838 = arith.constant 12 : i32
        %add3A_839 = arith.addi %mul3A_608, %add3A_838 : i32
        %get3A_840 = arith.index_cast %add3A_839 : i32 to index
        %get3A_841 = arith.constant 80 : index
        %get3A_842 = tpu.vector_load %arg10[%get3A_840, %get3A_841] {strides = array<i32>} : memref<320x128xf32, #tpu.memory_space<vmem>>, vector<1x16xf32>,
        %get3A_843 = vector.shape_cast %get3A_842 : vector<1x16xf32> to vector<16xf32>
        %add3A_844 = arith.addf %get3A_837, %get3A_843 : vector<16xf32>
        %add3A_845 = arith.addf %add3A_844, %get3A_606 : vector<16xf32>
        %mul3A_846 = arith.constant 2.000000e-01 : f32
        %mul3A_847 = vector.broadcast %mul3A_846 : f32 to vector<16xf32>
        %mul3A_848 = arith.mulf %add3A_845, %mul3A_847 : vector<16xf32>
        %max3A_849 = arith.maximumf %add3A_845, %mul3A_848 : vector<16xf32>
        %max3A_850 = arith.maximumf %max3A_831, %max3A_849 : vector<16xf32>
        %add3A_851 = arith.constant 13 : i32
        %add3A_852 = arith.addi %mul3A_608, %add3A_851 : i32
        %get3A_853 = arith.index_cast %add3A_852 : i32 to index
        %get3A_854 = arith.constant 16 : index
        %get3A_855 = tpu.vector_load %arg9[%get3A_853, %get3A_854] {strides = array<i32>} : memref<320x128xf32, #tpu.memory_space<vmem>>, vector<1x16xf32>,
        %get3A_856 = vector.shape_cast %get3A_855 : vector<1x16xf32> to vector<16xf32>
        %add3A_857 = arith.constant 13 : i32
        %add3A_858 = arith.addi %mul3A_608, %add3A_857 : i32
        %get3A_859 = arith.index_cast %add3A_858 : i32 to index
        %get3A_860 = arith.constant 80 : index
        %get3A_861 = tpu.vector_load %arg10[%get3A_859, %get3A_860] {strides = array<i32>} : memref<320x128xf32, #tpu.memory_space<vmem>>, vector<1x16xf32>,
        %get3A_862 = vector.shape_cast %get3A_861 : vector<1x16xf32> to vector<16xf32>
        %add3A_863 = arith.addf %get3A_856, %get3A_862 : vector<16xf32>
        %add3A_864 = arith.addf %add3A_863, %get3A_606 : vector<16xf32>
        %mul3A_865 = arith.constant 2.000000e-01 : f32
        %mul3A_866 = vector.broadcast %mul3A_865 : f32 to vector<16xf32>
        %mul3A_867 = arith.mulf %add3A_864, %mul3A_866 : vector<16xf32>
        %max3A_868 = arith.maximumf %add3A_864, %mul3A_867 : vector<16xf32>
        %max3A_869 = arith.maximumf %max3A_850, %max3A_868 : vector<16xf32>
        %add3A_870 = arith.constant 14 : i32
        %add3A_871 = arith.addi %mul3A_608, %add3A_870 : i32
        %get3A_872 = arith.index_cast %add3A_871 : i32 to index
        %get3A_873 = arith.constant 16 : index
        %get3A_874 = tpu.vector_load %arg9[%get3A_872, %get3A_873] {strides = array<i32>} : memref<320x128xf32, #tpu.memory_space<vmem>>, vector<1x16xf32>,
        %get3A_875 = vector.shape_cast %get3A_874 : vector<1x16xf32> to vector<16xf32>
        %add3A_876 = arith.constant 14 : i32
        %add3A_877 = arith.addi %mul3A_608, %add3A_876 : i32
        %get3A_878 = arith.index_cast %add3A_877 : i32 to index
        %get3A_879 = arith.constant 80 : index
        %get3A_880 = tpu.vector_load %arg10[%get3A_878, %get3A_879] {strides = array<i32>} : memref<320x128xf32, #tpu.memory_space<vmem>>, vector<1x16xf32>,
        %get3A_881 = vector.shape_cast %get3A_880 : vector<1x16xf32> to vector<16xf32>
        %add3A_882 = arith.addf %get3A_875, %get3A_881 : vector<16xf32>
        %add3A_883 = arith.addf %add3A_882, %get3A_606 : vector<16xf32>
        %mul3A_884 = arith.constant 2.000000e-01 : f32
        %mul3A_885 = vector.broadcast %mul3A_884 : f32 to vector<16xf32>
        %mul3A_886 = arith.mulf %add3A_883, %mul3A_885 : vector<16xf32>
        %max3A_887 = arith.maximumf %add3A_883, %mul3A_886 : vector<16xf32>
        %max3A_888 = arith.maximumf %max3A_869, %max3A_887 : vector<16xf32>
        %add3A_889 = arith.constant 15 : i32
        %add3A_890 = arith.addi %mul3A_608, %add3A_889 : i32
        %get3A_891 = arith.index_cast %add3A_890 : i32 to index
        %get3A_892 = arith.constant 16 : index
        %get3A_893 = tpu.vector_load %arg9[%get3A_891, %get3A_892] {strides = array<i32>} : memref<320x128xf32, #tpu.memory_space<vmem>>, vector<1x16xf32>,
        %get3A_894 = vector.shape_cast %get3A_893 : vector<1x16xf32> to vector<16xf32>
        %add3A_895 = arith.constant 15 : i32
        %add3A_896 = arith.addi %mul3A_608, %add3A_895 : i32
        %get3A_897 = arith.index_cast %add3A_896 : i32 to index
        %get3A_898 = arith.constant 80 : index
        %get3A_899 = tpu.vector_load %arg10[%get3A_897, %get3A_898] {strides = array<i32>} : memref<320x128xf32, #tpu.memory_space<vmem>>, vector<1x16xf32>,
        %get3A_900 = vector.shape_cast %get3A_899 : vector<1x16xf32> to vector<16xf32>
        %add3A_901 = arith.addf %get3A_894, %get3A_900 : vector<16xf32>
        %add3A_902 = arith.addf %add3A_901, %get3A_606 : vector<16xf32>
        %mul3A_903 = arith.constant 2.000000e-01 : f32
        %mul3A_904 = vector.broadcast %mul3A_903 : f32 to vector<16xf32>
        %mul3A_905 = arith.mulf %add3A_902, %mul3A_904 : vector<16xf32>
        %max3A_906 = arith.maximumf %add3A_902, %mul3A_905 : vector<16xf32>
        %max3A_907 = arith.maximumf %max3A_888, %max3A_906 : vector<16xf32>
        %add3A_908 = arith.constant 16 : i32
        %add3A_909 = arith.addi %mul3A_608, %add3A_908 : i32
        %get3A_910 = arith.index_cast %add3A_909 : i32 to index
        %get3A_911 = arith.constant 16 : index
        %get3A_912 = tpu.vector_load %arg9[%get3A_910, %get3A_911] {strides = array<i32>} : memref<320x128xf32, #tpu.memory_space<vmem>>, vector<1x16xf32>,
        %get3A_913 = vector.shape_cast %get3A_912 : vector<1x16xf32> to vector<16xf32>
        %add3A_914 = arith.constant 16 : i32
        %add3A_915 = arith.addi %mul3A_608, %add3A_914 : i32
        %get3A_916 = arith.index_cast %add3A_915 : i32 to index
        %get3A_917 = arith.constant 80 : index
        %get3A_918 = tpu.vector_load %arg10[%get3A_916, %get3A_917] {strides = array<i32>} : memref<320x128xf32, #tpu.memory_space<vmem>>, vector<1x16xf32>,
        %get3A_919 = vector.shape_cast %get3A_918 : vector<1x16xf32> to vector<16xf32>
        %add3A_920 = arith.addf %get3A_913, %get3A_919 : vector<16xf32>
        %add3A_921 = arith.addf %add3A_920, %get3A_606 : vector<16xf32>
        %mul3A_922 = arith.constant 2.000000e-01 : f32
        %mul3A_923 = vector.broadcast %mul3A_922 : f32 to vector<16xf32>
        %mul3A_924 = arith.mulf %add3A_921, %mul3A_923 : vector<16xf32>
        %max3A_925 = arith.maximumf %add3A_921, %mul3A_924 : vector<16xf32>
        %max3A_926 = arith.maximumf %max3A_907, %max3A_925 : vector<16xf32>
        %add3A_927 = arith.constant 17 : i32
        %add3A_928 = arith.addi %mul3A_608, %add3A_927 : i32
        %get3A_929 = arith.index_cast %add3A_928 : i32 to index
        %get3A_930 = arith.constant 16 : index
        %get3A_931 = tpu.vector_load %arg9[%get3A_929, %get3A_930] {strides = array<i32>} : memref<320x128xf32, #tpu.memory_space<vmem>>, vector<1x16xf32>,
        %get3A_932 = vector.shape_cast %get3A_931 : vector<1x16xf32> to vector<16xf32>
        %add3A_933 = arith.constant 17 : i32
        %add3A_934 = arith.addi %mul3A_608, %add3A_933 : i32
        %get3A_935 = arith.index_cast %add3A_934 : i32 to index
        %get3A_936 = arith.constant 80 : index
        %get3A_937 = tpu.vector_load %arg10[%get3A_935, %get3A_936] {strides = array<i32>} : memref<320x128xf32, #tpu.memory_space<vmem>>, vector<1x16xf32>,
        %get3A_938 = vector.shape_cast %get3A_937 : vector<1x16xf32> to vector<16xf32>
        %add3A_939 = arith.addf %get3A_932, %get3A_938 : vector<16xf32>
        %add3A_940 = arith.addf %add3A_939, %get3A_606 : vector<16xf32>
        %mul3A_941 = arith.constant 2.000000e-01 : f32
        %mul3A_942 = vector.broadcast %mul3A_941 : f32 to vector<16xf32>
        %mul3A_943 = arith.mulf %add3A_940, %mul3A_942 : vector<16xf32>
        %max3A_944 = arith.maximumf %add3A_940, %mul3A_943 : vector<16xf32>
        %max3A_945 = arith.maximumf %max3A_926, %max3A_944 : vector<16xf32>
        %add3A_946 = arith.constant 18 : i32
        %add3A_947 = arith.addi %mul3A_608, %add3A_946 : i32
        %get3A_948 = arith.index_cast %add3A_947 : i32 to index
        %get3A_949 = arith.constant 16 : index
        %get3A_950 = tpu.vector_load %arg9[%get3A_948, %get3A_949] {strides = array<i32>} : memref<320x128xf32, #tpu.memory_space<vmem>>, vector<1x16xf32>,
        %get3A_951 = vector.shape_cast %get3A_950 : vector<1x16xf32> to vector<16xf32>
        %add3A_952 = arith.constant 18 : i32
        %add3A_953 = arith.addi %mul3A_608, %add3A_952 : i32
        %get3A_954 = arith.index_cast %add3A_953 : i32 to index
        %get3A_955 = arith.constant 80 : index
        %get3A_956 = tpu.vector_load %arg10[%get3A_954, %get3A_955] {strides = array<i32>} : memref<320x128xf32, #tpu.memory_space<vmem>>, vector<1x16xf32>,
        %get3A_957 = vector.shape_cast %get3A_956 : vector<1x16xf32> to vector<16xf32>
        %add3A_958 = arith.addf %get3A_951, %get3A_957 : vector<16xf32>
        %add3A_959 = arith.addf %add3A_958, %get3A_606 : vector<16xf32>
        %mul3A_960 = arith.constant 2.000000e-01 : f32
        %mul3A_961 = vector.broadcast %mul3A_960 : f32 to vector<16xf32>
        %mul3A_962 = arith.mulf %add3A_959, %mul3A_961 : vector<16xf32>
        %max3A_963 = arith.maximumf %add3A_959, %mul3A_962 : vector<16xf32>
        %max3A_964 = arith.maximumf %max3A_945, %max3A_963 : vector<16xf32>
        %add3A_965 = arith.constant 19 : i32
        %add3A_966 = arith.addi %mul3A_608, %add3A_965 : i32
        %get3A_967 = arith.index_cast %add3A_966 : i32 to index
        %get3A_968 = arith.constant 16 : index
        %get3A_969 = tpu.vector_load %arg9[%get3A_967, %get3A_968] {strides = array<i32>} : memref<320x128xf32, #tpu.memory_space<vmem>>, vector<1x16xf32>,
        %get3A_970 = vector.shape_cast %get3A_969 : vector<1x16xf32> to vector<16xf32>
        %add3A_971 = arith.constant 19 : i32
        %add3A_972 = arith.addi %mul3A_608, %add3A_971 : i32
        %get3A_973 = arith.index_cast %add3A_972 : i32 to index
        %get3A_974 = arith.constant 80 : index
        %get3A_975 = tpu.vector_load %arg10[%get3A_973, %get3A_974] {strides = array<i32>} : memref<320x128xf32, #tpu.memory_space<vmem>>, vector<1x16xf32>,
        %get3A_976 = vector.shape_cast %get3A_975 : vector<1x16xf32> to vector<16xf32>
        %add3A_977 = arith.addf %get3A_970, %get3A_976 : vector<16xf32>
        %add3A_978 = arith.addf %add3A_977, %get3A_606 : vector<16xf32>
        %mul3A_979 = arith.constant 2.000000e-01 : f32
        %mul3A_980 = vector.broadcast %mul3A_979 : f32 to vector<16xf32>
        %mul3A_981 = arith.mulf %add3A_978, %mul3A_980 : vector<16xf32>
        %max3A_982 = arith.maximumf %add3A_978, %mul3A_981 : vector<16xf32>
        %max3A_983 = arith.maximumf %max3A_964, %max3A_982 : vector<16xf32>
        %swap3A_984 = arith.index_cast %scan3A_219 : i32 to index
        %swap3A_985 = arith.constant 16 : index
        %swap3A_986 = tpu.vector_load %arg12[%swap3A_984, %swap3A_985] {strides = array<i32>} : memref<16x64xf32, #tpu.memory_space<vmem>>, vector<1x16xf32>,
        %swap3A_987 = vector.shape_cast %swap3A_986 : vector<1x16xf32> to vector<16xf32>
        %swap3A_988 = vector.shape_cast %max3A_983 : vector<16xf32> to vector<1x16xf32>
        tpu.vector_store %arg12[%swap3A_984, %swap3A_985], %swap3A_988 {strides = array<i32>} : memref<16x64xf32, #tpu.memory_space<vmem>>, vector<1x16xf32>,
        %get3A_989 = arith.index_cast %scan3A_219 : i32 to index
        %get3A_990 = arith.constant 32 : index
        %get3A_991 = tpu.vector_load %arg11[%get3A_989, %get3A_990] {strides = array<i32>} : memref<16x64xf32, #tpu.memory_space<vmem>>, vector<1x16xf32>,
        %get3A_992 = vector.shape_cast %get3A_991 : vector<1x16xf32> to vector<16xf32>
        %mul3A_993 = arith.constant 20 : i32
        %mul3A_994 = arith.muli %scan3A_219, %mul3A_993 : i32
        %get3A_995 = arith.index_cast %mul3A_994 : i32 to index
        %get3A_996 = arith.constant 32 : index
        %get3A_997 = tpu.vector_load %arg9[%get3A_995, %get3A_996] {strides = array<i32>} : memref<320x128xf32, #tpu.memory_space<vmem>>, vector<1x16xf32>,
        %get3A_998 = vector.shape_cast %get3A_997 : vector<1x16xf32> to vector<16xf32>
        %get3A_999 = arith.index_cast %mul3A_994 : i32 to index
        %get3A_1000 = arith.constant 96 : index
        %get3A_1001 = tpu.vector_load %arg10[%get3A_999, %get3A_1000] {strides = array<i32>} : memref<320x128xf32, #tpu.memory_space<vmem>>, vector<1x16xf32>,
        %get3A_1002 = vector.shape_cast %get3A_1001 : vector<1x16xf32> to vector<16xf32>
        %add3A_1003 = arith.addf %get3A_998, %get3A_1002 : vector<16xf32>
        %add3A_1004 = arith.addf %add3A_1003, %get3A_992 : vector<16xf32>
        %mul3A_1005 = arith.constant 2.000000e-01 : f32
        %mul3A_1006 = vector.broadcast %mul3A_1005 : f32 to vector<16xf32>
        %mul3A_1007 = arith.mulf %add3A_1004, %mul3A_1006 : vector<16xf32>
        %max3A_1008 = arith.maximumf %add3A_1004, %mul3A_1007 : vector<16xf32>
        %add3A_1009 = arith.constant 1 : i32
        %add3A_1010 = arith.addi %mul3A_994, %add3A_1009 : i32
        %get3A_1011 = arith.index_cast %add3A_1010 : i32 to index
        %get3A_1012 = arith.constant 32 : index
        %get3A_1013 = tpu.vector_load %arg9[%get3A_1011, %get3A_1012] {strides = array<i32>} : memref<320x128xf32, #tpu.memory_space<vmem>>, vector<1x16xf32>,
        %get3A_1014 = vector.shape_cast %get3A_1013 : vector<1x16xf32> to vector<16xf32>
        %add3A_1015 = arith.constant 1 : i32
        %add3A_1016 = arith.addi %mul3A_994, %add3A_1015 : i32
        %get3A_1017 = arith.index_cast %add3A_1016 : i32 to index
        %get3A_1018 = arith.constant 96 : index
        %get3A_1019 = tpu.vector_load %arg10[%get3A_1017, %get3A_1018] {strides = array<i32>} : memref<320x128xf32, #tpu.memory_space<vmem>>, vector<1x16xf32>,
        %get3A_1020 = vector.shape_cast %get3A_1019 : vector<1x16xf32> to vector<16xf32>
        %add3A_1021 = arith.addf %get3A_1014, %get3A_1020 : vector<16xf32>
        %add3A_1022 = arith.addf %add3A_1021, %get3A_992 : vector<16xf32>
        %mul3A_1023 = arith.constant 2.000000e-01 : f32
        %mul3A_1024 = vector.broadcast %mul3A_1023 : f32 to vector<16xf32>
        %mul3A_1025 = arith.mulf %add3A_1022, %mul3A_1024 : vector<16xf32>
        %max3A_1026 = arith.maximumf %add3A_1022, %mul3A_1025 : vector<16xf32>
        %max3A_1027 = arith.maximumf %max3A_1008, %max3A_1026 : vector<16xf32>
        %add3A_1028 = arith.constant 2 : i32
        %add3A_1029 = arith.addi %mul3A_994, %add3A_1028 : i32
        %get3A_1030 = arith.index_cast %add3A_1029 : i32 to index
        %get3A_1031 = arith.constant 32 : index
        %get3A_1032 = tpu.vector_load %arg9[%get3A_1030, %get3A_1031] {strides = array<i32>} : memref<320x128xf32, #tpu.memory_space<vmem>>, vector<1x16xf32>,
        %get3A_1033 = vector.shape_cast %get3A_1032 : vector<1x16xf32> to vector<16xf32>
        %add3A_1034 = arith.constant 2 : i32
        %add3A_1035 = arith.addi %mul3A_994, %add3A_1034 : i32
        %get3A_1036 = arith.index_cast %add3A_1035 : i32 to index
        %get3A_1037 = arith.constant 96 : index
        %get3A_1038 = tpu.vector_load %arg10[%get3A_1036, %get3A_1037] {strides = array<i32>} : memref<320x128xf32, #tpu.memory_space<vmem>>, vector<1x16xf32>,
        %get3A_1039 = vector.shape_cast %get3A_1038 : vector<1x16xf32> to vector<16xf32>
        %add3A_1040 = arith.addf %get3A_1033, %get3A_1039 : vector<16xf32>
        %add3A_1041 = arith.addf %add3A_1040, %get3A_992 : vector<16xf32>
        %mul3A_1042 = arith.constant 2.000000e-01 : f32
        %mul3A_1043 = vector.broadcast %mul3A_1042 : f32 to vector<16xf32>
        %mul3A_1044 = arith.mulf %add3A_1041, %mul3A_1043 : vector<16xf32>
        %max3A_1045 = arith.maximumf %add3A_1041, %mul3A_1044 : vector<16xf32>
        %max3A_1046 = arith.maximumf %max3A_1027, %max3A_1045 : vector<16xf32>
        %add3A_1047 = arith.constant 3 : i32
        %add3A_1048 = arith.addi %mul3A_994, %add3A_1047 : i32
        %get3A_1049 = arith.index_cast %add3A_1048 : i32 to index
        %get3A_1050 = arith.constant 32 : index
        %get3A_1051 = tpu.vector_load %arg9[%get3A_1049, %get3A_1050] {strides = array<i32>} : memref<320x128xf32, #tpu.memory_space<vmem>>, vector<1x16xf32>,
        %get3A_1052 = vector.shape_cast %get3A_1051 : vector<1x16xf32> to vector<16xf32>
        %add3A_1053 = arith.constant 3 : i32
        %add3A_1054 = arith.addi %mul3A_994, %add3A_1053 : i32
        %get3A_1055 = arith.index_cast %add3A_1054 : i32 to index
        %get3A_1056 = arith.constant 96 : index
        %get3A_1057 = tpu.vector_load %arg10[%get3A_1055, %get3A_1056] {strides = array<i32>} : memref<320x128xf32, #tpu.memory_space<vmem>>, vector<1x16xf32>,
        %get3A_1058 = vector.shape_cast %get3A_1057 : vector<1x16xf32> to vector<16xf32>
        %add3A_1059 = arith.addf %get3A_1052, %get3A_1058 : vector<16xf32>
        %add3A_1060 = arith.addf %add3A_1059, %get3A_992 : vector<16xf32>
        %mul3A_1061 = arith.constant 2.000000e-01 : f32
        %mul3A_1062 = vector.broadcast %mul3A_1061 : f32 to vector<16xf32>
        %mul3A_1063 = arith.mulf %add3A_1060, %mul3A_1062 : vector<16xf32>
        %max3A_1064 = arith.maximumf %add3A_1060, %mul3A_1063 : vector<16xf32>
        %max3A_1065 = arith.maximumf %max3A_1046, %max3A_1064 : vector<16xf32>
        %add3A_1066 = arith.constant 4 : i32
        %add3A_1067 = arith.addi %mul3A_994, %add3A_1066 : i32
        %get3A_1068 = arith.index_cast %add3A_1067 : i32 to index
        %get3A_1069 = arith.constant 32 : index
        %get3A_1070 = tpu.vector_load %arg9[%get3A_1068, %get3A_1069] {strides = array<i32>} : memref<320x128xf32, #tpu.memory_space<vmem>>, vector<1x16xf32>,
        %get3A_1071 = vector.shape_cast %get3A_1070 : vector<1x16xf32> to vector<16xf32>
        %add3A_1072 = arith.constant 4 : i32
        %add3A_1073 = arith.addi %mul3A_994, %add3A_1072 : i32
        %get3A_1074 = arith.index_cast %add3A_1073 : i32 to index
        %get3A_1075 = arith.constant 96 : index
        %get3A_1076 = tpu.vector_load %arg10[%get3A_1074, %get3A_1075] {strides = array<i32>} : memref<320x128xf32, #tpu.memory_space<vmem>>, vector<1x16xf32>,
        %get3A_1077 = vector.shape_cast %get3A_1076 : vector<1x16xf32> to vector<16xf32>
        %add3A_1078 = arith.addf %get3A_1071, %get3A_1077 : vector<16xf32>
        %add3A_1079 = arith.addf %add3A_1078, %get3A_992 : vector<16xf32>
        %mul3A_1080 = arith.constant 2.000000e-01 : f32
        %mul3A_1081 = vector.broadcast %mul3A_1080 : f32 to vector<16xf32>
        %mul3A_1082 = arith.mulf %add3A_1079, %mul3A_1081 : vector<16xf32>
        %max3A_1083 = arith.maximumf %add3A_1079, %mul3A_1082 : vector<16xf32>
        %max3A_1084 = arith.maximumf %max3A_1065, %max3A_1083 : vector<16xf32>
        %add3A_1085 = arith.constant 5 : i32
        %add3A_1086 = arith.addi %mul3A_994, %add3A_1085 : i32
        %get3A_1087 = arith.index_cast %add3A_1086 : i32 to index
        %get3A_1088 = arith.constant 32 : index
        %get3A_1089 = tpu.vector_load %arg9[%get3A_1087, %get3A_1088] {strides = array<i32>} : memref<320x128xf32, #tpu.memory_space<vmem>>, vector<1x16xf32>,
        %get3A_1090 = vector.shape_cast %get3A_1089 : vector<1x16xf32> to vector<16xf32>
        %add3A_1091 = arith.constant 5 : i32
        %add3A_1092 = arith.addi %mul3A_994, %add3A_1091 : i32
        %get3A_1093 = arith.index_cast %add3A_1092 : i32 to index
        %get3A_1094 = arith.constant 96 : index
        %get3A_1095 = tpu.vector_load %arg10[%get3A_1093, %get3A_1094] {strides = array<i32>} : memref<320x128xf32, #tpu.memory_space<vmem>>, vector<1x16xf32>,
        %get3A_1096 = vector.shape_cast %get3A_1095 : vector<1x16xf32> to vector<16xf32>
        %add3A_1097 = arith.addf %get3A_1090, %get3A_1096 : vector<16xf32>
        %add3A_1098 = arith.addf %add3A_1097, %get3A_992 : vector<16xf32>
        %mul3A_1099 = arith.constant 2.000000e-01 : f32
        %mul3A_1100 = vector.broadcast %mul3A_1099 : f32 to vector<16xf32>
        %mul3A_1101 = arith.mulf %add3A_1098, %mul3A_1100 : vector<16xf32>
        %max3A_1102 = arith.maximumf %add3A_1098, %mul3A_1101 : vector<16xf32>
        %max3A_1103 = arith.maximumf %max3A_1084, %max3A_1102 : vector<16xf32>
        %add3A_1104 = arith.constant 6 : i32
        %add3A_1105 = arith.addi %mul3A_994, %add3A_1104 : i32
        %get3A_1106 = arith.index_cast %add3A_1105 : i32 to index
        %get3A_1107 = arith.constant 32 : index
        %get3A_1108 = tpu.vector_load %arg9[%get3A_1106, %get3A_1107] {strides = array<i32>} : memref<320x128xf32, #tpu.memory_space<vmem>>, vector<1x16xf32>,
        %get3A_1109 = vector.shape_cast %get3A_1108 : vector<1x16xf32> to vector<16xf32>
        %add3A_1110 = arith.constant 6 : i32
        %add3A_1111 = arith.addi %mul3A_994, %add3A_1110 : i32
        %get3A_1112 = arith.index_cast %add3A_1111 : i32 to index
        %get3A_1113 = arith.constant 96 : index
        %get3A_1114 = tpu.vector_load %arg10[%get3A_1112, %get3A_1113] {strides = array<i32>} : memref<320x128xf32, #tpu.memory_space<vmem>>, vector<1x16xf32>,
        %get3A_1115 = vector.shape_cast %get3A_1114 : vector<1x16xf32> to vector<16xf32>
        %add3A_1116 = arith.addf %get3A_1109, %get3A_1115 : vector<16xf32>
        %add3A_1117 = arith.addf %add3A_1116, %get3A_992 : vector<16xf32>
        %mul3A_1118 = arith.constant 2.000000e-01 : f32
        %mul3A_1119 = vector.broadcast %mul3A_1118 : f32 to vector<16xf32>
        %mul3A_1120 = arith.mulf %add3A_1117, %mul3A_1119 : vector<16xf32>
        %max3A_1121 = arith.maximumf %add3A_1117, %mul3A_1120 : vector<16xf32>
        %max3A_1122 = arith.maximumf %max3A_1103, %max3A_1121 : vector<16xf32>
        %add3A_1123 = arith.constant 7 : i32
        %add3A_1124 = arith.addi %mul3A_994, %add3A_1123 : i32
        %get3A_1125 = arith.index_cast %add3A_1124 : i32 to index
        %get3A_1126 = arith.constant 32 : index
        %get3A_1127 = tpu.vector_load %arg9[%get3A_1125, %get3A_1126] {strides = array<i32>} : memref<320x128xf32, #tpu.memory_space<vmem>>, vector<1x16xf32>,
        %get3A_1128 = vector.shape_cast %get3A_1127 : vector<1x16xf32> to vector<16xf32>
        %add3A_1129 = arith.constant 7 : i32
        %add3A_1130 = arith.addi %mul3A_994, %add3A_1129 : i32
        %get3A_1131 = arith.index_cast %add3A_1130 : i32 to index
        %get3A_1132 = arith.constant 96 : index
        %get3A_1133 = tpu.vector_load %arg10[%get3A_1131, %get3A_1132] {strides = array<i32>} : memref<320x128xf32, #tpu.memory_space<vmem>>, vector<1x16xf32>,
        %get3A_1134 = vector.shape_cast %get3A_1133 : vector<1x16xf32> to vector<16xf32>
        %add3A_1135 = arith.addf %get3A_1128, %get3A_1134 : vector<16xf32>
        %add3A_1136 = arith.addf %add3A_1135, %get3A_992 : vector<16xf32>
        %mul3A_1137 = arith.constant 2.000000e-01 : f32
        %mul3A_1138 = vector.broadcast %mul3A_1137 : f32 to vector<16xf32>
        %mul3A_1139 = arith.mulf %add3A_1136, %mul3A_1138 : vector<16xf32>
        %max3A_1140 = arith.maximumf %add3A_1136, %mul3A_1139 : vector<16xf32>
        %max3A_1141 = arith.maximumf %max3A_1122, %max3A_1140 : vector<16xf32>
        %add3A_1142 = arith.constant 8 : i32
        %add3A_1143 = arith.addi %mul3A_994, %add3A_1142 : i32
        %get3A_1144 = arith.index_cast %add3A_1143 : i32 to index
        %get3A_1145 = arith.constant 32 : index
        %get3A_1146 = tpu.vector_load %arg9[%get3A_1144, %get3A_1145] {strides = array<i32>} : memref<320x128xf32, #tpu.memory_space<vmem>>, vector<1x16xf32>,
        %get3A_1147 = vector.shape_cast %get3A_1146 : vector<1x16xf32> to vector<16xf32>
        %add3A_1148 = arith.constant 8 : i32
        %add3A_1149 = arith.addi %mul3A_994, %add3A_1148 : i32
        %get3A_1150 = arith.index_cast %add3A_1149 : i32 to index
        %get3A_1151 = arith.constant 96 : index
        %get3A_1152 = tpu.vector_load %arg10[%get3A_1150, %get3A_1151] {strides = array<i32>} : memref<320x128xf32, #tpu.memory_space<vmem>>, vector<1x16xf32>,
        %get3A_1153 = vector.shape_cast %get3A_1152 : vector<1x16xf32> to vector<16xf32>
        %add3A_1154 = arith.addf %get3A_1147, %get3A_1153 : vector<16xf32>
        %add3A_1155 = arith.addf %add3A_1154, %get3A_992 : vector<16xf32>
        %mul3A_1156 = arith.constant 2.000000e-01 : f32
        %mul3A_1157 = vector.broadcast %mul3A_1156 : f32 to vector<16xf32>
        %mul3A_1158 = arith.mulf %add3A_1155, %mul3A_1157 : vector<16xf32>
        %max3A_1159 = arith.maximumf %add3A_1155, %mul3A_1158 : vector<16xf32>
        %max3A_1160 = arith.maximumf %max3A_1141, %max3A_1159 : vector<16xf32>
        %add3A_1161 = arith.constant 9 : i32
        %add3A_1162 = arith.addi %mul3A_994, %add3A_1161 : i32
        %get3A_1163 = arith.index_cast %add3A_1162 : i32 to index
        %get3A_1164 = arith.constant 32 : index
        %get3A_1165 = tpu.vector_load %arg9[%get3A_1163, %get3A_1164] {strides = array<i32>} : memref<320x128xf32, #tpu.memory_space<vmem>>, vector<1x16xf32>,
        %get3A_1166 = vector.shape_cast %get3A_1165 : vector<1x16xf32> to vector<16xf32>
        %add3A_1167 = arith.constant 9 : i32
        %add3A_1168 = arith.addi %mul3A_994, %add3A_1167 : i32
        %get3A_1169 = arith.index_cast %add3A_1168 : i32 to index
        %get3A_1170 = arith.constant 96 : index
        %get3A_1171 = tpu.vector_load %arg10[%get3A_1169, %get3A_1170] {strides = array<i32>} : memref<320x128xf32, #tpu.memory_space<vmem>>, vector<1x16xf32>,
        %get3A_1172 = vector.shape_cast %get3A_1171 : vector<1x16xf32> to vector<16xf32>
        %add3A_1173 = arith.addf %get3A_1166, %get3A_1172 : vector<16xf32>
        %add3A_1174 = arith.addf %add3A_1173, %get3A_992 : vector<16xf32>
        %mul3A_1175 = arith.constant 2.000000e-01 : f32
        %mul3A_1176 = vector.broadcast %mul3A_1175 : f32 to vector<16xf32>
        %mul3A_1177 = arith.mulf %add3A_1174, %mul3A_1176 : vector<16xf32>
        %max3A_1178 = arith.maximumf %add3A_1174, %mul3A_1177 : vector<16xf32>
        %max3A_1179 = arith.maximumf %max3A_1160, %max3A_1178 : vector<16xf32>
        %add3A_1180 = arith.constant 10 : i32
        %add3A_1181 = arith.addi %mul3A_994, %add3A_1180 : i32
        %get3A_1182 = arith.index_cast %add3A_1181 : i32 to index
        %get3A_1183 = arith.constant 32 : index
        %get3A_1184 = tpu.vector_load %arg9[%get3A_1182, %get3A_1183] {strides = array<i32>} : memref<320x128xf32, #tpu.memory_space<vmem>>, vector<1x16xf32>,
        %get3A_1185 = vector.shape_cast %get3A_1184 : vector<1x16xf32> to vector<16xf32>
        %add3A_1186 = arith.constant 10 : i32
        %add3A_1187 = arith.addi %mul3A_994, %add3A_1186 : i32
        %get3A_1188 = arith.index_cast %add3A_1187 : i32 to index
        %get3A_1189 = arith.constant 96 : index
        %get3A_1190 = tpu.vector_load %arg10[%get3A_1188, %get3A_1189] {strides = array<i32>} : memref<320x128xf32, #tpu.memory_space<vmem>>, vector<1x16xf32>,
        %get3A_1191 = vector.shape_cast %get3A_1190 : vector<1x16xf32> to vector<16xf32>
        %add3A_1192 = arith.addf %get3A_1185, %get3A_1191 : vector<16xf32>
        %add3A_1193 = arith.addf %add3A_1192, %get3A_992 : vector<16xf32>
        %mul3A_1194 = arith.constant 2.000000e-01 : f32
        %mul3A_1195 = vector.broadcast %mul3A_1194 : f32 to vector<16xf32>
        %mul3A_1196 = arith.mulf %add3A_1193, %mul3A_1195 : vector<16xf32>
        %max3A_1197 = arith.maximumf %add3A_1193, %mul3A_1196 : vector<16xf32>
        %max3A_1198 = arith.maximumf %max3A_1179, %max3A_1197 : vector<16xf32>
        %add3A_1199 = arith.constant 11 : i32
        %add3A_1200 = arith.addi %mul3A_994, %add3A_1199 : i32
        %get3A_1201 = arith.index_cast %add3A_1200 : i32 to index
        %get3A_1202 = arith.constant 32 : index
        %get3A_1203 = tpu.vector_load %arg9[%get3A_1201, %get3A_1202] {strides = array<i32>} : memref<320x128xf32, #tpu.memory_space<vmem>>, vector<1x16xf32>,
        %get3A_1204 = vector.shape_cast %get3A_1203 : vector<1x16xf32> to vector<16xf32>
        %add3A_1205 = arith.constant 11 : i32
        %add3A_1206 = arith.addi %mul3A_994, %add3A_1205 : i32
        %get3A_1207 = arith.index_cast %add3A_1206 : i32 to index
        %get3A_1208 = arith.constant 96 : index
        %get3A_1209 = tpu.vector_load %arg10[%get3A_1207, %get3A_1208] {strides = array<i32>} : memref<320x128xf32, #tpu.memory_space<vmem>>, vector<1x16xf32>,
        %get3A_1210 = vector.shape_cast %get3A_1209 : vector<1x16xf32> to vector<16xf32>
        %add3A_1211 = arith.addf %get3A_1204, %get3A_1210 : vector<16xf32>
        %add3A_1212 = arith.addf %add3A_1211, %get3A_992 : vector<16xf32>
        %mul3A_1213 = arith.constant 2.000000e-01 : f32
        %mul3A_1214 = vector.broadcast %mul3A_1213 : f32 to vector<16xf32>
        %mul3A_1215 = arith.mulf %add3A_1212, %mul3A_1214 : vector<16xf32>
        %max3A_1216 = arith.maximumf %add3A_1212, %mul3A_1215 : vector<16xf32>
        %max3A_1217 = arith.maximumf %max3A_1198, %max3A_1216 : vector<16xf32>
        %add3A_1218 = arith.constant 12 : i32
        %add3A_1219 = arith.addi %mul3A_994, %add3A_1218 : i32
        %get3A_1220 = arith.index_cast %add3A_1219 : i32 to index
        %get3A_1221 = arith.constant 32 : index
        %get3A_1222 = tpu.vector_load %arg9[%get3A_1220, %get3A_1221] {strides = array<i32>} : memref<320x128xf32, #tpu.memory_space<vmem>>, vector<1x16xf32>,
        %get3A_1223 = vector.shape_cast %get3A_1222 : vector<1x16xf32> to vector<16xf32>
        %add3A_1224 = arith.constant 12 : i32
        %add3A_1225 = arith.addi %mul3A_994, %add3A_1224 : i32
        %get3A_1226 = arith.index_cast %add3A_1225 : i32 to index
        %get3A_1227 = arith.constant 96 : index
        %get3A_1228 = tpu.vector_load %arg10[%get3A_1226, %get3A_1227] {strides = array<i32>} : memref<320x128xf32, #tpu.memory_space<vmem>>, vector<1x16xf32>,
        %get3A_1229 = vector.shape_cast %get3A_1228 : vector<1x16xf32> to vector<16xf32>
        %add3A_1230 = arith.addf %get3A_1223, %get3A_1229 : vector<16xf32>
        %add3A_1231 = arith.addf %add3A_1230, %get3A_992 : vector<16xf32>
        %mul3A_1232 = arith.constant 2.000000e-01 : f32
        %mul3A_1233 = vector.broadcast %mul3A_1232 : f32 to vector<16xf32>
        %mul3A_1234 = arith.mulf %add3A_1231, %mul3A_1233 : vector<16xf32>
        %max3A_1235 = arith.maximumf %add3A_1231, %mul3A_1234 : vector<16xf32>
        %max3A_1236 = arith.maximumf %max3A_1217, %max3A_1235 : vector<16xf32>
        %add3A_1237 = arith.constant 13 : i32
        %add3A_1238 = arith.addi %mul3A_994, %add3A_1237 : i32
        %get3A_1239 = arith.index_cast %add3A_1238 : i32 to index
        %get3A_1240 = arith.constant 32 : index
        %get3A_1241 = tpu.vector_load %arg9[%get3A_1239, %get3A_1240] {strides = array<i32>} : memref<320x128xf32, #tpu.memory_space<vmem>>, vector<1x16xf32>,
        %get3A_1242 = vector.shape_cast %get3A_1241 : vector<1x16xf32> to vector<16xf32>
        %add3A_1243 = arith.constant 13 : i32
        %add3A_1244 = arith.addi %mul3A_994, %add3A_1243 : i32
        %get3A_1245 = arith.index_cast %add3A_1244 : i32 to index
        %get3A_1246 = arith.constant 96 : index
        %get3A_1247 = tpu.vector_load %arg10[%get3A_1245, %get3A_1246] {strides = array<i32>} : memref<320x128xf32, #tpu.memory_space<vmem>>, vector<1x16xf32>,
        %get3A_1248 = vector.shape_cast %get3A_1247 : vector<1x16xf32> to vector<16xf32>
        %add3A_1249 = arith.addf %get3A_1242, %get3A_1248 : vector<16xf32>
        %add3A_1250 = arith.addf %add3A_1249, %get3A_992 : vector<16xf32>
        %mul3A_1251 = arith.constant 2.000000e-01 : f32
        %mul3A_1252 = vector.broadcast %mul3A_1251 : f32 to vector<16xf32>
        %mul3A_1253 = arith.mulf %add3A_1250, %mul3A_1252 : vector<16xf32>
        %max3A_1254 = arith.maximumf %add3A_1250, %mul3A_1253 : vector<16xf32>
        %max3A_1255 = arith.maximumf %max3A_1236, %max3A_1254 : vector<16xf32>
        %add3A_1256 = arith.constant 14 : i32
        %add3A_1257 = arith.addi %mul3A_994, %add3A_1256 : i32
        %get3A_1258 = arith.index_cast %add3A_1257 : i32 to index
        %get3A_1259 = arith.constant 32 : index
        %get3A_1260 = tpu.vector_load %arg9[%get3A_1258, %get3A_1259] {strides = array<i32>} : memref<320x128xf32, #tpu.memory_space<vmem>>, vector<1x16xf32>,
        %get3A_1261 = vector.shape_cast %get3A_1260 : vector<1x16xf32> to vector<16xf32>
        %add3A_1262 = arith.constant 14 : i32
        %add3A_1263 = arith.addi %mul3A_994, %add3A_1262 : i32
        %get3A_1264 = arith.index_cast %add3A_1263 : i32 to index
        %get3A_1265 = arith.constant 96 : index
        %get3A_1266 = tpu.vector_load %arg10[%get3A_1264, %get3A_1265] {strides = array<i32>} : memref<320x128xf32, #tpu.memory_space<vmem>>, vector<1x16xf32>,
        %get3A_1267 = vector.shape_cast %get3A_1266 : vector<1x16xf32> to vector<16xf32>
        %add3A_1268 = arith.addf %get3A_1261, %get3A_1267 : vector<16xf32>
        %add3A_1269 = arith.addf %add3A_1268, %get3A_992 : vector<16xf32>
        %mul3A_1270 = arith.constant 2.000000e-01 : f32
        %mul3A_1271 = vector.broadcast %mul3A_1270 : f32 to vector<16xf32>
        %mul3A_1272 = arith.mulf %add3A_1269, %mul3A_1271 : vector<16xf32>
        %max3A_1273 = arith.maximumf %add3A_1269, %mul3A_1272 : vector<16xf32>
        %max3A_1274 = arith.maximumf %max3A_1255, %max3A_1273 : vector<16xf32>
        %add3A_1275 = arith.constant 15 : i32
        %add3A_1276 = arith.addi %mul3A_994, %add3A_1275 : i32
        %get3A_1277 = arith.index_cast %add3A_1276 : i32 to index
        %get3A_1278 = arith.constant 32 : index
        %get3A_1279 = tpu.vector_load %arg9[%get3A_1277, %get3A_1278] {strides = array<i32>} : memref<320x128xf32, #tpu.memory_space<vmem>>, vector<1x16xf32>,
        %get3A_1280 = vector.shape_cast %get3A_1279 : vector<1x16xf32> to vector<16xf32>
        %add3A_1281 = arith.constant 15 : i32
        %add3A_1282 = arith.addi %mul3A_994, %add3A_1281 : i32
        %get3A_1283 = arith.index_cast %add3A_1282 : i32 to index
        %get3A_1284 = arith.constant 96 : index
        %get3A_1285 = tpu.vector_load %arg10[%get3A_1283, %get3A_1284] {strides = array<i32>} : memref<320x128xf32, #tpu.memory_space<vmem>>, vector<1x16xf32>,
        %get3A_1286 = vector.shape_cast %get3A_1285 : vector<1x16xf32> to vector<16xf32>
        %add3A_1287 = arith.addf %get3A_1280, %get3A_1286 : vector<16xf32>
        %add3A_1288 = arith.addf %add3A_1287, %get3A_992 : vector<16xf32>
        %mul3A_1289 = arith.constant 2.000000e-01 : f32
        %mul3A_1290 = vector.broadcast %mul3A_1289 : f32 to vector<16xf32>
        %mul3A_1291 = arith.mulf %add3A_1288, %mul3A_1290 : vector<16xf32>
        %max3A_1292 = arith.maximumf %add3A_1288, %mul3A_1291 : vector<16xf32>
        %max3A_1293 = arith.maximumf %max3A_1274, %max3A_1292 : vector<16xf32>
        %add3A_1294 = arith.constant 16 : i32
        %add3A_1295 = arith.addi %mul3A_994, %add3A_1294 : i32
        %get3A_1296 = arith.index_cast %add3A_1295 : i32 to index
        %get3A_1297 = arith.constant 32 : index
        %get3A_1298 = tpu.vector_load %arg9[%get3A_1296, %get3A_1297] {strides = array<i32>} : memref<320x128xf32, #tpu.memory_space<vmem>>, vector<1x16xf32>,
        %get3A_1299 = vector.shape_cast %get3A_1298 : vector<1x16xf32> to vector<16xf32>
        %add3A_1300 = arith.constant 16 : i32
        %add3A_1301 = arith.addi %mul3A_994, %add3A_1300 : i32
        %get3A_1302 = arith.index_cast %add3A_1301 : i32 to index
        %get3A_1303 = arith.constant 96 : index
        %get3A_1304 = tpu.vector_load %arg10[%get3A_1302, %get3A_1303] {strides = array<i32>} : memref<320x128xf32, #tpu.memory_space<vmem>>, vector<1x16xf32>,
        %get3A_1305 = vector.shape_cast %get3A_1304 : vector<1x16xf32> to vector<16xf32>
        %add3A_1306 = arith.addf %get3A_1299, %get3A_1305 : vector<16xf32>
        %add3A_1307 = arith.addf %add3A_1306, %get3A_992 : vector<16xf32>
        %mul3A_1308 = arith.constant 2.000000e-01 : f32
        %mul3A_1309 = vector.broadcast %mul3A_1308 : f32 to vector<16xf32>
        %mul3A_1310 = arith.mulf %add3A_1307, %mul3A_1309 : vector<16xf32>
        %max3A_1311 = arith.maximumf %add3A_1307, %mul3A_1310 : vector<16xf32>
        %max3A_1312 = arith.maximumf %max3A_1293, %max3A_1311 : vector<16xf32>
        %add3A_1313 = arith.constant 17 : i32
        %add3A_1314 = arith.addi %mul3A_994, %add3A_1313 : i32
        %get3A_1315 = arith.index_cast %add3A_1314 : i32 to index
        %get3A_1316 = arith.constant 32 : index
        %get3A_1317 = tpu.vector_load %arg9[%get3A_1315, %get3A_1316] {strides = array<i32>} : memref<320x128xf32, #tpu.memory_space<vmem>>, vector<1x16xf32>,
        %get3A_1318 = vector.shape_cast %get3A_1317 : vector<1x16xf32> to vector<16xf32>
        %add3A_1319 = arith.constant 17 : i32
        %add3A_1320 = arith.addi %mul3A_994, %add3A_1319 : i32
        %get3A_1321 = arith.index_cast %add3A_1320 : i32 to index
        %get3A_1322 = arith.constant 96 : index
        %get3A_1323 = tpu.vector_load %arg10[%get3A_1321, %get3A_1322] {strides = array<i32>} : memref<320x128xf32, #tpu.memory_space<vmem>>, vector<1x16xf32>,
        %get3A_1324 = vector.shape_cast %get3A_1323 : vector<1x16xf32> to vector<16xf32>
        %add3A_1325 = arith.addf %get3A_1318, %get3A_1324 : vector<16xf32>
        %add3A_1326 = arith.addf %add3A_1325, %get3A_992 : vector<16xf32>
        %mul3A_1327 = arith.constant 2.000000e-01 : f32
        %mul3A_1328 = vector.broadcast %mul3A_1327 : f32 to vector<16xf32>
        %mul3A_1329 = arith.mulf %add3A_1326, %mul3A_1328 : vector<16xf32>
        %max3A_1330 = arith.maximumf %add3A_1326, %mul3A_1329 : vector<16xf32>
        %max3A_1331 = arith.maximumf %max3A_1312, %max3A_1330 : vector<16xf32>
        %add3A_1332 = arith.constant 18 : i32
        %add3A_1333 = arith.addi %mul3A_994, %add3A_1332 : i32
        %get3A_1334 = arith.index_cast %add3A_1333 : i32 to index
        %get3A_1335 = arith.constant 32 : index
        %get3A_1336 = tpu.vector_load %arg9[%get3A_1334, %get3A_1335] {strides = array<i32>} : memref<320x128xf32, #tpu.memory_space<vmem>>, vector<1x16xf32>,
        %get3A_1337 = vector.shape_cast %get3A_1336 : vector<1x16xf32> to vector<16xf32>
        %add3A_1338 = arith.constant 18 : i32
        %add3A_1339 = arith.addi %mul3A_994, %add3A_1338 : i32
        %get3A_1340 = arith.index_cast %add3A_1339 : i32 to index
        %get3A_1341 = arith.constant 96 : index
        %get3A_1342 = tpu.vector_load %arg10[%get3A_1340, %get3A_1341] {strides = array<i32>} : memref<320x128xf32, #tpu.memory_space<vmem>>, vector<1x16xf32>,
        %get3A_1343 = vector.shape_cast %get3A_1342 : vector<1x16xf32> to vector<16xf32>
        %add3A_1344 = arith.addf %get3A_1337, %get3A_1343 : vector<16xf32>
        %add3A_1345 = arith.addf %add3A_1344, %get3A_992 : vector<16xf32>
        %mul3A_1346 = arith.constant 2.000000e-01 : f32
        %mul3A_1347 = vector.broadcast %mul3A_1346 : f32 to vector<16xf32>
        %mul3A_1348 = arith.mulf %add3A_1345, %mul3A_1347 : vector<16xf32>
        %max3A_1349 = arith.maximumf %add3A_1345, %mul3A_1348 : vector<16xf32>
        %max3A_1350 = arith.maximumf %max3A_1331, %max3A_1349 : vector<16xf32>
        %add3A_1351 = arith.constant 19 : i32
        %add3A_1352 = arith.addi %mul3A_994, %add3A_1351 : i32
        %get3A_1353 = arith.index_cast %add3A_1352 : i32 to index
        %get3A_1354 = arith.constant 32 : index
        %get3A_1355 = tpu.vector_load %arg9[%get3A_1353, %get3A_1354] {strides = array<i32>} : memref<320x128xf32, #tpu.memory_space<vmem>>, vector<1x16xf32>,
        %get3A_1356 = vector.shape_cast %get3A_1355 : vector<1x16xf32> to vector<16xf32>
        %add3A_1357 = arith.constant 19 : i32
        %add3A_1358 = arith.addi %mul3A_994, %add3A_1357 : i32
        %get3A_1359 = arith.index_cast %add3A_1358 : i32 to index
        %get3A_1360 = arith.constant 96 : index
        %get3A_1361 = tpu.vector_load %arg10[%get3A_1359, %get3A_1360] {strides = array<i32>} : memref<320x128xf32, #tpu.memory_space<vmem>>, vector<1x16xf32>,
        %get3A_1362 = vector.shape_cast %get3A_1361 : vector<1x16xf32> to vector<16xf32>
        %add3A_1363 = arith.addf %get3A_1356, %get3A_1362 : vector<16xf32>
        %add3A_1364 = arith.addf %add3A_1363, %get3A_992 : vector<16xf32>
        %mul3A_1365 = arith.constant 2.000000e-01 : f32
        %mul3A_1366 = vector.broadcast %mul3A_1365 : f32 to vector<16xf32>
        %mul3A_1367 = arith.mulf %add3A_1364, %mul3A_1366 : vector<16xf32>
        %max3A_1368 = arith.maximumf %add3A_1364, %mul3A_1367 : vector<16xf32>
        %max3A_1369 = arith.maximumf %max3A_1350, %max3A_1368 : vector<16xf32>
        %swap3A_1370 = arith.index_cast %scan3A_219 : i32 to index
        %swap3A_1371 = arith.constant 32 : index
        %swap3A_1372 = tpu.vector_load %arg12[%swap3A_1370, %swap3A_1371] {strides = array<i32>} : memref<16x64xf32, #tpu.memory_space<vmem>>, vector<1x16xf32>,
        %swap3A_1373 = vector.shape_cast %swap3A_1372 : vector<1x16xf32> to vector<16xf32>
        %swap3A_1374 = vector.shape_cast %max3A_1369 : vector<16xf32> to vector<1x16xf32>
        tpu.vector_store %arg12[%swap3A_1370, %swap3A_1371], %swap3A_1374 {strides = array<i32>} : memref<16x64xf32, #tpu.memory_space<vmem>>, vector<1x16xf32>,
        %get3A_1375 = arith.index_cast %scan3A_219 : i32 to index
        %get3A_1376 = arith.constant 48 : index
        %get3A_1377 = tpu.vector_load %arg11[%get3A_1375, %get3A_1376] {strides = array<i32>} : memref<16x64xf32, #tpu.memory_space<vmem>>, vector<1x16xf32>,
        %get3A_1378 = vector.shape_cast %get3A_1377 : vector<1x16xf32> to vector<16xf32>
        %mul3A_1379 = arith.constant 20 : i32
        %mul3A_1380 = arith.muli %scan3A_219, %mul3A_1379 : i32
        %get3A_1381 = arith.index_cast %mul3A_1380 : i32 to index
        %get3A_1382 = arith.constant 48 : index
        %get3A_1383 = tpu.vector_load %arg9[%get3A_1381, %get3A_1382] {strides = array<i32>} : memref<320x128xf32, #tpu.memory_space<vmem>>, vector<1x16xf32>,
        %get3A_1384 = vector.shape_cast %get3A_1383 : vector<1x16xf32> to vector<16xf32>
        %get3A_1385 = arith.index_cast %mul3A_1380 : i32 to index
        %get3A_1386 = arith.constant 112 : index
        %get3A_1387 = tpu.vector_load %arg10[%get3A_1385, %get3A_1386] {strides = array<i32>} : memref<320x128xf32, #tpu.memory_space<vmem>>, vector<1x16xf32>,
        %get3A_1388 = vector.shape_cast %get3A_1387 : vector<1x16xf32> to vector<16xf32>
        %add3A_1389 = arith.addf %get3A_1384, %get3A_1388 : vector<16xf32>
        %add3A_1390 = arith.addf %add3A_1389, %get3A_1378 : vector<16xf32>
        %mul3A_1391 = arith.constant 2.000000e-01 : f32
        %mul3A_1392 = vector.broadcast %mul3A_1391 : f32 to vector<16xf32>
        %mul3A_1393 = arith.mulf %add3A_1390, %mul3A_1392 : vector<16xf32>
        %max3A_1394 = arith.maximumf %add3A_1390, %mul3A_1393 : vector<16xf32>
        %add3A_1395 = arith.constant 1 : i32
        %add3A_1396 = arith.addi %mul3A_1380, %add3A_1395 : i32
        %get3A_1397 = arith.index_cast %add3A_1396 : i32 to index
        %get3A_1398 = arith.constant 48 : index
        %get3A_1399 = tpu.vector_load %arg9[%get3A_1397, %get3A_1398] {strides = array<i32>} : memref<320x128xf32, #tpu.memory_space<vmem>>, vector<1x16xf32>,
        %get3A_1400 = vector.shape_cast %get3A_1399 : vector<1x16xf32> to vector<16xf32>
        %add3A_1401 = arith.constant 1 : i32
        %add3A_1402 = arith.addi %mul3A_1380, %add3A_1401 : i32
        %get3A_1403 = arith.index_cast %add3A_1402 : i32 to index
        %get3A_1404 = arith.constant 112 : index
        %get3A_1405 = tpu.vector_load %arg10[%get3A_1403, %get3A_1404] {strides = array<i32>} : memref<320x128xf32, #tpu.memory_space<vmem>>, vector<1x16xf32>,
        %get3A_1406 = vector.shape_cast %get3A_1405 : vector<1x16xf32> to vector<16xf32>
        %add3A_1407 = arith.addf %get3A_1400, %get3A_1406 : vector<16xf32>
        %add3A_1408 = arith.addf %add3A_1407, %get3A_1378 : vector<16xf32>
        %mul3A_1409 = arith.constant 2.000000e-01 : f32
        %mul3A_1410 = vector.broadcast %mul3A_1409 : f32 to vector<16xf32>
        %mul3A_1411 = arith.mulf %add3A_1408, %mul3A_1410 : vector<16xf32>
        %max3A_1412 = arith.maximumf %add3A_1408, %mul3A_1411 : vector<16xf32>
        %max3A_1413 = arith.maximumf %max3A_1394, %max3A_1412 : vector<16xf32>
        %add3A_1414 = arith.constant 2 : i32
        %add3A_1415 = arith.addi %mul3A_1380, %add3A_1414 : i32
        %get3A_1416 = arith.index_cast %add3A_1415 : i32 to index
        %get3A_1417 = arith.constant 48 : index
        %get3A_1418 = tpu.vector_load %arg9[%get3A_1416, %get3A_1417] {strides = array<i32>} : memref<320x128xf32, #tpu.memory_space<vmem>>, vector<1x16xf32>,
        %get3A_1419 = vector.shape_cast %get3A_1418 : vector<1x16xf32> to vector<16xf32>
        %add3A_1420 = arith.constant 2 : i32
        %add3A_1421 = arith.addi %mul3A_1380, %add3A_1420 : i32
        %get3A_1422 = arith.index_cast %add3A_1421 : i32 to index
        %get3A_1423 = arith.constant 112 : index
        %get3A_1424 = tpu.vector_load %arg10[%get3A_1422, %get3A_1423] {strides = array<i32>} : memref<320x128xf32, #tpu.memory_space<vmem>>, vector<1x16xf32>,
        %get3A_1425 = vector.shape_cast %get3A_1424 : vector<1x16xf32> to vector<16xf32>
        %add3A_1426 = arith.addf %get3A_1419, %get3A_1425 : vector<16xf32>
        %add3A_1427 = arith.addf %add3A_1426, %get3A_1378 : vector<16xf32>
        %mul3A_1428 = arith.constant 2.000000e-01 : f32
        %mul3A_1429 = vector.broadcast %mul3A_1428 : f32 to vector<16xf32>
        %mul3A_1430 = arith.mulf %add3A_1427, %mul3A_1429 : vector<16xf32>
        %max3A_1431 = arith.maximumf %add3A_1427, %mul3A_1430 : vector<16xf32>
        %max3A_1432 = arith.maximumf %max3A_1413, %max3A_1431 : vector<16xf32>
        %add3A_1433 = arith.constant 3 : i32
        %add3A_1434 = arith.addi %mul3A_1380, %add3A_1433 : i32
        %get3A_1435 = arith.index_cast %add3A_1434 : i32 to index
        %get3A_1436 = arith.constant 48 : index
        %get3A_1437 = tpu.vector_load %arg9[%get3A_1435, %get3A_1436] {strides = array<i32>} : memref<320x128xf32, #tpu.memory_space<vmem>>, vector<1x16xf32>,
        %get3A_1438 = vector.shape_cast %get3A_1437 : vector<1x16xf32> to vector<16xf32>
        %add3A_1439 = arith.constant 3 : i32
        %add3A_1440 = arith.addi %mul3A_1380, %add3A_1439 : i32
        %get3A_1441 = arith.index_cast %add3A_1440 : i32 to index
        %get3A_1442 = arith.constant 112 : index
        %get3A_1443 = tpu.vector_load %arg10[%get3A_1441, %get3A_1442] {strides = array<i32>} : memref<320x128xf32, #tpu.memory_space<vmem>>, vector<1x16xf32>,
        %get3A_1444 = vector.shape_cast %get3A_1443 : vector<1x16xf32> to vector<16xf32>
        %add3A_1445 = arith.addf %get3A_1438, %get3A_1444 : vector<16xf32>
        %add3A_1446 = arith.addf %add3A_1445, %get3A_1378 : vector<16xf32>
        %mul3A_1447 = arith.constant 2.000000e-01 : f32
        %mul3A_1448 = vector.broadcast %mul3A_1447 : f32 to vector<16xf32>
        %mul3A_1449 = arith.mulf %add3A_1446, %mul3A_1448 : vector<16xf32>
        %max3A_1450 = arith.maximumf %add3A_1446, %mul3A_1449 : vector<16xf32>
        %max3A_1451 = arith.maximumf %max3A_1432, %max3A_1450 : vector<16xf32>
        %add3A_1452 = arith.constant 4 : i32
        %add3A_1453 = arith.addi %mul3A_1380, %add3A_1452 : i32
        %get3A_1454 = arith.index_cast %add3A_1453 : i32 to index
        %get3A_1455 = arith.constant 48 : index
        %get3A_1456 = tpu.vector_load %arg9[%get3A_1454, %get3A_1455] {strides = array<i32>} : memref<320x128xf32, #tpu.memory_space<vmem>>, vector<1x16xf32>,
        %get3A_1457 = vector.shape_cast %get3A_1456 : vector<1x16xf32> to vector<16xf32>
        %add3A_1458 = arith.constant 4 : i32
        %add3A_1459 = arith.addi %mul3A_1380, %add3A_1458 : i32
        %get3A_1460 = arith.index_cast %add3A_1459 : i32 to index
        %get3A_1461 = arith.constant 112 : index
        %get3A_1462 = tpu.vector_load %arg10[%get3A_1460, %get3A_1461] {strides = array<i32>} : memref<320x128xf32, #tpu.memory_space<vmem>>, vector<1x16xf32>,
        %get3A_1463 = vector.shape_cast %get3A_1462 : vector<1x16xf32> to vector<16xf32>
        %add3A_1464 = arith.addf %get3A_1457, %get3A_1463 : vector<16xf32>
        %add3A_1465 = arith.addf %add3A_1464, %get3A_1378 : vector<16xf32>
        %mul3A_1466 = arith.constant 2.000000e-01 : f32
        %mul3A_1467 = vector.broadcast %mul3A_1466 : f32 to vector<16xf32>
        %mul3A_1468 = arith.mulf %add3A_1465, %mul3A_1467 : vector<16xf32>
        %max3A_1469 = arith.maximumf %add3A_1465, %mul3A_1468 : vector<16xf32>
        %max3A_1470 = arith.maximumf %max3A_1451, %max3A_1469 : vector<16xf32>
        %add3A_1471 = arith.constant 5 : i32
        %add3A_1472 = arith.addi %mul3A_1380, %add3A_1471 : i32
        %get3A_1473 = arith.index_cast %add3A_1472 : i32 to index
        %get3A_1474 = arith.constant 48 : index
        %get3A_1475 = tpu.vector_load %arg9[%get3A_1473, %get3A_1474] {strides = array<i32>} : memref<320x128xf32, #tpu.memory_space<vmem>>, vector<1x16xf32>,
        %get3A_1476 = vector.shape_cast %get3A_1475 : vector<1x16xf32> to vector<16xf32>
        %add3A_1477 = arith.constant 5 : i32
        %add3A_1478 = arith.addi %mul3A_1380, %add3A_1477 : i32
        %get3A_1479 = arith.index_cast %add3A_1478 : i32 to index
        %get3A_1480 = arith.constant 112 : index
        %get3A_1481 = tpu.vector_load %arg10[%get3A_1479, %get3A_1480] {strides = array<i32>} : memref<320x128xf32, #tpu.memory_space<vmem>>, vector<1x16xf32>,
        %get3A_1482 = vector.shape_cast %get3A_1481 : vector<1x16xf32> to vector<16xf32>
        %add3A_1483 = arith.addf %get3A_1476, %get3A_1482 : vector<16xf32>
        %add3A_1484 = arith.addf %add3A_1483, %get3A_1378 : vector<16xf32>
        %mul3A_1485 = arith.constant 2.000000e-01 : f32
        %mul3A_1486 = vector.broadcast %mul3A_1485 : f32 to vector<16xf32>
        %mul3A_1487 = arith.mulf %add3A_1484, %mul3A_1486 : vector<16xf32>
        %max3A_1488 = arith.maximumf %add3A_1484, %mul3A_1487 : vector<16xf32>
        %max3A_1489 = arith.maximumf %max3A_1470, %max3A_1488 : vector<16xf32>
        %add3A_1490 = arith.constant 6 : i32
        %add3A_1491 = arith.addi %mul3A_1380, %add3A_1490 : i32
        %get3A_1492 = arith.index_cast %add3A_1491 : i32 to index
        %get3A_1493 = arith.constant 48 : index
        %get3A_1494 = tpu.vector_load %arg9[%get3A_1492, %get3A_1493] {strides = array<i32>} : memref<320x128xf32, #tpu.memory_space<vmem>>, vector<1x16xf32>,
        %get3A_1495 = vector.shape_cast %get3A_1494 : vector<1x16xf32> to vector<16xf32>
        %add3A_1496 = arith.constant 6 : i32
        %add3A_1497 = arith.addi %mul3A_1380, %add3A_1496 : i32
        %get3A_1498 = arith.index_cast %add3A_1497 : i32 to index
        %get3A_1499 = arith.constant 112 : index
        %get3A_1500 = tpu.vector_load %arg10[%get3A_1498, %get3A_1499] {strides = array<i32>} : memref<320x128xf32, #tpu.memory_space<vmem>>, vector<1x16xf32>,
        %get3A_1501 = vector.shape_cast %get3A_1500 : vector<1x16xf32> to vector<16xf32>
        %add3A_1502 = arith.addf %get3A_1495, %get3A_1501 : vector<16xf32>
        %add3A_1503 = arith.addf %add3A_1502, %get3A_1378 : vector<16xf32>
        %mul3A_1504 = arith.constant 2.000000e-01 : f32
        %mul3A_1505 = vector.broadcast %mul3A_1504 : f32 to vector<16xf32>
        %mul3A_1506 = arith.mulf %add3A_1503, %mul3A_1505 : vector<16xf32>
        %max3A_1507 = arith.maximumf %add3A_1503, %mul3A_1506 : vector<16xf32>
        %max3A_1508 = arith.maximumf %max3A_1489, %max3A_1507 : vector<16xf32>
        %add3A_1509 = arith.constant 7 : i32
        %add3A_1510 = arith.addi %mul3A_1380, %add3A_1509 : i32
        %get3A_1511 = arith.index_cast %add3A_1510 : i32 to index
        %get3A_1512 = arith.constant 48 : index
        %get3A_1513 = tpu.vector_load %arg9[%get3A_1511, %get3A_1512] {strides = array<i32>} : memref<320x128xf32, #tpu.memory_space<vmem>>, vector<1x16xf32>,
        %get3A_1514 = vector.shape_cast %get3A_1513 : vector<1x16xf32> to vector<16xf32>
        %add3A_1515 = arith.constant 7 : i32
        %add3A_1516 = arith.addi %mul3A_1380, %add3A_1515 : i32
        %get3A_1517 = arith.index_cast %add3A_1516 : i32 to index
        %get3A_1518 = arith.constant 112 : index
        %get3A_1519 = tpu.vector_load %arg10[%get3A_1517, %get3A_1518] {strides = array<i32>} : memref<320x128xf32, #tpu.memory_space<vmem>>, vector<1x16xf32>,
        %get3A_1520 = vector.shape_cast %get3A_1519 : vector<1x16xf32> to vector<16xf32>
        %add3A_1521 = arith.addf %get3A_1514, %get3A_1520 : vector<16xf32>
        %add3A_1522 = arith.addf %add3A_1521, %get3A_1378 : vector<16xf32>
        %mul3A_1523 = arith.constant 2.000000e-01 : f32
        %mul3A_1524 = vector.broadcast %mul3A_1523 : f32 to vector<16xf32>
        %mul3A_1525 = arith.mulf %add3A_1522, %mul3A_1524 : vector<16xf32>
        %max3A_1526 = arith.maximumf %add3A_1522, %mul3A_1525 : vector<16xf32>
        %max3A_1527 = arith.maximumf %max3A_1508, %max3A_1526 : vector<16xf32>
        %add3A_1528 = arith.constant 8 : i32
        %add3A_1529 = arith.addi %mul3A_1380, %add3A_1528 : i32
        %get3A_1530 = arith.index_cast %add3A_1529 : i32 to index
        %get3A_1531 = arith.constant 48 : index
        %get3A_1532 = tpu.vector_load %arg9[%get3A_1530, %get3A_1531] {strides = array<i32>} : memref<320x128xf32, #tpu.memory_space<vmem>>, vector<1x16xf32>,
        %get3A_1533 = vector.shape_cast %get3A_1532 : vector<1x16xf32> to vector<16xf32>
        %add3A_1534 = arith.constant 8 : i32
        %add3A_1535 = arith.addi %mul3A_1380, %add3A_1534 : i32
        %get3A_1536 = arith.index_cast %add3A_1535 : i32 to index
        %get3A_1537 = arith.constant 112 : index
        %get3A_1538 = tpu.vector_load %arg10[%get3A_1536, %get3A_1537] {strides = array<i32>} : memref<320x128xf32, #tpu.memory_space<vmem>>, vector<1x16xf32>,
        %get3A_1539 = vector.shape_cast %get3A_1538 : vector<1x16xf32> to vector<16xf32>
        %add3A_1540 = arith.addf %get3A_1533, %get3A_1539 : vector<16xf32>
        %add3A_1541 = arith.addf %add3A_1540, %get3A_1378 : vector<16xf32>
        %mul3A_1542 = arith.constant 2.000000e-01 : f32
        %mul3A_1543 = vector.broadcast %mul3A_1542 : f32 to vector<16xf32>
        %mul3A_1544 = arith.mulf %add3A_1541, %mul3A_1543 : vector<16xf32>
        %max3A_1545 = arith.maximumf %add3A_1541, %mul3A_1544 : vector<16xf32>
        %max3A_1546 = arith.maximumf %max3A_1527, %max3A_1545 : vector<16xf32>
        %add3A_1547 = arith.constant 9 : i32
        %add3A_1548 = arith.addi %mul3A_1380, %add3A_1547 : i32
        %get3A_1549 = arith.index_cast %add3A_1548 : i32 to index
        %get3A_1550 = arith.constant 48 : index
        %get3A_1551 = tpu.vector_load %arg9[%get3A_1549, %get3A_1550] {strides = array<i32>} : memref<320x128xf32, #tpu.memory_space<vmem>>, vector<1x16xf32>,
        %get3A_1552 = vector.shape_cast %get3A_1551 : vector<1x16xf32> to vector<16xf32>
        %add3A_1553 = arith.constant 9 : i32
        %add3A_1554 = arith.addi %mul3A_1380, %add3A_1553 : i32
        %get3A_1555 = arith.index_cast %add3A_1554 : i32 to index
        %get3A_1556 = arith.constant 112 : index
        %get3A_1557 = tpu.vector_load %arg10[%get3A_1555, %get3A_1556] {strides = array<i32>} : memref<320x128xf32, #tpu.memory_space<vmem>>, vector<1x16xf32>,
        %get3A_1558 = vector.shape_cast %get3A_1557 : vector<1x16xf32> to vector<16xf32>
        %add3A_1559 = arith.addf %get3A_1552, %get3A_1558 : vector<16xf32>
        %add3A_1560 = arith.addf %add3A_1559, %get3A_1378 : vector<16xf32>
        %mul3A_1561 = arith.constant 2.000000e-01 : f32
        %mul3A_1562 = vector.broadcast %mul3A_1561 : f32 to vector<16xf32>
        %mul3A_1563 = arith.mulf %add3A_1560, %mul3A_1562 : vector<16xf32>
        %max3A_1564 = arith.maximumf %add3A_1560, %mul3A_1563 : vector<16xf32>
        %max3A_1565 = arith.maximumf %max3A_1546, %max3A_1564 : vector<16xf32>
        %add3A_1566 = arith.constant 10 : i32
        %add3A_1567 = arith.addi %mul3A_1380, %add3A_1566 : i32
        %get3A_1568 = arith.index_cast %add3A_1567 : i32 to index
        %get3A_1569 = arith.constant 48 : index
        %get3A_1570 = tpu.vector_load %arg9[%get3A_1568, %get3A_1569] {strides = array<i32>} : memref<320x128xf32, #tpu.memory_space<vmem>>, vector<1x16xf32>,
        %get3A_1571 = vector.shape_cast %get3A_1570 : vector<1x16xf32> to vector<16xf32>
        %add3A_1572 = arith.constant 10 : i32
        %add3A_1573 = arith.addi %mul3A_1380, %add3A_1572 : i32
        %get3A_1574 = arith.index_cast %add3A_1573 : i32 to index
        %get3A_1575 = arith.constant 112 : index
        %get3A_1576 = tpu.vector_load %arg10[%get3A_1574, %get3A_1575] {strides = array<i32>} : memref<320x128xf32, #tpu.memory_space<vmem>>, vector<1x16xf32>,
        %get3A_1577 = vector.shape_cast %get3A_1576 : vector<1x16xf32> to vector<16xf32>
        %add3A_1578 = arith.addf %get3A_1571, %get3A_1577 : vector<16xf32>
        %add3A_1579 = arith.addf %add3A_1578, %get3A_1378 : vector<16xf32>
        %mul3A_1580 = arith.constant 2.000000e-01 : f32
        %mul3A_1581 = vector.broadcast %mul3A_1580 : f32 to vector<16xf32>
        %mul3A_1582 = arith.mulf %add3A_1579, %mul3A_1581 : vector<16xf32>
        %max3A_1583 = arith.maximumf %add3A_1579, %mul3A_1582 : vector<16xf32>
        %max3A_1584 = arith.maximumf %max3A_1565, %max3A_1583 : vector<16xf32>
        %add3A_1585 = arith.constant 11 : i32
        %add3A_1586 = arith.addi %mul3A_1380, %add3A_1585 : i32
        %get3A_1587 = arith.index_cast %add3A_1586 : i32 to index
        %get3A_1588 = arith.constant 48 : index
        %get3A_1589 = tpu.vector_load %arg9[%get3A_1587, %get3A_1588] {strides = array<i32>} : memref<320x128xf32, #tpu.memory_space<vmem>>, vector<1x16xf32>,
        %get3A_1590 = vector.shape_cast %get3A_1589 : vector<1x16xf32> to vector<16xf32>
        %add3A_1591 = arith.constant 11 : i32
        %add3A_1592 = arith.addi %mul3A_1380, %add3A_1591 : i32
        %get3A_1593 = arith.index_cast %add3A_1592 : i32 to index
        %get3A_1594 = arith.constant 112 : index
        %get3A_1595 = tpu.vector_load %arg10[%get3A_1593, %get3A_1594] {strides = array<i32>} : memref<320x128xf32, #tpu.memory_space<vmem>>, vector<1x16xf32>,
        %get3A_1596 = vector.shape_cast %get3A_1595 : vector<1x16xf32> to vector<16xf32>
        %add3A_1597 = arith.addf %get3A_1590, %get3A_1596 : vector<16xf32>
        %add3A_1598 = arith.addf %add3A_1597, %get3A_1378 : vector<16xf32>
        %mul3A_1599 = arith.constant 2.000000e-01 : f32
        %mul3A_1600 = vector.broadcast %mul3A_1599 : f32 to vector<16xf32>
        %mul3A_1601 = arith.mulf %add3A_1598, %mul3A_1600 : vector<16xf32>
        %max3A_1602 = arith.maximumf %add3A_1598, %mul3A_1601 : vector<16xf32>
        %max3A_1603 = arith.maximumf %max3A_1584, %max3A_1602 : vector<16xf32>
        %add3A_1604 = arith.constant 12 : i32
        %add3A_1605 = arith.addi %mul3A_1380, %add3A_1604 : i32
        %get3A_1606 = arith.index_cast %add3A_1605 : i32 to index
        %get3A_1607 = arith.constant 48 : index
        %get3A_1608 = tpu.vector_load %arg9[%get3A_1606, %get3A_1607] {strides = array<i32>} : memref<320x128xf32, #tpu.memory_space<vmem>>, vector<1x16xf32>,
        %get3A_1609 = vector.shape_cast %get3A_1608 : vector<1x16xf32> to vector<16xf32>
        %add3A_1610 = arith.constant 12 : i32
        %add3A_1611 = arith.addi %mul3A_1380, %add3A_1610 : i32
        %get3A_1612 = arith.index_cast %add3A_1611 : i32 to index
        %get3A_1613 = arith.constant 112 : index
        %get3A_1614 = tpu.vector_load %arg10[%get3A_1612, %get3A_1613] {strides = array<i32>} : memref<320x128xf32, #tpu.memory_space<vmem>>, vector<1x16xf32>,
        %get3A_1615 = vector.shape_cast %get3A_1614 : vector<1x16xf32> to vector<16xf32>
        %add3A_1616 = arith.addf %get3A_1609, %get3A_1615 : vector<16xf32>
        %add3A_1617 = arith.addf %add3A_1616, %get3A_1378 : vector<16xf32>
        %mul3A_1618 = arith.constant 2.000000e-01 : f32
        %mul3A_1619 = vector.broadcast %mul3A_1618 : f32 to vector<16xf32>
        %mul3A_1620 = arith.mulf %add3A_1617, %mul3A_1619 : vector<16xf32>
        %max3A_1621 = arith.maximumf %add3A_1617, %mul3A_1620 : vector<16xf32>
        %max3A_1622 = arith.maximumf %max3A_1603, %max3A_1621 : vector<16xf32>
        %add3A_1623 = arith.constant 13 : i32
        %add3A_1624 = arith.addi %mul3A_1380, %add3A_1623 : i32
        %get3A_1625 = arith.index_cast %add3A_1624 : i32 to index
        %get3A_1626 = arith.constant 48 : index
        %get3A_1627 = tpu.vector_load %arg9[%get3A_1625, %get3A_1626] {strides = array<i32>} : memref<320x128xf32, #tpu.memory_space<vmem>>, vector<1x16xf32>,
        %get3A_1628 = vector.shape_cast %get3A_1627 : vector<1x16xf32> to vector<16xf32>
        %add3A_1629 = arith.constant 13 : i32
        %add3A_1630 = arith.addi %mul3A_1380, %add3A_1629 : i32
        %get3A_1631 = arith.index_cast %add3A_1630 : i32 to index
        %get3A_1632 = arith.constant 112 : index
        %get3A_1633 = tpu.vector_load %arg10[%get3A_1631, %get3A_1632] {strides = array<i32>} : memref<320x128xf32, #tpu.memory_space<vmem>>, vector<1x16xf32>,
        %get3A_1634 = vector.shape_cast %get3A_1633 : vector<1x16xf32> to vector<16xf32>
        %add3A_1635 = arith.addf %get3A_1628, %get3A_1634 : vector<16xf32>
        %add3A_1636 = arith.addf %add3A_1635, %get3A_1378 : vector<16xf32>
        %mul3A_1637 = arith.constant 2.000000e-01 : f32
        %mul3A_1638 = vector.broadcast %mul3A_1637 : f32 to vector<16xf32>
        %mul3A_1639 = arith.mulf %add3A_1636, %mul3A_1638 : vector<16xf32>
        %max3A_1640 = arith.maximumf %add3A_1636, %mul3A_1639 : vector<16xf32>
        %max3A_1641 = arith.maximumf %max3A_1622, %max3A_1640 : vector<16xf32>
        %add3A_1642 = arith.constant 14 : i32
        %add3A_1643 = arith.addi %mul3A_1380, %add3A_1642 : i32
        %get3A_1644 = arith.index_cast %add3A_1643 : i32 to index
        %get3A_1645 = arith.constant 48 : index
        %get3A_1646 = tpu.vector_load %arg9[%get3A_1644, %get3A_1645] {strides = array<i32>} : memref<320x128xf32, #tpu.memory_space<vmem>>, vector<1x16xf32>,
        %get3A_1647 = vector.shape_cast %get3A_1646 : vector<1x16xf32> to vector<16xf32>
        %add3A_1648 = arith.constant 14 : i32
        %add3A_1649 = arith.addi %mul3A_1380, %add3A_1648 : i32
        %get3A_1650 = arith.index_cast %add3A_1649 : i32 to index
        %get3A_1651 = arith.constant 112 : index
        %get3A_1652 = tpu.vector_load %arg10[%get3A_1650, %get3A_1651] {strides = array<i32>} : memref<320x128xf32, #tpu.memory_space<vmem>>, vector<1x16xf32>,
        %get3A_1653 = vector.shape_cast %get3A_1652 : vector<1x16xf32> to vector<16xf32>
        %add3A_1654 = arith.addf %get3A_1647, %get3A_1653 : vector<16xf32>
        %add3A_1655 = arith.addf %add3A_1654, %get3A_1378 : vector<16xf32>
        %mul3A_1656 = arith.constant 2.000000e-01 : f32
        %mul3A_1657 = vector.broadcast %mul3A_1656 : f32 to vector<16xf32>
        %mul3A_1658 = arith.mulf %add3A_1655, %mul3A_1657 : vector<16xf32>
        %max3A_1659 = arith.maximumf %add3A_1655, %mul3A_1658 : vector<16xf32>
        %max3A_1660 = arith.maximumf %max3A_1641, %max3A_1659 : vector<16xf32>
        %add3A_1661 = arith.constant 15 : i32
        %add3A_1662 = arith.addi %mul3A_1380, %add3A_1661 : i32
        %get3A_1663 = arith.index_cast %add3A_1662 : i32 to index
        %get3A_1664 = arith.constant 48 : index
        %get3A_1665 = tpu.vector_load %arg9[%get3A_1663, %get3A_1664] {strides = array<i32>} : memref<320x128xf32, #tpu.memory_space<vmem>>, vector<1x16xf32>,
        %get3A_1666 = vector.shape_cast %get3A_1665 : vector<1x16xf32> to vector<16xf32>
        %add3A_1667 = arith.constant 15 : i32
        %add3A_1668 = arith.addi %mul3A_1380, %add3A_1667 : i32
        %get3A_1669 = arith.index_cast %add3A_1668 : i32 to index
        %get3A_1670 = arith.constant 112 : index
        %get3A_1671 = tpu.vector_load %arg10[%get3A_1669, %get3A_1670] {strides = array<i32>} : memref<320x128xf32, #tpu.memory_space<vmem>>, vector<1x16xf32>,
        %get3A_1672 = vector.shape_cast %get3A_1671 : vector<1x16xf32> to vector<16xf32>
        %add3A_1673 = arith.addf %get3A_1666, %get3A_1672 : vector<16xf32>
        %add3A_1674 = arith.addf %add3A_1673, %get3A_1378 : vector<16xf32>
        %mul3A_1675 = arith.constant 2.000000e-01 : f32
        %mul3A_1676 = vector.broadcast %mul3A_1675 : f32 to vector<16xf32>
        %mul3A_1677 = arith.mulf %add3A_1674, %mul3A_1676 : vector<16xf32>
        %max3A_1678 = arith.maximumf %add3A_1674, %mul3A_1677 : vector<16xf32>
        %max3A_1679 = arith.maximumf %max3A_1660, %max3A_1678 : vector<16xf32>
        %add3A_1680 = arith.constant 16 : i32
        %add3A_1681 = arith.addi %mul3A_1380, %add3A_1680 : i32
        %get3A_1682 = arith.index_cast %add3A_1681 : i32 to index
        %get3A_1683 = arith.constant 48 : index
        %get3A_1684 = tpu.vector_load %arg9[%get3A_1682, %get3A_1683] {strides = array<i32>} : memref<320x128xf32, #tpu.memory_space<vmem>>, vector<1x16xf32>,
        %get3A_1685 = vector.shape_cast %get3A_1684 : vector<1x16xf32> to vector<16xf32>
        %add3A_1686 = arith.constant 16 : i32
        %add3A_1687 = arith.addi %mul3A_1380, %add3A_1686 : i32
        %get3A_1688 = arith.index_cast %add3A_1687 : i32 to index
        %get3A_1689 = arith.constant 112 : index
        %get3A_1690 = tpu.vector_load %arg10[%get3A_1688, %get3A_1689] {strides = array<i32>} : memref<320x128xf32, #tpu.memory_space<vmem>>, vector<1x16xf32>,
        %get3A_1691 = vector.shape_cast %get3A_1690 : vector<1x16xf32> to vector<16xf32>
        %add3A_1692 = arith.addf %get3A_1685, %get3A_1691 : vector<16xf32>
        %add3A_1693 = arith.addf %add3A_1692, %get3A_1378 : vector<16xf32>
        %mul3A_1694 = arith.constant 2.000000e-01 : f32
        %mul3A_1695 = vector.broadcast %mul3A_1694 : f32 to vector<16xf32>
        %mul3A_1696 = arith.mulf %add3A_1693, %mul3A_1695 : vector<16xf32>
        %max3A_1697 = arith.maximumf %add3A_1693, %mul3A_1696 : vector<16xf32>
        %max3A_1698 = arith.maximumf %max3A_1679, %max3A_1697 : vector<16xf32>
        %add3A_1699 = arith.constant 17 : i32
        %add3A_1700 = arith.addi %mul3A_1380, %add3A_1699 : i32
        %get3A_1701 = arith.index_cast %add3A_1700 : i32 to index
        %get3A_1702 = arith.constant 48 : index
        %get3A_1703 = tpu.vector_load %arg9[%get3A_1701, %get3A_1702] {strides = array<i32>} : memref<320x128xf32, #tpu.memory_space<vmem>>, vector<1x16xf32>,
        %get3A_1704 = vector.shape_cast %get3A_1703 : vector<1x16xf32> to vector<16xf32>
        %add3A_1705 = arith.constant 17 : i32
        %add3A_1706 = arith.addi %mul3A_1380, %add3A_1705 : i32
        %get3A_1707 = arith.index_cast %add3A_1706 : i32 to index
        %get3A_1708 = arith.constant 112 : index
        %get3A_1709 = tpu.vector_load %arg10[%get3A_1707, %get3A_1708] {strides = array<i32>} : memref<320x128xf32, #tpu.memory_space<vmem>>, vector<1x16xf32>,
        %get3A_1710 = vector.shape_cast %get3A_1709 : vector<1x16xf32> to vector<16xf32>
        %add3A_1711 = arith.addf %get3A_1704, %get3A_1710 : vector<16xf32>
        %add3A_1712 = arith.addf %add3A_1711, %get3A_1378 : vector<16xf32>
        %mul3A_1713 = arith.constant 2.000000e-01 : f32
        %mul3A_1714 = vector.broadcast %mul3A_1713 : f32 to vector<16xf32>
        %mul3A_1715 = arith.mulf %add3A_1712, %mul3A_1714 : vector<16xf32>
        %max3A_1716 = arith.maximumf %add3A_1712, %mul3A_1715 : vector<16xf32>
        %max3A_1717 = arith.maximumf %max3A_1698, %max3A_1716 : vector<16xf32>
        %add3A_1718 = arith.constant 18 : i32
        %add3A_1719 = arith.addi %mul3A_1380, %add3A_1718 : i32
        %get3A_1720 = arith.index_cast %add3A_1719 : i32 to index
        %get3A_1721 = arith.constant 48 : index
        %get3A_1722 = tpu.vector_load %arg9[%get3A_1720, %get3A_1721] {strides = array<i32>} : memref<320x128xf32, #tpu.memory_space<vmem>>, vector<1x16xf32>,
        %get3A_1723 = vector.shape_cast %get3A_1722 : vector<1x16xf32> to vector<16xf32>
        %add3A_1724 = arith.constant 18 : i32
        %add3A_1725 = arith.addi %mul3A_1380, %add3A_1724 : i32
        %get3A_1726 = arith.index_cast %add3A_1725 : i32 to index
        %get3A_1727 = arith.constant 112 : index
        %get3A_1728 = tpu.vector_load %arg10[%get3A_1726, %get3A_1727] {strides = array<i32>} : memref<320x128xf32, #tpu.memory_space<vmem>>, vector<1x16xf32>,
        %get3A_1729 = vector.shape_cast %get3A_1728 : vector<1x16xf32> to vector<16xf32>
        %add3A_1730 = arith.addf %get3A_1723, %get3A_1729 : vector<16xf32>
        %add3A_1731 = arith.addf %add3A_1730, %get3A_1378 : vector<16xf32>
        %mul3A_1732 = arith.constant 2.000000e-01 : f32
        %mul3A_1733 = vector.broadcast %mul3A_1732 : f32 to vector<16xf32>
        %mul3A_1734 = arith.mulf %add3A_1731, %mul3A_1733 : vector<16xf32>
        %max3A_1735 = arith.maximumf %add3A_1731, %mul3A_1734 : vector<16xf32>
        %max3A_1736 = arith.maximumf %max3A_1717, %max3A_1735 : vector<16xf32>
        %add3A_1737 = arith.constant 19 : i32
        %add3A_1738 = arith.addi %mul3A_1380, %add3A_1737 : i32
        %get3A_1739 = arith.index_cast %add3A_1738 : i32 to index
        %get3A_1740 = arith.constant 48 : index
        %get3A_1741 = tpu.vector_load %arg9[%get3A_1739, %get3A_1740] {strides = array<i32>} : memref<320x128xf32, #tpu.memory_space<vmem>>, vector<1x16xf32>,
        %get3A_1742 = vector.shape_cast %get3A_1741 : vector<1x16xf32> to vector<16xf32>
        %add3A_1743 = arith.constant 19 : i32
        %add3A_1744 = arith.addi %mul3A_1380, %add3A_1743 : i32
        %get3A_1745 = arith.index_cast %add3A_1744 : i32 to index
        %get3A_1746 = arith.constant 112 : index
        %get3A_1747 = tpu.vector_load %arg10[%get3A_1745, %get3A_1746] {strides = array<i32>} : memref<320x128xf32, #tpu.memory_space<vmem>>, vector<1x16xf32>,
        %get3A_1748 = vector.shape_cast %get3A_1747 : vector<1x16xf32> to vector<16xf32>
        %add3A_1749 = arith.addf %get3A_1742, %get3A_1748 : vector<16xf32>
        %add3A_1750 = arith.addf %add3A_1749, %get3A_1378 : vector<16xf32>
        %mul3A_1751 = arith.constant 2.000000e-01 : f32
        %mul3A_1752 = vector.broadcast %mul3A_1751 : f32 to vector<16xf32>
        %mul3A_1753 = arith.mulf %add3A_1750, %mul3A_1752 : vector<16xf32>
        %max3A_1754 = arith.maximumf %add3A_1750, %mul3A_1753 : vector<16xf32>
        %max3A_1755 = arith.maximumf %max3A_1736, %max3A_1754 : vector<16xf32>
        %swap3A_1756 = arith.index_cast %scan3A_219 : i32 to index
        %swap3A_1757 = arith.constant 48 : index
        %swap3A_1758 = tpu.vector_load %arg12[%swap3A_1756, %swap3A_1757] {strides = array<i32>} : memref<16x64xf32, #tpu.memory_space<vmem>>, vector<1x16xf32>,
        %swap3A_1759 = vector.shape_cast %swap3A_1758 : vector<1x16xf32> to vector<16xf32>
        %swap3A_1760 = vector.shape_cast %max3A_1755 : vector<16xf32> to vector<1x16xf32>
        tpu.vector_store %arg12[%swap3A_1756, %swap3A_1757], %swap3A_1760 {strides = array<i32>} : memref<16x64xf32, #tpu.memory_space<vmem>>, vector<1x16xf32>,
      }
      %scan3A_218 = arith.constant 16 : i32
      "tpu.region"() ({
        %run_scoped3A = tpu.sem_alloc : memref<!tpu.dma_semaphore, #tpu.memory_space<semaphore_mem>>
        %dma_start3A_219 = arith.constant 0 : i32
        %dma_start3A_220 = tpu.memref_slice %arg6[%add3A_11, %dma_start3A_219] : memref<16384x64xf32, #tpu.memory_space<hbm>> -> memref<16x64xf32, #tpu.memory_space<hbm>>
        %dma_start3A_221 = arith.constant 0 : i32
        %dma_start3A_222 = tpu.memref_slice %arg6[%add3A_11, %dma_start3A_221] : memref<16384x64xf32, #tpu.memory_space<hbm>> -> memref<16x64xf32, #tpu.memory_space<hbm>>
        tpu.enqueue_dma source(%arg12 : memref<16x64xf32, #tpu.memory_space<vmem>>) target(%dma_start3A_222 : memref<16x64xf32, #tpu.memory_space<hbm>>) target_semaphore(%run_scoped3A : memref<!tpu.dma_semaphore, #tpu.memory_space<semaphore_mem>>)
        %dma_wait3A_223 = arith.constant 0 : i32
        %dma_wait3A_224 = tpu.memref_slice %arg6[%add3A_11, %dma_wait3A_223] : memref<16384x64xf32, #tpu.memory_space<hbm>> -> memref<16x64xf32, #tpu.memory_space<hbm>>
        %dma_wait3A_225 = arith.constant 0 : i32
        %dma_wait3A_226 = tpu.memref_slice %arg6[%add3A_11, %dma_wait3A_225] : memref<16384x64xf32, #tpu.memory_space<hbm>> -> memref<16x64xf32, #tpu.memory_space<hbm>>
        tpu.wait_dma2 semaphore(%run_scoped3A : memref<!tpu.dma_semaphore, #tpu.memory_space<semaphore_mem>>) src(%arg12 : memref<16x64xf32, #tpu.memory_space<vmem>>) dst(%dma_wait3A_226 : memref<16x64xf32, #tpu.memory_space<hbm>>)
        tpu.yield
      }) : () -> ()
    }
    %scan3A_7 = arith.constant 32 : i32
    return
  }
}

module attributes {stable_mosaic.version = 14 : i64} {
  func.func @_mm_kernel(%arg0: i32, %arg1: memref<2048x10xf32, #tpu.memory_space<vmem>>, %arg2: memref<10x192xf32, #tpu.memory_space<vmem>>, %arg3: memref<2048x192xf32, #tpu.memory_space<vmem>>) attributes {dimension_semantics = [#tpu.dimension_semantics<arbitrary>], iteration_bounds = array<i64: 8>, scalar_prefetch = 0 : i64, scratch_operands = 0 : i64, tpu.core_type = #tpu.core_type<tc>, window_params = [{transform_indices = @transform_0, window_bounds = array<i64: 2048, 10>}, {pipeline_mode = #tpu.pipeline_mode<synchronous>, transform_indices = @transform_1, window_bounds = array<i64: 10, 192>}, {transform_indices = @transform_2, window_bounds = array<i64: 2048, 192>}]} {
    %get3A = arith.constant 0 : index
    %get3A_0 = arith.constant 0 : index
    %get3A_1 = vector.load %arg1[%get3A, %get3A_0] : memref<2048x10xf32, #tpu.memory_space<vmem>>, vector<2048x10xf32>
    %get3A_2 = arith.constant 0 : index
    %get3A_3 = arith.constant 0 : index
    %get3A_4 = vector.load %arg2[%get3A_2, %get3A_3] : memref<10x192xf32, #tpu.memory_space<vmem>>, vector<10x192xf32>
    %dot_general3A = arith.constant dense<0.000000e+00> : vector<2048x192xf32>
    %dot_general3A_5 = tpu.matmul %get3A_1, %get3A_4, %dot_general3A {dimension_numbers = #tpu.dot_dimension_numbers<[1], [0], [0], [1], [0, 0, 1, 1], [], []>, transpose_lhs_hint = false} : vector<2048x10xf32>, vector<10x192xf32>, vector<2048x192xf32> -> vector<2048x192xf32>
    %swap3A = arith.constant 0 : index
    %swap3A_6 = arith.constant 0 : index
    %swap3A_7 = vector.load %arg3[%swap3A, %swap3A_6] : memref<2048x192xf32, #tpu.memory_space<vmem>>, vector<2048x192xf32>
    tpu.vector_store %arg3[%swap3A, %swap3A_6], %dot_general3A_5 {strides = array<i32>} : memref<2048x192xf32, #tpu.memory_space<vmem>>, vector<2048x192xf32>,
    return
  }
  func.func @transform_0(%arg0: i32) -> (i32, i32) {
    %c0_i32 = arith.constant 0 : i32
    %c0_i32_0 = arith.constant 0 : i32
    return %arg0, %c0_i32 : i32, i32
  }
  func.func @transform_1(%arg0: i32) -> (i32, i32) {
    %c0_i32 = arith.constant 0 : i32
    %c0_i32_0 = arith.constant 0 : i32
    %c0_i32_1 = arith.constant 0 : i32
    return %c0_i32, %c0_i32_0 : i32, i32
  }
  func.func @transform_2(%arg0: i32) -> (i32, i32) {
    %c0_i32 = arith.constant 0 : i32
    %c0_i32_0 = arith.constant 0 : i32
    return %arg0, %c0_i32 : i32, i32
  }
}

module attributes {stable_mosaic.version = 14 : i64} {
  func.func @_knn_kernel(%arg0: i32, %arg1: i32, %arg2: memref<1x3x2048xf32, #tpu.memory_space<vmem>>, %arg3: memref<1x256x3xf32, #tpu.memory_space<vmem>>, %arg4: memref<1x256x20xi32, #tpu.memory_space<vmem>>) attributes {dimension_semantics = [#tpu.dimension_semantics<arbitrary>, #tpu.dimension_semantics<arbitrary>], iteration_bounds = array<i64: 16, 8>, scalar_prefetch = 0 : i64, scratch_operands = 0 : i64, tpu.core_type = #tpu.core_type<tc>, window_params = [{transform_indices = @transform_0, window_bounds = array<i64: 1, 3, 2048>}, {transform_indices = @transform_1, window_bounds = array<i64: 1, 256, 3>}, {transform_indices = @transform_2, window_bounds = array<i64: 1, 256, 20>}]} {
    %get3A = arith.constant 0 : index
    %get3A_0 = arith.constant 0 : index
    %get3A_1 = arith.constant 0 : index
    %get3A_2 = vector.load %arg2[%get3A, %get3A_0, %get3A_1] : memref<1x3x2048xf32, #tpu.memory_space<vmem>>, vector<1x1x2048xf32>
    %get3A_3 = vector.shape_cast %get3A_2 : vector<1x1x2048xf32> to vector<1x2048xf32>
    %get3A_4 = arith.constant 0 : index
    %get3A_5 = arith.constant 1 : index
    %get3A_6 = arith.constant 0 : index
    %get3A_7 = vector.load %arg2[%get3A_4, %get3A_5, %get3A_6] : memref<1x3x2048xf32, #tpu.memory_space<vmem>>, vector<1x1x2048xf32>
    %get3A_8 = vector.shape_cast %get3A_7 : vector<1x1x2048xf32> to vector<1x2048xf32>
    %get3A_9 = arith.constant 0 : index
    %get3A_10 = arith.constant 2 : index
    %get3A_11 = arith.constant 0 : index
    %get3A_12 = vector.load %arg2[%get3A_9, %get3A_10, %get3A_11] : memref<1x3x2048xf32, #tpu.memory_space<vmem>>, vector<1x1x2048xf32>
    %get3A_13 = vector.shape_cast %get3A_12 : vector<1x1x2048xf32> to vector<1x2048xf32>
    %get3A_14 = arith.constant 0 : index
    %get3A_15 = arith.constant 0 : index
    %get3A_16 = arith.constant 0 : index
    %get3A_17 = vector.load %arg3[%get3A_14, %get3A_15, %get3A_16] : memref<1x256x3xf32, #tpu.memory_space<vmem>>, vector<1x256x1xf32>
    %get3A_18 = vector.shape_cast %get3A_17 : vector<1x256x1xf32> to vector<256x1xf32>
    %get3A_19 = arith.constant 0 : index
    %get3A_20 = arith.constant 0 : index
    %get3A_21 = arith.constant 1 : index
    %get3A_22 = vector.load %arg3[%get3A_19, %get3A_20, %get3A_21] : memref<1x256x3xf32, #tpu.memory_space<vmem>>, vector<1x256x1xf32>
    %get3A_23 = vector.shape_cast %get3A_22 : vector<1x256x1xf32> to vector<256x1xf32>
    %get3A_24 = arith.constant 0 : index
    %get3A_25 = arith.constant 0 : index
    %get3A_26 = arith.constant 2 : index
    %get3A_27 = vector.load %arg3[%get3A_24, %get3A_25, %get3A_26] : memref<1x256x3xf32, #tpu.memory_space<vmem>>, vector<1x256x1xf32>
    %get3A_28 = vector.shape_cast %get3A_27 : vector<1x256x1xf32> to vector<256x1xf32>
    %convert_element_type3A = arith.truncf %get3A_18 : vector<256x1xf32> to vector<256x1xbf16>
    %convert_element_type3A_29 = arith.extf %convert_element_type3A : vector<256x1xbf16> to vector<256x1xf32>
    %convert_element_type3A_30 = arith.truncf %get3A_3 : vector<1x2048xf32> to vector<1x2048xbf16>
    %convert_element_type3A_31 = arith.extf %convert_element_type3A_30 : vector<1x2048xbf16> to vector<1x2048xf32>
    %mul3A = vector.broadcast %convert_element_type3A_29 : vector<256x1xf32> to vector<256x2048xf32>
    %mul3A_32 = vector.broadcast %convert_element_type3A_31 : vector<1x2048xf32> to vector<256x2048xf32>
    %mul3A_33 = arith.mulf %mul3A, %mul3A_32 : vector<256x2048xf32>
    %convert_element_type3A_34 = arith.truncf %get3A_23 : vector<256x1xf32> to vector<256x1xbf16>
    %convert_element_type3A_35 = arith.extf %convert_element_type3A_34 : vector<256x1xbf16> to vector<256x1xf32>
    %convert_element_type3A_36 = arith.truncf %get3A_8 : vector<1x2048xf32> to vector<1x2048xbf16>
    %convert_element_type3A_37 = arith.extf %convert_element_type3A_36 : vector<1x2048xbf16> to vector<1x2048xf32>
    %mul3A_38 = vector.broadcast %convert_element_type3A_35 : vector<256x1xf32> to vector<256x2048xf32>
    %mul3A_39 = vector.broadcast %convert_element_type3A_37 : vector<1x2048xf32> to vector<256x2048xf32>
    %mul3A_40 = arith.mulf %mul3A_38, %mul3A_39 : vector<256x2048xf32>
    %add3A = arith.addf %mul3A_33, %mul3A_40 : vector<256x2048xf32>
    %convert_element_type3A_41 = arith.truncf %get3A_28 : vector<256x1xf32> to vector<256x1xbf16>
    %convert_element_type3A_42 = arith.extf %convert_element_type3A_41 : vector<256x1xbf16> to vector<256x1xf32>
    %convert_element_type3A_43 = arith.truncf %get3A_13 : vector<1x2048xf32> to vector<1x2048xbf16>
    %convert_element_type3A_44 = arith.extf %convert_element_type3A_43 : vector<1x2048xbf16> to vector<1x2048xf32>
    %mul3A_45 = vector.broadcast %convert_element_type3A_42 : vector<256x1xf32> to vector<256x2048xf32>
    %mul3A_46 = vector.broadcast %convert_element_type3A_44 : vector<1x2048xf32> to vector<256x2048xf32>
    %mul3A_47 = arith.mulf %mul3A_45, %mul3A_46 : vector<256x2048xf32>
    %add3A_48 = arith.addf %add3A, %mul3A_47 : vector<256x2048xf32>
    %mul3A_49 = arith.mulf %get3A_18, %get3A_18 : vector<256x1xf32>
    %mul3A_50 = arith.mulf %get3A_23, %get3A_23 : vector<256x1xf32>
    %add3A_51 = arith.addf %mul3A_49, %mul3A_50 : vector<256x1xf32>
    %mul3A_52 = arith.mulf %get3A_28, %get3A_28 : vector<256x1xf32>
    %add3A_53 = arith.addf %add3A_51, %mul3A_52 : vector<256x1xf32>
    %mul3A_54 = arith.mulf %get3A_3, %get3A_3 : vector<1x2048xf32>
    %mul3A_55 = arith.mulf %get3A_8, %get3A_8 : vector<1x2048xf32>
    %add3A_56 = arith.addf %mul3A_54, %mul3A_55 : vector<1x2048xf32>
    %mul3A_57 = arith.mulf %get3A_13, %get3A_13 : vector<1x2048xf32>
    %add3A_58 = arith.addf %add3A_56, %mul3A_57 : vector<1x2048xf32>
    %mul3A_59 = arith.constant 2.000000e+00 : f32
    %mul3A_60 = vector.broadcast %mul3A_59 : f32 to vector<256x2048xf32>
    %mul3A_61 = arith.mulf %mul3A_60, %add3A_48 : vector<256x2048xf32>
    %sub3A = vector.broadcast %add3A_53 : vector<256x1xf32> to vector<256x2048xf32>
    %sub3A_62 = arith.subf %mul3A_61, %sub3A : vector<256x2048xf32>
    %sub3A_63 = vector.broadcast %add3A_58 : vector<1x2048xf32> to vector<256x2048xf32>
    %sub3A_64 = arith.subf %sub3A_62, %sub3A_63 : vector<256x2048xf32>
    %iota3A = tpu.iota {dimensions = array<i32: 1>} : vector<256x2048xi32>
    %convert_element_type3A_65 = arith.sitofp %iota3A : vector<256x2048xi32> to vector<256x2048xf32>
    %reduce_max3A = arith.constant dense<0xFF800000> : vector<256xf32>
    %reduce_max3A_66 = vector.multi_reduction <maximumf>, %sub3A_64, %reduce_max3A [1] : vector<256x2048xf32> to vector<256xf32>
    %broadcast_in_dim3A = vector.shape_cast %reduce_max3A_66 : vector<256xf32> to vector<256x1xf32>
    %eq3A = vector.broadcast %broadcast_in_dim3A : vector<256x1xf32> to vector<256x2048xf32>
    %eq3A_67 = arith.cmpf oeq, %sub3A_64, %eq3A : vector<256x2048xf32>
    %jit3A = arith.constant 2.048000e+03 : f32
    %broadcast_in_dim3A_68 = vector.broadcast %jit3A : f32 to vector<256x2048xf32>
    %select_n3A = arith.select %eq3A_67, %convert_element_type3A_65, %broadcast_in_dim3A_68 : vector<256x2048xi1>, vector<256x2048xf32>
    %reduce_min3A = arith.constant dense<0x7F800000> : vector<256xf32>
    %reduce_min3A_69 = vector.multi_reduction <minimumf>, %select_n3A, %reduce_min3A [1] : vector<256x2048xf32> to vector<256xf32>
    %broadcast_in_dim3A_70 = vector.shape_cast %reduce_min3A_69 : vector<256xf32> to vector<256x1xf32>
    %eq3A_71 = vector.broadcast %broadcast_in_dim3A_70 : vector<256x1xf32> to vector<256x2048xf32>
    %eq3A_72 = arith.cmpf oeq, %convert_element_type3A_65, %eq3A_71 : vector<256x2048xf32>
    %jit3A_73 = arith.constant -3.000000e+38 : f32
    %broadcast_in_dim3A_74 = vector.broadcast %jit3A_73 : f32 to vector<256x2048xf32>
    %select_n3A_75 = arith.select %eq3A_72, %broadcast_in_dim3A_74, %sub3A_64 : vector<256x2048xi1>, vector<256x2048xf32>
    %reduce_max3A_76 = arith.constant dense<0xFF800000> : vector<256xf32>
    %reduce_max3A_77 = vector.multi_reduction <maximumf>, %select_n3A_75, %reduce_max3A_76 [1] : vector<256x2048xf32> to vector<256xf32>
    %broadcast_in_dim3A_78 = vector.shape_cast %reduce_max3A_77 : vector<256xf32> to vector<256x1xf32>
    %eq3A_79 = vector.broadcast %broadcast_in_dim3A_78 : vector<256x1xf32> to vector<256x2048xf32>
    %eq3A_80 = arith.cmpf oeq, %select_n3A_75, %eq3A_79 : vector<256x2048xf32>
    %jit3A_81 = arith.constant 2.048000e+03 : f32
    %broadcast_in_dim3A_82 = vector.broadcast %jit3A_81 : f32 to vector<256x2048xf32>
    %select_n3A_83 = arith.select %eq3A_80, %convert_element_type3A_65, %broadcast_in_dim3A_82 : vector<256x2048xi1>, vector<256x2048xf32>
    %reduce_min3A_84 = arith.constant dense<0x7F800000> : vector<256xf32>
    %reduce_min3A_85 = vector.multi_reduction <minimumf>, %select_n3A_83, %reduce_min3A_84 [1] : vector<256x2048xf32> to vector<256xf32>
    %broadcast_in_dim3A_86 = vector.shape_cast %reduce_min3A_85 : vector<256xf32> to vector<256x1xf32>
    %eq3A_87 = vector.broadcast %broadcast_in_dim3A_86 : vector<256x1xf32> to vector<256x2048xf32>
    %eq3A_88 = arith.cmpf oeq, %convert_element_type3A_65, %eq3A_87 : vector<256x2048xf32>
    %jit3A_89 = arith.constant -3.000000e+38 : f32
    %broadcast_in_dim3A_90 = vector.broadcast %jit3A_89 : f32 to vector<256x2048xf32>
    %select_n3A_91 = arith.select %eq3A_88, %broadcast_in_dim3A_90, %select_n3A_75 : vector<256x2048xi1>, vector<256x2048xf32>
    %reduce_max3A_92 = arith.constant dense<0xFF800000> : vector<256xf32>
    %reduce_max3A_93 = vector.multi_reduction <maximumf>, %select_n3A_91, %reduce_max3A_92 [1] : vector<256x2048xf32> to vector<256xf32>
    %broadcast_in_dim3A_94 = vector.shape_cast %reduce_max3A_93 : vector<256xf32> to vector<256x1xf32>
    %eq3A_95 = vector.broadcast %broadcast_in_dim3A_94 : vector<256x1xf32> to vector<256x2048xf32>
    %eq3A_96 = arith.cmpf oeq, %select_n3A_91, %eq3A_95 : vector<256x2048xf32>
    %jit3A_97 = arith.constant 2.048000e+03 : f32
    %broadcast_in_dim3A_98 = vector.broadcast %jit3A_97 : f32 to vector<256x2048xf32>
    %select_n3A_99 = arith.select %eq3A_96, %convert_element_type3A_65, %broadcast_in_dim3A_98 : vector<256x2048xi1>, vector<256x2048xf32>
    %reduce_min3A_100 = arith.constant dense<0x7F800000> : vector<256xf32>
    %reduce_min3A_101 = vector.multi_reduction <minimumf>, %select_n3A_99, %reduce_min3A_100 [1] : vector<256x2048xf32> to vector<256xf32>
    %broadcast_in_dim3A_102 = vector.shape_cast %reduce_min3A_101 : vector<256xf32> to vector<256x1xf32>
    %eq3A_103 = vector.broadcast %broadcast_in_dim3A_102 : vector<256x1xf32> to vector<256x2048xf32>
    %eq3A_104 = arith.cmpf oeq, %convert_element_type3A_65, %eq3A_103 : vector<256x2048xf32>
    %jit3A_105 = arith.constant -3.000000e+38 : f32
    %broadcast_in_dim3A_106 = vector.broadcast %jit3A_105 : f32 to vector<256x2048xf32>
    %select_n3A_107 = arith.select %eq3A_104, %broadcast_in_dim3A_106, %select_n3A_91 : vector<256x2048xi1>, vector<256x2048xf32>
    %reduce_max3A_108 = arith.constant dense<0xFF800000> : vector<256xf32>
    %reduce_max3A_109 = vector.multi_reduction <maximumf>, %select_n3A_107, %reduce_max3A_108 [1] : vector<256x2048xf32> to vector<256xf32>
    %broadcast_in_dim3A_110 = vector.shape_cast %reduce_max3A_109 : vector<256xf32> to vector<256x1xf32>
    %eq3A_111 = vector.broadcast %broadcast_in_dim3A_110 : vector<256x1xf32> to vector<256x2048xf32>
    %eq3A_112 = arith.cmpf oeq, %select_n3A_107, %eq3A_111 : vector<256x2048xf32>
    %jit3A_113 = arith.constant 2.048000e+03 : f32
    %broadcast_in_dim3A_114 = vector.broadcast %jit3A_113 : f32 to vector<256x2048xf32>
    %select_n3A_115 = arith.select %eq3A_112, %convert_element_type3A_65, %broadcast_in_dim3A_114 : vector<256x2048xi1>, vector<256x2048xf32>
    %reduce_min3A_116 = arith.constant dense<0x7F800000> : vector<256xf32>
    %reduce_min3A_117 = vector.multi_reduction <minimumf>, %select_n3A_115, %reduce_min3A_116 [1] : vector<256x2048xf32> to vector<256xf32>
    %broadcast_in_dim3A_118 = vector.shape_cast %reduce_min3A_117 : vector<256xf32> to vector<256x1xf32>
    %eq3A_119 = vector.broadcast %broadcast_in_dim3A_118 : vector<256x1xf32> to vector<256x2048xf32>
    %eq3A_120 = arith.cmpf oeq, %convert_element_type3A_65, %eq3A_119 : vector<256x2048xf32>
    %jit3A_121 = arith.constant -3.000000e+38 : f32
    %broadcast_in_dim3A_122 = vector.broadcast %jit3A_121 : f32 to vector<256x2048xf32>
    %select_n3A_123 = arith.select %eq3A_120, %broadcast_in_dim3A_122, %select_n3A_107 : vector<256x2048xi1>, vector<256x2048xf32>
    %reduce_max3A_124 = arith.constant dense<0xFF800000> : vector<256xf32>
    %reduce_max3A_125 = vector.multi_reduction <maximumf>, %select_n3A_123, %reduce_max3A_124 [1] : vector<256x2048xf32> to vector<256xf32>
    %broadcast_in_dim3A_126 = vector.shape_cast %reduce_max3A_125 : vector<256xf32> to vector<256x1xf32>
    %eq3A_127 = vector.broadcast %broadcast_in_dim3A_126 : vector<256x1xf32> to vector<256x2048xf32>
    %eq3A_128 = arith.cmpf oeq, %select_n3A_123, %eq3A_127 : vector<256x2048xf32>
    %jit3A_129 = arith.constant 2.048000e+03 : f32
    %broadcast_in_dim3A_130 = vector.broadcast %jit3A_129 : f32 to vector<256x2048xf32>
    %select_n3A_131 = arith.select %eq3A_128, %convert_element_type3A_65, %broadcast_in_dim3A_130 : vector<256x2048xi1>, vector<256x2048xf32>
    %reduce_min3A_132 = arith.constant dense<0x7F800000> : vector<256xf32>
    %reduce_min3A_133 = vector.multi_reduction <minimumf>, %select_n3A_131, %reduce_min3A_132 [1] : vector<256x2048xf32> to vector<256xf32>
    %broadcast_in_dim3A_134 = vector.shape_cast %reduce_min3A_133 : vector<256xf32> to vector<256x1xf32>
    %eq3A_135 = vector.broadcast %broadcast_in_dim3A_134 : vector<256x1xf32> to vector<256x2048xf32>
    %eq3A_136 = arith.cmpf oeq, %convert_element_type3A_65, %eq3A_135 : vector<256x2048xf32>
    %jit3A_137 = arith.constant -3.000000e+38 : f32
    %broadcast_in_dim3A_138 = vector.broadcast %jit3A_137 : f32 to vector<256x2048xf32>
    %select_n3A_139 = arith.select %eq3A_136, %broadcast_in_dim3A_138, %select_n3A_123 : vector<256x2048xi1>, vector<256x2048xf32>
    %reduce_max3A_140 = arith.constant dense<0xFF800000> : vector<256xf32>
    %reduce_max3A_141 = vector.multi_reduction <maximumf>, %select_n3A_139, %reduce_max3A_140 [1] : vector<256x2048xf32> to vector<256xf32>
    %broadcast_in_dim3A_142 = vector.shape_cast %reduce_max3A_141 : vector<256xf32> to vector<256x1xf32>
    %eq3A_143 = vector.broadcast %broadcast_in_dim3A_142 : vector<256x1xf32> to vector<256x2048xf32>
    %eq3A_144 = arith.cmpf oeq, %select_n3A_139, %eq3A_143 : vector<256x2048xf32>
    %jit3A_145 = arith.constant 2.048000e+03 : f32
    %broadcast_in_dim3A_146 = vector.broadcast %jit3A_145 : f32 to vector<256x2048xf32>
    %select_n3A_147 = arith.select %eq3A_144, %convert_element_type3A_65, %broadcast_in_dim3A_146 : vector<256x2048xi1>, vector<256x2048xf32>
    %reduce_min3A_148 = arith.constant dense<0x7F800000> : vector<256xf32>
    %reduce_min3A_149 = vector.multi_reduction <minimumf>, %select_n3A_147, %reduce_min3A_148 [1] : vector<256x2048xf32> to vector<256xf32>
    %broadcast_in_dim3A_150 = vector.shape_cast %reduce_min3A_149 : vector<256xf32> to vector<256x1xf32>
    %eq3A_151 = vector.broadcast %broadcast_in_dim3A_150 : vector<256x1xf32> to vector<256x2048xf32>
    %eq3A_152 = arith.cmpf oeq, %convert_element_type3A_65, %eq3A_151 : vector<256x2048xf32>
    %jit3A_153 = arith.constant -3.000000e+38 : f32
    %broadcast_in_dim3A_154 = vector.broadcast %jit3A_153 : f32 to vector<256x2048xf32>
    %select_n3A_155 = arith.select %eq3A_152, %broadcast_in_dim3A_154, %select_n3A_139 : vector<256x2048xi1>, vector<256x2048xf32>
    %reduce_max3A_156 = arith.constant dense<0xFF800000> : vector<256xf32>
    %reduce_max3A_157 = vector.multi_reduction <maximumf>, %select_n3A_155, %reduce_max3A_156 [1] : vector<256x2048xf32> to vector<256xf32>
    %broadcast_in_dim3A_158 = vector.shape_cast %reduce_max3A_157 : vector<256xf32> to vector<256x1xf32>
    %eq3A_159 = vector.broadcast %broadcast_in_dim3A_158 : vector<256x1xf32> to vector<256x2048xf32>
    %eq3A_160 = arith.cmpf oeq, %select_n3A_155, %eq3A_159 : vector<256x2048xf32>
    %jit3A_161 = arith.constant 2.048000e+03 : f32
    %broadcast_in_dim3A_162 = vector.broadcast %jit3A_161 : f32 to vector<256x2048xf32>
    %select_n3A_163 = arith.select %eq3A_160, %convert_element_type3A_65, %broadcast_in_dim3A_162 : vector<256x2048xi1>, vector<256x2048xf32>
    %reduce_min3A_164 = arith.constant dense<0x7F800000> : vector<256xf32>
    %reduce_min3A_165 = vector.multi_reduction <minimumf>, %select_n3A_163, %reduce_min3A_164 [1] : vector<256x2048xf32> to vector<256xf32>
    %broadcast_in_dim3A_166 = vector.shape_cast %reduce_min3A_165 : vector<256xf32> to vector<256x1xf32>
    %eq3A_167 = vector.broadcast %broadcast_in_dim3A_166 : vector<256x1xf32> to vector<256x2048xf32>
    %eq3A_168 = arith.cmpf oeq, %convert_element_type3A_65, %eq3A_167 : vector<256x2048xf32>
    %jit3A_169 = arith.constant -3.000000e+38 : f32
    %broadcast_in_dim3A_170 = vector.broadcast %jit3A_169 : f32 to vector<256x2048xf32>
    %select_n3A_171 = arith.select %eq3A_168, %broadcast_in_dim3A_170, %select_n3A_155 : vector<256x2048xi1>, vector<256x2048xf32>
    %reduce_max3A_172 = arith.constant dense<0xFF800000> : vector<256xf32>
    %reduce_max3A_173 = vector.multi_reduction <maximumf>, %select_n3A_171, %reduce_max3A_172 [1] : vector<256x2048xf32> to vector<256xf32>
    %broadcast_in_dim3A_174 = vector.shape_cast %reduce_max3A_173 : vector<256xf32> to vector<256x1xf32>
    %eq3A_175 = vector.broadcast %broadcast_in_dim3A_174 : vector<256x1xf32> to vector<256x2048xf32>
    %eq3A_176 = arith.cmpf oeq, %select_n3A_171, %eq3A_175 : vector<256x2048xf32>
    %jit3A_177 = arith.constant 2.048000e+03 : f32
    %broadcast_in_dim3A_178 = vector.broadcast %jit3A_177 : f32 to vector<256x2048xf32>
    %select_n3A_179 = arith.select %eq3A_176, %convert_element_type3A_65, %broadcast_in_dim3A_178 : vector<256x2048xi1>, vector<256x2048xf32>
    %reduce_min3A_180 = arith.constant dense<0x7F800000> : vector<256xf32>
    %reduce_min3A_181 = vector.multi_reduction <minimumf>, %select_n3A_179, %reduce_min3A_180 [1] : vector<256x2048xf32> to vector<256xf32>
    %broadcast_in_dim3A_182 = vector.shape_cast %reduce_min3A_181 : vector<256xf32> to vector<256x1xf32>
    %eq3A_183 = vector.broadcast %broadcast_in_dim3A_182 : vector<256x1xf32> to vector<256x2048xf32>
    %eq3A_184 = arith.cmpf oeq, %convert_element_type3A_65, %eq3A_183 : vector<256x2048xf32>
    %jit3A_185 = arith.constant -3.000000e+38 : f32
    %broadcast_in_dim3A_186 = vector.broadcast %jit3A_185 : f32 to vector<256x2048xf32>
    %select_n3A_187 = arith.select %eq3A_184, %broadcast_in_dim3A_186, %select_n3A_171 : vector<256x2048xi1>, vector<256x2048xf32>
    %reduce_max3A_188 = arith.constant dense<0xFF800000> : vector<256xf32>
    %reduce_max3A_189 = vector.multi_reduction <maximumf>, %select_n3A_187, %reduce_max3A_188 [1] : vector<256x2048xf32> to vector<256xf32>
    %broadcast_in_dim3A_190 = vector.shape_cast %reduce_max3A_189 : vector<256xf32> to vector<256x1xf32>
    %eq3A_191 = vector.broadcast %broadcast_in_dim3A_190 : vector<256x1xf32> to vector<256x2048xf32>
    %eq3A_192 = arith.cmpf oeq, %select_n3A_187, %eq3A_191 : vector<256x2048xf32>
    %jit3A_193 = arith.constant 2.048000e+03 : f32
    %broadcast_in_dim3A_194 = vector.broadcast %jit3A_193 : f32 to vector<256x2048xf32>
    %select_n3A_195 = arith.select %eq3A_192, %convert_element_type3A_65, %broadcast_in_dim3A_194 : vector<256x2048xi1>, vector<256x2048xf32>
    %reduce_min3A_196 = arith.constant dense<0x7F800000> : vector<256xf32>
    %reduce_min3A_197 = vector.multi_reduction <minimumf>, %select_n3A_195, %reduce_min3A_196 [1] : vector<256x2048xf32> to vector<256xf32>
    %broadcast_in_dim3A_198 = vector.shape_cast %reduce_min3A_197 : vector<256xf32> to vector<256x1xf32>
    %eq3A_199 = vector.broadcast %broadcast_in_dim3A_198 : vector<256x1xf32> to vector<256x2048xf32>
    %eq3A_200 = arith.cmpf oeq, %convert_element_type3A_65, %eq3A_199 : vector<256x2048xf32>
    %jit3A_201 = arith.constant -3.000000e+38 : f32
    %broadcast_in_dim3A_202 = vector.broadcast %jit3A_201 : f32 to vector<256x2048xf32>
    %select_n3A_203 = arith.select %eq3A_200, %broadcast_in_dim3A_202, %select_n3A_187 : vector<256x2048xi1>, vector<256x2048xf32>
    %reduce_max3A_204 = arith.constant dense<0xFF800000> : vector<256xf32>
    %reduce_max3A_205 = vector.multi_reduction <maximumf>, %select_n3A_203, %reduce_max3A_204 [1] : vector<256x2048xf32> to vector<256xf32>
    %broadcast_in_dim3A_206 = vector.shape_cast %reduce_max3A_205 : vector<256xf32> to vector<256x1xf32>
    %eq3A_207 = vector.broadcast %broadcast_in_dim3A_206 : vector<256x1xf32> to vector<256x2048xf32>
    %eq3A_208 = arith.cmpf oeq, %select_n3A_203, %eq3A_207 : vector<256x2048xf32>
    %jit3A_209 = arith.constant 2.048000e+03 : f32
    %broadcast_in_dim3A_210 = vector.broadcast %jit3A_209 : f32 to vector<256x2048xf32>
    %select_n3A_211 = arith.select %eq3A_208, %convert_element_type3A_65, %broadcast_in_dim3A_210 : vector<256x2048xi1>, vector<256x2048xf32>
    %reduce_min3A_212 = arith.constant dense<0x7F800000> : vector<256xf32>
    %reduce_min3A_213 = vector.multi_reduction <minimumf>, %select_n3A_211, %reduce_min3A_212 [1] : vector<256x2048xf32> to vector<256xf32>
    %broadcast_in_dim3A_214 = vector.shape_cast %reduce_min3A_213 : vector<256xf32> to vector<256x1xf32>
    %eq3A_215 = vector.broadcast %broadcast_in_dim3A_214 : vector<256x1xf32> to vector<256x2048xf32>
    %eq3A_216 = arith.cmpf oeq, %convert_element_type3A_65, %eq3A_215 : vector<256x2048xf32>
    %jit3A_217 = arith.constant -3.000000e+38 : f32
    %broadcast_in_dim3A_218 = vector.broadcast %jit3A_217 : f32 to vector<256x2048xf32>
    %select_n3A_219 = arith.select %eq3A_216, %broadcast_in_dim3A_218, %select_n3A_203 : vector<256x2048xi1>, vector<256x2048xf32>
    %reduce_max3A_220 = arith.constant dense<0xFF800000> : vector<256xf32>
    %reduce_max3A_221 = vector.multi_reduction <maximumf>, %select_n3A_219, %reduce_max3A_220 [1] : vector<256x2048xf32> to vector<256xf32>
    %broadcast_in_dim3A_222 = vector.shape_cast %reduce_max3A_221 : vector<256xf32> to vector<256x1xf32>
    %eq3A_223 = vector.broadcast %broadcast_in_dim3A_222 : vector<256x1xf32> to vector<256x2048xf32>
    %eq3A_224 = arith.cmpf oeq, %select_n3A_219, %eq3A_223 : vector<256x2048xf32>
    %jit3A_225 = arith.constant 2.048000e+03 : f32
    %broadcast_in_dim3A_226 = vector.broadcast %jit3A_225 : f32 to vector<256x2048xf32>
    %select_n3A_227 = arith.select %eq3A_224, %convert_element_type3A_65, %broadcast_in_dim3A_226 : vector<256x2048xi1>, vector<256x2048xf32>
    %reduce_min3A_228 = arith.constant dense<0x7F800000> : vector<256xf32>
    %reduce_min3A_229 = vector.multi_reduction <minimumf>, %select_n3A_227, %reduce_min3A_228 [1] : vector<256x2048xf32> to vector<256xf32>
    %broadcast_in_dim3A_230 = vector.shape_cast %reduce_min3A_229 : vector<256xf32> to vector<256x1xf32>
    %eq3A_231 = vector.broadcast %broadcast_in_dim3A_230 : vector<256x1xf32> to vector<256x2048xf32>
    %eq3A_232 = arith.cmpf oeq, %convert_element_type3A_65, %eq3A_231 : vector<256x2048xf32>
    %jit3A_233 = arith.constant -3.000000e+38 : f32
    %broadcast_in_dim3A_234 = vector.broadcast %jit3A_233 : f32 to vector<256x2048xf32>
    %select_n3A_235 = arith.select %eq3A_232, %broadcast_in_dim3A_234, %select_n3A_219 : vector<256x2048xi1>, vector<256x2048xf32>
    %reduce_max3A_236 = arith.constant dense<0xFF800000> : vector<256xf32>
    %reduce_max3A_237 = vector.multi_reduction <maximumf>, %select_n3A_235, %reduce_max3A_236 [1] : vector<256x2048xf32> to vector<256xf32>
    %broadcast_in_dim3A_238 = vector.shape_cast %reduce_max3A_237 : vector<256xf32> to vector<256x1xf32>
    %eq3A_239 = vector.broadcast %broadcast_in_dim3A_238 : vector<256x1xf32> to vector<256x2048xf32>
    %eq3A_240 = arith.cmpf oeq, %select_n3A_235, %eq3A_239 : vector<256x2048xf32>
    %jit3A_241 = arith.constant 2.048000e+03 : f32
    %broadcast_in_dim3A_242 = vector.broadcast %jit3A_241 : f32 to vector<256x2048xf32>
    %select_n3A_243 = arith.select %eq3A_240, %convert_element_type3A_65, %broadcast_in_dim3A_242 : vector<256x2048xi1>, vector<256x2048xf32>
    %reduce_min3A_244 = arith.constant dense<0x7F800000> : vector<256xf32>
    %reduce_min3A_245 = vector.multi_reduction <minimumf>, %select_n3A_243, %reduce_min3A_244 [1] : vector<256x2048xf32> to vector<256xf32>
    %broadcast_in_dim3A_246 = vector.shape_cast %reduce_min3A_245 : vector<256xf32> to vector<256x1xf32>
    %eq3A_247 = vector.broadcast %broadcast_in_dim3A_246 : vector<256x1xf32> to vector<256x2048xf32>
    %eq3A_248 = arith.cmpf oeq, %convert_element_type3A_65, %eq3A_247 : vector<256x2048xf32>
    %jit3A_249 = arith.constant -3.000000e+38 : f32
    %broadcast_in_dim3A_250 = vector.broadcast %jit3A_249 : f32 to vector<256x2048xf32>
    %select_n3A_251 = arith.select %eq3A_248, %broadcast_in_dim3A_250, %select_n3A_235 : vector<256x2048xi1>, vector<256x2048xf32>
    %reduce_max3A_252 = arith.constant dense<0xFF800000> : vector<256xf32>
    %reduce_max3A_253 = vector.multi_reduction <maximumf>, %select_n3A_251, %reduce_max3A_252 [1] : vector<256x2048xf32> to vector<256xf32>
    %broadcast_in_dim3A_254 = vector.shape_cast %reduce_max3A_253 : vector<256xf32> to vector<256x1xf32>
    %eq3A_255 = vector.broadcast %broadcast_in_dim3A_254 : vector<256x1xf32> to vector<256x2048xf32>
    %eq3A_256 = arith.cmpf oeq, %select_n3A_251, %eq3A_255 : vector<256x2048xf32>
    %jit3A_257 = arith.constant 2.048000e+03 : f32
    %broadcast_in_dim3A_258 = vector.broadcast %jit3A_257 : f32 to vector<256x2048xf32>
    %select_n3A_259 = arith.select %eq3A_256, %convert_element_type3A_65, %broadcast_in_dim3A_258 : vector<256x2048xi1>, vector<256x2048xf32>
    %reduce_min3A_260 = arith.constant dense<0x7F800000> : vector<256xf32>
    %reduce_min3A_261 = vector.multi_reduction <minimumf>, %select_n3A_259, %reduce_min3A_260 [1] : vector<256x2048xf32> to vector<256xf32>
    %broadcast_in_dim3A_262 = vector.shape_cast %reduce_min3A_261 : vector<256xf32> to vector<256x1xf32>
    %eq3A_263 = vector.broadcast %broadcast_in_dim3A_262 : vector<256x1xf32> to vector<256x2048xf32>
    %eq3A_264 = arith.cmpf oeq, %convert_element_type3A_65, %eq3A_263 : vector<256x2048xf32>
    %jit3A_265 = arith.constant -3.000000e+38 : f32
    %broadcast_in_dim3A_266 = vector.broadcast %jit3A_265 : f32 to vector<256x2048xf32>
    %select_n3A_267 = arith.select %eq3A_264, %broadcast_in_dim3A_266, %select_n3A_251 : vector<256x2048xi1>, vector<256x2048xf32>
    %reduce_max3A_268 = arith.constant dense<0xFF800000> : vector<256xf32>
    %reduce_max3A_269 = vector.multi_reduction <maximumf>, %select_n3A_267, %reduce_max3A_268 [1] : vector<256x2048xf32> to vector<256xf32>
    %broadcast_in_dim3A_270 = vector.shape_cast %reduce_max3A_269 : vector<256xf32> to vector<256x1xf32>
    %eq3A_271 = vector.broadcast %broadcast_in_dim3A_270 : vector<256x1xf32> to vector<256x2048xf32>
    %eq3A_272 = arith.cmpf oeq, %select_n3A_267, %eq3A_271 : vector<256x2048xf32>
    %jit3A_273 = arith.constant 2.048000e+03 : f32
    %broadcast_in_dim3A_274 = vector.broadcast %jit3A_273 : f32 to vector<256x2048xf32>
    %select_n3A_275 = arith.select %eq3A_272, %convert_element_type3A_65, %broadcast_in_dim3A_274 : vector<256x2048xi1>, vector<256x2048xf32>
    %reduce_min3A_276 = arith.constant dense<0x7F800000> : vector<256xf32>
    %reduce_min3A_277 = vector.multi_reduction <minimumf>, %select_n3A_275, %reduce_min3A_276 [1] : vector<256x2048xf32> to vector<256xf32>
    %broadcast_in_dim3A_278 = vector.shape_cast %reduce_min3A_277 : vector<256xf32> to vector<256x1xf32>
    %eq3A_279 = vector.broadcast %broadcast_in_dim3A_278 : vector<256x1xf32> to vector<256x2048xf32>
    %eq3A_280 = arith.cmpf oeq, %convert_element_type3A_65, %eq3A_279 : vector<256x2048xf32>
    %jit3A_281 = arith.constant -3.000000e+38 : f32
    %broadcast_in_dim3A_282 = vector.broadcast %jit3A_281 : f32 to vector<256x2048xf32>
    %select_n3A_283 = arith.select %eq3A_280, %broadcast_in_dim3A_282, %select_n3A_267 : vector<256x2048xi1>, vector<256x2048xf32>
    %reduce_max3A_284 = arith.constant dense<0xFF800000> : vector<256xf32>
    %reduce_max3A_285 = vector.multi_reduction <maximumf>, %select_n3A_283, %reduce_max3A_284 [1] : vector<256x2048xf32> to vector<256xf32>
    %broadcast_in_dim3A_286 = vector.shape_cast %reduce_max3A_285 : vector<256xf32> to vector<256x1xf32>
    %eq3A_287 = vector.broadcast %broadcast_in_dim3A_286 : vector<256x1xf32> to vector<256x2048xf32>
    %eq3A_288 = arith.cmpf oeq, %select_n3A_283, %eq3A_287 : vector<256x2048xf32>
    %jit3A_289 = arith.constant 2.048000e+03 : f32
    %broadcast_in_dim3A_290 = vector.broadcast %jit3A_289 : f32 to vector<256x2048xf32>
    %select_n3A_291 = arith.select %eq3A_288, %convert_element_type3A_65, %broadcast_in_dim3A_290 : vector<256x2048xi1>, vector<256x2048xf32>
    %reduce_min3A_292 = arith.constant dense<0x7F800000> : vector<256xf32>
    %reduce_min3A_293 = vector.multi_reduction <minimumf>, %select_n3A_291, %reduce_min3A_292 [1] : vector<256x2048xf32> to vector<256xf32>
    %broadcast_in_dim3A_294 = vector.shape_cast %reduce_min3A_293 : vector<256xf32> to vector<256x1xf32>
    %eq3A_295 = vector.broadcast %broadcast_in_dim3A_294 : vector<256x1xf32> to vector<256x2048xf32>
    %eq3A_296 = arith.cmpf oeq, %convert_element_type3A_65, %eq3A_295 : vector<256x2048xf32>
    %jit3A_297 = arith.constant -3.000000e+38 : f32
    %broadcast_in_dim3A_298 = vector.broadcast %jit3A_297 : f32 to vector<256x2048xf32>
    %select_n3A_299 = arith.select %eq3A_296, %broadcast_in_dim3A_298, %select_n3A_283 : vector<256x2048xi1>, vector<256x2048xf32>
    %reduce_max3A_300 = arith.constant dense<0xFF800000> : vector<256xf32>
    %reduce_max3A_301 = vector.multi_reduction <maximumf>, %select_n3A_299, %reduce_max3A_300 [1] : vector<256x2048xf32> to vector<256xf32>
    %broadcast_in_dim3A_302 = vector.shape_cast %reduce_max3A_301 : vector<256xf32> to vector<256x1xf32>
    %eq3A_303 = vector.broadcast %broadcast_in_dim3A_302 : vector<256x1xf32> to vector<256x2048xf32>
    %eq3A_304 = arith.cmpf oeq, %select_n3A_299, %eq3A_303 : vector<256x2048xf32>
    %jit3A_305 = arith.constant 2.048000e+03 : f32
    %broadcast_in_dim3A_306 = vector.broadcast %jit3A_305 : f32 to vector<256x2048xf32>
    %select_n3A_307 = arith.select %eq3A_304, %convert_element_type3A_65, %broadcast_in_dim3A_306 : vector<256x2048xi1>, vector<256x2048xf32>
    %reduce_min3A_308 = arith.constant dense<0x7F800000> : vector<256xf32>
    %reduce_min3A_309 = vector.multi_reduction <minimumf>, %select_n3A_307, %reduce_min3A_308 [1] : vector<256x2048xf32> to vector<256xf32>
    %broadcast_in_dim3A_310 = vector.shape_cast %reduce_min3A_309 : vector<256xf32> to vector<256x1xf32>
    %eq3A_311 = vector.broadcast %broadcast_in_dim3A_310 : vector<256x1xf32> to vector<256x2048xf32>
    %eq3A_312 = arith.cmpf oeq, %convert_element_type3A_65, %eq3A_311 : vector<256x2048xf32>
    %jit3A_313 = arith.constant -3.000000e+38 : f32
    %broadcast_in_dim3A_314 = vector.broadcast %jit3A_313 : f32 to vector<256x2048xf32>
    %select_n3A_315 = arith.select %eq3A_312, %broadcast_in_dim3A_314, %select_n3A_299 : vector<256x2048xi1>, vector<256x2048xf32>
    %reduce_max3A_316 = arith.constant dense<0xFF800000> : vector<256xf32>
    %reduce_max3A_317 = vector.multi_reduction <maximumf>, %select_n3A_315, %reduce_max3A_316 [1] : vector<256x2048xf32> to vector<256xf32>
    %broadcast_in_dim3A_318 = vector.shape_cast %reduce_max3A_317 : vector<256xf32> to vector<256x1xf32>
    %eq3A_319 = vector.broadcast %broadcast_in_dim3A_318 : vector<256x1xf32> to vector<256x2048xf32>
    %eq3A_320 = arith.cmpf oeq, %select_n3A_315, %eq3A_319 : vector<256x2048xf32>
    %jit3A_321 = arith.constant 2.048000e+03 : f32
    %broadcast_in_dim3A_322 = vector.broadcast %jit3A_321 : f32 to vector<256x2048xf32>
    %select_n3A_323 = arith.select %eq3A_320, %convert_element_type3A_65, %broadcast_in_dim3A_322 : vector<256x2048xi1>, vector<256x2048xf32>
    %reduce_min3A_324 = arith.constant dense<0x7F800000> : vector<256xf32>
    %reduce_min3A_325 = vector.multi_reduction <minimumf>, %select_n3A_323, %reduce_min3A_324 [1] : vector<256x2048xf32> to vector<256xf32>
    %broadcast_in_dim3A_326 = vector.shape_cast %reduce_min3A_325 : vector<256xf32> to vector<256x1xf32>
    %eq3A_327 = vector.broadcast %broadcast_in_dim3A_326 : vector<256x1xf32> to vector<256x2048xf32>
    %eq3A_328 = arith.cmpf oeq, %convert_element_type3A_65, %eq3A_327 : vector<256x2048xf32>
    %jit3A_329 = arith.constant -3.000000e+38 : f32
    %broadcast_in_dim3A_330 = vector.broadcast %jit3A_329 : f32 to vector<256x2048xf32>
    %select_n3A_331 = arith.select %eq3A_328, %broadcast_in_dim3A_330, %select_n3A_315 : vector<256x2048xi1>, vector<256x2048xf32>
    %reduce_max3A_332 = arith.constant dense<0xFF800000> : vector<256xf32>
    %reduce_max3A_333 = vector.multi_reduction <maximumf>, %select_n3A_331, %reduce_max3A_332 [1] : vector<256x2048xf32> to vector<256xf32>
    %broadcast_in_dim3A_334 = vector.shape_cast %reduce_max3A_333 : vector<256xf32> to vector<256x1xf32>
    %eq3A_335 = vector.broadcast %broadcast_in_dim3A_334 : vector<256x1xf32> to vector<256x2048xf32>
    %eq3A_336 = arith.cmpf oeq, %select_n3A_331, %eq3A_335 : vector<256x2048xf32>
    %jit3A_337 = arith.constant 2.048000e+03 : f32
    %broadcast_in_dim3A_338 = vector.broadcast %jit3A_337 : f32 to vector<256x2048xf32>
    %select_n3A_339 = arith.select %eq3A_336, %convert_element_type3A_65, %broadcast_in_dim3A_338 : vector<256x2048xi1>, vector<256x2048xf32>
    %reduce_min3A_340 = arith.constant dense<0x7F800000> : vector<256xf32>
    %reduce_min3A_341 = vector.multi_reduction <minimumf>, %select_n3A_339, %reduce_min3A_340 [1] : vector<256x2048xf32> to vector<256xf32>
    %broadcast_in_dim3A_342 = vector.shape_cast %reduce_min3A_341 : vector<256xf32> to vector<256x1xf32>
    %eq3A_343 = vector.broadcast %broadcast_in_dim3A_342 : vector<256x1xf32> to vector<256x2048xf32>
    %eq3A_344 = arith.cmpf oeq, %convert_element_type3A_65, %eq3A_343 : vector<256x2048xf32>
    %jit3A_345 = arith.constant -3.000000e+38 : f32
    %broadcast_in_dim3A_346 = vector.broadcast %jit3A_345 : f32 to vector<256x2048xf32>
    %select_n3A_347 = arith.select %eq3A_344, %broadcast_in_dim3A_346, %select_n3A_331 : vector<256x2048xi1>, vector<256x2048xf32>
    %reduce_max3A_348 = arith.constant dense<0xFF800000> : vector<256xf32>
    %reduce_max3A_349 = vector.multi_reduction <maximumf>, %select_n3A_347, %reduce_max3A_348 [1] : vector<256x2048xf32> to vector<256xf32>
    %broadcast_in_dim3A_350 = vector.shape_cast %reduce_max3A_349 : vector<256xf32> to vector<256x1xf32>
    %eq3A_351 = vector.broadcast %broadcast_in_dim3A_350 : vector<256x1xf32> to vector<256x2048xf32>
    %eq3A_352 = arith.cmpf oeq, %select_n3A_347, %eq3A_351 : vector<256x2048xf32>
    %jit3A_353 = arith.constant 2.048000e+03 : f32
    %broadcast_in_dim3A_354 = vector.broadcast %jit3A_353 : f32 to vector<256x2048xf32>
    %select_n3A_355 = arith.select %eq3A_352, %convert_element_type3A_65, %broadcast_in_dim3A_354 : vector<256x2048xi1>, vector<256x2048xf32>
    %reduce_min3A_356 = arith.constant dense<0x7F800000> : vector<256xf32>
    %reduce_min3A_357 = vector.multi_reduction <minimumf>, %select_n3A_355, %reduce_min3A_356 [1] : vector<256x2048xf32> to vector<256xf32>
    %broadcast_in_dim3A_358 = vector.shape_cast %reduce_min3A_357 : vector<256xf32> to vector<256x1xf32>
    %eq3A_359 = vector.broadcast %broadcast_in_dim3A_358 : vector<256x1xf32> to vector<256x2048xf32>
    %eq3A_360 = arith.cmpf oeq, %convert_element_type3A_65, %eq3A_359 : vector<256x2048xf32>
    %jit3A_361 = arith.constant -3.000000e+38 : f32
    %broadcast_in_dim3A_362 = vector.broadcast %jit3A_361 : f32 to vector<256x2048xf32>
    %select_n3A_363 = arith.select %eq3A_360, %broadcast_in_dim3A_362, %select_n3A_347 : vector<256x2048xi1>, vector<256x2048xf32>
    %reduce_max3A_364 = arith.constant dense<0xFF800000> : vector<256xf32>
    %reduce_max3A_365 = vector.multi_reduction <maximumf>, %select_n3A_363, %reduce_max3A_364 [1] : vector<256x2048xf32> to vector<256xf32>
    %broadcast_in_dim3A_366 = vector.shape_cast %reduce_max3A_365 : vector<256xf32> to vector<256x1xf32>
    %eq3A_367 = vector.broadcast %broadcast_in_dim3A_366 : vector<256x1xf32> to vector<256x2048xf32>
    %eq3A_368 = arith.cmpf oeq, %select_n3A_363, %eq3A_367 : vector<256x2048xf32>
    %jit3A_369 = arith.constant 2.048000e+03 : f32
    %broadcast_in_dim3A_370 = vector.broadcast %jit3A_369 : f32 to vector<256x2048xf32>
    %select_n3A_371 = arith.select %eq3A_368, %convert_element_type3A_65, %broadcast_in_dim3A_370 : vector<256x2048xi1>, vector<256x2048xf32>
    %reduce_min3A_372 = arith.constant dense<0x7F800000> : vector<256xf32>
    %reduce_min3A_373 = vector.multi_reduction <minimumf>, %select_n3A_371, %reduce_min3A_372 [1] : vector<256x2048xf32> to vector<256xf32>
    %broadcast_in_dim3A_374 = vector.shape_cast %reduce_min3A_373 : vector<256xf32> to vector<256x1xf32>
    %jit3A_375 = arith.constant 8 : i32
    %eq3A_376 = arith.constant 0 : i32
    %eq3A_377 = arith.cmpi eq, %jit3A_375, %eq3A_376 : i32
    %jit3A_378 = arith.constant 1 : i32
    %select_n3A_379 = arith.select %eq3A_377, %jit3A_378, %jit3A_375 : i32
    %rem3A = arith.remsi %arg0, %select_n3A_379 : i32
    %ne3A = arith.constant 0 : i32
    %ne3A_380 = arith.cmpi ne, %rem3A, %ne3A : i32
    %lt3A = arith.constant 0 : i32
    %lt3A_381 = arith.cmpi slt, %rem3A, %lt3A : i32
    %lt3A_382 = arith.constant 0 : i32
    %lt3A_383 = arith.cmpi slt, %select_n3A_379, %lt3A_382 : i32
    %ne3A_384 = arith.xori %lt3A_381, %lt3A_383 : i1
    %and3A = arith.andi %ne3A_384, %ne3A_380 : i1
    %add3A_385 = arith.addi %rem3A, %select_n3A_379 : i32
    %select_n3A_386 = arith.select %and3A, %add3A_385, %rem3A : i32
    %mul3A_387 = arith.constant 2048 : i32
    %mul3A_388 = arith.muli %select_n3A_386, %mul3A_387 : i32
    %concatenate3A = tpu.concatenate %broadcast_in_dim3A_70, %broadcast_in_dim3A_86, %broadcast_in_dim3A_102, %broadcast_in_dim3A_118, %broadcast_in_dim3A_134, %broadcast_in_dim3A_150, %broadcast_in_dim3A_166, %broadcast_in_dim3A_182, %broadcast_in_dim3A_198, %broadcast_in_dim3A_214, %broadcast_in_dim3A_230, %broadcast_in_dim3A_246, %broadcast_in_dim3A_262, %broadcast_in_dim3A_278, %broadcast_in_dim3A_294, %broadcast_in_dim3A_310, %broadcast_in_dim3A_326, %broadcast_in_dim3A_342, %broadcast_in_dim3A_358, %broadcast_in_dim3A_374 in 1 : vector<256x1xf32>, vector<256x1xf32>, vector<256x1xf32>, vector<256x1xf32>, vector<256x1xf32>, vector<256x1xf32>, vector<256x1xf32>, vector<256x1xf32>, vector<256x1xf32>, vector<256x1xf32>, vector<256x1xf32>, vector<256x1xf32>, vector<256x1xf32>, vector<256x1xf32>, vector<256x1xf32>, vector<256x1xf32>, vector<256x1xf32>, vector<256x1xf32>, vector<256x1xf32>, vector<256x1xf32> -> vector<256x20xf32>
    %convert_element_type3A_389 = arith.fptosi %concatenate3A : vector<256x20xf32> to vector<256x20xi32>
    %add3A_390 = vector.broadcast %mul3A_388 : i32 to vector<256x20xi32>
    %add3A_391 = arith.addi %convert_element_type3A_389, %add3A_390 : vector<256x20xi32>
    %swap3A = arith.constant 0 : index
    %swap3A_392 = arith.constant 0 : index
    %swap3A_393 = arith.constant 0 : index
    %swap3A_394 = vector.load %arg4[%swap3A, %swap3A_392, %swap3A_393] : memref<1x256x20xi32, #tpu.memory_space<vmem>>, vector<1x256x20xi32>
    %swap3A_395 = vector.shape_cast %swap3A_394 : vector<1x256x20xi32> to vector<256x20xi32>
    %swap3A_396 = vector.shape_cast %add3A_391 : vector<256x20xi32> to vector<1x256x20xi32>
    tpu.vector_store %arg4[%swap3A, %swap3A_392, %swap3A_393], %swap3A_396 {strides = array<i32>} : memref<1x256x20xi32, #tpu.memory_space<vmem>>, vector<1x256x20xi32>,
    return
  }
  func.func @transform_0(%arg0: i32, %arg1: i32) -> (i32, i32, i32) {
    %c0_i32 = arith.constant 0 : i32
    %c0_i32_0 = arith.constant 0 : i32
    %c0_i32_1 = arith.constant 0 : i32
    return %arg0, %c0_i32, %c0_i32_0 : i32, i32, i32
  }
  func.func @transform_1(%arg0: i32, %arg1: i32) -> (i32, i32, i32) {
    %c0_i32 = arith.constant 0 : i32
    %c0_i32_0 = arith.constant 0 : i32
    return %arg0, %arg1, %c0_i32 : i32, i32, i32
  }
  func.func @transform_2(%arg0: i32, %arg1: i32) -> (i32, i32, i32) {
    %c0_i32 = arith.constant 0 : i32
    %c0_i32_0 = arith.constant 0 : i32
    return %arg0, %arg1, %c0_i32 : i32, i32, i32
  }
}

</mosaic_0001>

<sc_bundles>
// kernel: kernel.5.cloned.1.call-start
scs
__scs_entry_jumppad:
0x0: {  	(pc) =	sbr.rel $0x88, $3  }
0x1: {  	(tag) =	ssettag $0x0;
	lr =	simm.s32 $0x1  }
0x2: {  	[smem:$0x3F9C] =	sst lr;
	_ =	strace $0xD0000000  }
0x3: {  	_ = 	snop  }
0x4: {  	_ = 	snop  }
0x5: {  	_ = 	snop  }
0x6: {  	_ = 	snop  }
0x7: {  	_ = 	snop  }
__scs_overlays_trampoline_lowered:
0x8: {  	[smem:$0x3FAB] =	sst s0  }
0x9: {  	[smem:$0x3FAC] =	sst s1  }
0xa: {  	[smem:$0x3FAD] =	sst s2  }
0xb: {  	[smem:$0x3FAE] =	sst s3  }
0xc: {  	[smem:$0x3FAF] =	sst s4  }
0xd: {  	[smem:$0x3FB0] =	sst s5  }
0xe: {  	[smem:$0x3FB1] =	sst s6  }
0xf: {  	[smem:$0x3FB2] =	sst s7  }
0x10: {  	[smem:$0x3FB3] =	sst s8  }
0x11: {  	[smem:$0x3FB4] =	sst s9;
	s0 =	simm.s32 @!p0 $0x0  }
0x12: {  	s1 =	sld [smem:$0x3F9A];
	s0 =	simm.s32 @p0 $0x1  }
0x13: {  	[smem:$0x3FB5] =	sst s0;
	s0 =	simm.s32 @!p1 $0x0  }
0x14: {  	s2 =	sld [smem:$0x3F99];
	s0 =	simm.s32 @p1 $0x1  }
0x15: {  	[smem:$0x3FB6] =	sst s0;
	s0 =	simm.s32 @!p2 $0x0  }
0x16: {  	s3 =	sld [smem:$0x3FDB];
	s0 =	simm.s32 @p2 $0x1  }
0x17: {  	s4 =	simm.s32 $0x1BF5;
	[smem:$0x3FB8] =	sst s0  }
0x18: {  	s0 =	sld [smem:$0x3F9B];
	_ =	swait.ge [sflag:s4], $0x0  }
0x19: {  	s7 =	sld [smem:$0x3F9C]  }
0x1a: {  	s8 =	sadd.s32 $0xFFFFE003, lr  }
0x1b: {  	s9 =	sadd.s32 $0xFFFFFEF7, lr;
	s5 =	simm.s32 $0xFFFFFFFF;
	p2 =	slt.u32 s8, $0xFFFFF086  }
0x1c: {  	p1 =	slt.u32 s9, $0xF7A;
	s5 =	simm.s32 @!p2 $0x0  }
0x1d: {  	s5 =	simm.s32 @p1 $0x1;
	p0 =	seq.s32 s7, s2  }
0x1e: {  	s7 =	smul.u32 @!p0 $0xF7A, s2;
	p2 =	seq.s32 @!p0 s5, $0x0  }
0x1f: {  	s9 =	smul.u32 $0xF7A, s1;
	s8 =	simm.s32 @!p0 $0x1BF5;
	p2 =	por !p2, p0  }
0x20: {  	[sflag:s8] =	ssyncset.s32 @!p0 $0xFFFFF086;
	s6 =	sadd.s32 @!p0 s3, s7;
	s7 =	simm.s32 @!p0 $0x108  }
0x21: {  	s3 =	sadd.s32 s3, s9;
	s6 =	sadd.s32 @!p0 $0x88, s6;
	s7 =	simm.s32 @p2 $0x1082  }
0x22: {  	[simem:s7], [sflag:s8] =	dma.local @!p0 [hbm:s6], $0xF7A  }
0x23: {  	s9 =	sor.u32 $0xD0000000, s2;
	s6 =	simm.s32 $0x108;
	_ =	swait.ge @!p0 [sflag:s8], $0x0  }
0x24: {  	s3 =	sadd.s32 $0x88, s3;
	s6 =	simm.s32 @!p1 $0x1082;
	[sflag:s4] =	ssyncset.s32 $0xFFFFF086  }
0x25: {  	[simem:s6], [sflag:s4] =	dma.local [hbm:s3], $0xF7A  }
0x26: {  	[smem:$0x3F9C] =	sst s1;
	(tag) =	ssettag s2;
	_ =	strace s9  }
0x27: {  	s1 =	sld [smem:$0x3FAC]  }
0x28: {  	s2 =	sld [smem:$0x3FAD]  }
0x29: {  	s4 =	sld [smem:$0x3FAF]  }
0x2a: {  	p0 =	seq.s32 s5, $0x0;
	s5 =	sld [smem:$0x3FB0]  }
0x2b: {  	s6 =	sld [smem:$0x3FB1]  }
0x2c: {  	s7 =	sld [smem:$0x3FB2]  }
0x2d: {  	s3 =	simm.s32 $0x108;
	s8 =	sld [smem:$0x3FB3]  }
0x2e: {  	s3 =	simm.s32 @!p0 $0x1082;
	s9 =	sld [smem:$0x3FB4]  }
0x2f: {  	lr =	sadd.s32 s0, s3;
	s0 =	sld [smem:$0x3FAB]  }
0x30: {  	s3 =	sld [smem:$0x3FAE]  }
0x31: {  	[smem:$0x3FB7] =	sst s10  }
0x32: {  	s10 =	sld [smem:$0x3FB5];
	_ =	sdelay $0x3  }
0x33: {  	p0 =	seq.s32 s10, $0x1;
	s10 =	sld [smem:$0x3FB7];
	_ =	sdelay $0x3  }
0x34: {  	[smem:$0x3FB7] =	sst s10  }
0x35: {  	s10 =	sld [smem:$0x3FB6];
	_ =	sdelay $0x3  }
0x36: {  	p1 =	seq.s32 s10, $0x1;
	s10 =	sld [smem:$0x3FB7];
	_ =	sdelay $0x3  }
0x37: {  	[smem:$0x3FB7] =	sst s10  }
0x38: {  	s10 =	sld [smem:$0x3FB8]  }
0x39: {  	_ = 	snop;
	(pc) =	sbr.ind lr, $3  }
0x3a: {  	_ = 	snop  }
0x3b: {  	_ = 	snop  }
0x3c: {  	p2 =	seq.s32 s10, $0x1;
	s10 =	sld [smem:$0x3FB7]  }
0x3d: {  	_ =	shalt  }
0x3e: {  	_ =	shalt  }
0x3f: {  	_ =	shalt  }
0x40: {  	_ =	shalt  }
0x41: {  	_ =	shalt  }
0x42: {  	_ =	shalt  }
0x43: {  	_ =	shalt  }
0x44: {  	_ =	shalt  }
0x45: {  	_ =	shalt  }
0x46: {  	_ =	shalt  }
0x47: {  	_ =	shalt  }
0x48: {  	_ =	shalt  }
0x49: {  	_ =	shalt  }
0x4a: {  	_ =	shalt  }
0x4b: {  	_ =	shalt  }
0x4c: {  	_ =	shalt  }
0x4d: {  	_ =	shalt  }
0x4e: {  	_ =	shalt  }
0x4f: {  	_ =	shalt  }
0x50: {  	_ =	shalt  }
0x51: {  	_ =	shalt  }
0x52: {  	_ =	shalt  }
0x53: {  	_ =	shalt  }
0x54: {  	_ =	shalt  }
0x55: {  	_ =	shalt  }
0x56: {  	_ =	shalt  }
0x57: {  	_ =	shalt  }
0x58: {  	_ =	shalt  }
0x59: {  	_ =	shalt  }
0x5a: {  	_ =	shalt  }
0x5b: {  	_ =	shalt  }
0x5c: {  	_ =	shalt  }
0x5d: {  	_ =	shalt  }
0x5e: {  	_ =	shalt  }
0x5f: {  	_ =	shalt  }
0x60: {  	_ =	shalt  }
0x61: {  	_ =	shalt  }
0x62: {  	_ =	shalt  }
0x63: {  	_ =	shalt  }
0x64: {  	_ =	shalt  }
0x65: {  	_ =	shalt  }
0x66: {  	_ =	shalt  }
0x67: {  	_ =	shalt  }
0x68: {  	_ =	shalt  }
0x69: {  	_ =	shalt  }
0x6a: {  	_ =	shalt  }
0x6b: {  	_ =	shalt  }
0x6c: {  	_ =	shalt  }
0x6d: {  	_ =	shalt  }
0x6e: {  	_ =	shalt  }
0x6f: {  	_ =	shalt  }
0x70: {  	_ =	shalt  }
0x71: {  	_ =	shalt  }
0x72: {  	_ =	shalt  }
0x73: {  	_ =	shalt  }
0x74: {  	_ =	shalt  }
0x75: {  	_ =	shalt  }
0x76: {  	_ =	shalt  }
0x77: {  	_ =	shalt  }
0x78: {  	_ =	shalt  }
0x79: {  	_ =	shalt  }
0x7a: {  	_ =	shalt  }
0x7b: {  	_ =	shalt  }
0x7c: {  	_ =	shalt  }
0x7d: {  	_ =	shalt  }
0x7e: {  	_ =	shalt  }
0x7f: {  	_ =	shalt  }
0x80: {  	_ =	shalt  }
0x81: {  	_ =	shalt  }
0x82: {  	_ =	shalt  }
0x83: {  	_ =	shalt  }
0x84: {  	_ =	shalt  }
0x85: {  	_ =	shalt  }
0x86: {  	_ =	shalt  }
0x87: {  	_ =	shalt  }
.Lfunc_end0:
.L_simem_size_0:
called_computation_lowered:
.L_overlay_start_0:
0x88: {  	s2 =	sld [smem:$0x3FD9]  }
0x89: {  	s3 =	sld [smem:$0x3FFE];
	_ =	sdelay $0x1  }
0x8a: {  	s1 =	srdreg.scid  }
0x8b: {  	s0 =	sand.u32 $0x1, s1  }
0x8c: {  	s17 =	sshll.u32 s0, $0xA;
	s2 =	sadd.s32 s3, s2  }
0x8d: {  	s2 =	sadd.s32 s2, s17  }
0x8e: {  	[smem:$0x3FC3] =	sst s2  }
0x8f: {  	_ = 	snop  }
0x90: {  	s2 =	sld [smem:$0x3FD0];
	(tm) =	ssettm $0x1  }
0x91: {  	s18 =	sld [smem:$0x3FFB];
	_ =	sdelay $0x3  }
0x92: {  	_ =	strace s18  }
0x93: {  	s3 =	sld [smem:$0x3FFC];
	_ =	sdelay $0x3  }
0x94: {  	_ =	strace s3  }
0x95: {  	s3 =	sld [smem:$0x3FFD];
	_ =	sdelay $0x3  }
0x96: {  	_ =	strace s3  }
0x97: {  	_ =	strace $0x8FFFFFFF  }
0x98: {  	s19 =	sld [smem:$0x3FDB];
	_ =	sdelay $0x1  }
0x99: {  	s4 =	simm.s32 $_scs_section_size  }
0x9a: {  	s5 =	simm.s32 $_size__tile_overlayer_lowered;
	s6 =	simm.s32 $_tile_overlayer_lowered  }
0x9b: {  	s22 =	simm.s32 $0x1BFF;
	s21 =	sshll.u32 s6, $0x1;
	s3 =	sadd.s32 s4, s19  }
0x9c: {  	s7 =	simm.s32 $0x0;
	s20 =	sshll.u32 s5, $0x1;
	s5 =	sadd.s32 s21, s3  }
0x9d: {  	[timem:s7], [sflag:s22] =	dma.local [hbm:s5], s20  }
0x9e: {  	_ =	swait.ge [sflag:s22], s20  }
0x9f: {  	s4 =	ssub.s32 $0x0, s20;
	[sflag:s22] =	ssyncset.done $0x0  }
0xa0: {  	[sflag:s22] =	ssyncadd.s32 s4;
	_ =	sdelay $0x1  }
0xa1: {  	s23 =	simm.s32 $0x1B8B  }
0xa2: {  	_ =	swait.ge [sflag:s23], $0x1  }
0xa3: {  	[sflag:s23] =	ssyncset.done $0x0  }
0xa4: {  	s25 =	simm.s32 $0x1B8E;
	s24 =	sld [smem:$0x3FFE];
	[sflag:s23] =	ssyncadd.s32 $0xFFFFFFFF  }
0xa5: {  	s26 =	simm.s32 $execute0_lowered;
	[smem:$0x3FD2] =	sst s25  }
0xa6: {  	s5 =	sshll.u32 s26, $0x1;
	_ =	strace $0x80000046;
	[dreg:$0x1] =	wrdreg $0xFFFFFFFF  }
0xa7: {  	s28 =	simm.s32 $_size_execute0_lowered;
	s3 =	sadd.s32 s3, s5;
	[dreg:$0x0] =	wrdreg $0x0  }
0xa8: {  	s5 =	sshll.u32 s28, $0x1;
	[dreg:$0x2] =	wrdreg s3  }
0xa9: {  	[dreg:$0x3] =	wrdreg s5  }
0xaa: {  	[dreg:$0x4] =	wrdreg $0xC0  }
0xab: {  	_ =	task [dreg:s7], $0x5FFFF  }
0xac: {  	[dreg:$0x1] =	wrdreg $0xFFFFFFFF  }
0xad: {  	[dreg:$0x0] =	wrdreg $0x60  }
0xae: {  	[dreg:$0x2] =	wrdreg s24  }
0xaf: {  	[dreg:$0x3] =	wrdreg s2  }
0xb0: {  	[dreg:$0x4] =	wrdreg $0x9  }
0xb1: {  	_ =	task.clear_ibuf [dreg:s7], $0x5FFFF;
	_ =	strace $0x90000046  }
0xb2: {  	s29 =	simm.s32 $0x9;
	_ =	strace $0x80000048  }
0xb3: {  	_ =	swait.ge [sflag:s29], $0x1  }
0xb4: {  	[sflag:s29] =	ssyncadd.s32 $0xFFFFFFFF  }
0xb5: {  	_ =	strace $0x90000048  }
0xb6: {  	_ =	sfence  }
0xb7: {  	s30 =	sld [smem:$0x0];
	_ =	sdelay $0x2  }
0xb8: {  	s31 =	sshll.u32 s1, $0xD;
	s1 =	sshrl.u32 s1, $0x2  }
0xb9: {  	s3 =	sand.u32 $0x4000, s31;
	s1 =	sadd.s32 s1, s30  }
0xba: {  	s0 =	sor.u32 s3, s0;
	s1 =	sshll.u32 s1, $0x11  }
0xbb: {  	s0 =	sor.u32 s1, s0  }
0xbc: {  	s0 =	sadd.s32 $0x8F2B, s0  }
0xbd: {  	[sflag:s0] =	ssyncadd.remote.s32 $0x1  }
0xbe: {  	_ =	sfence.sel $0xFFFF  }
0xbf: {  	[dreg:$0x0] =	wrdreg $0xFFFFFFFF;
	(pc) =	sbr.abs _section_cstart, $3  }
0xc0: {  	[dreg:$0x1] =	wrdreg $0xFFFFFFFF  }
0xc1: {  	_ =	task.clear_ibuf [dreg:s7], $0x2FFFF;
	_ =	strace $0x9FFFFFFF  }
0xc2: {  	(tm) =	ssettm $0x7FFFFFFF  }
0xc3: {  	_ =	shalt  }
tec
execute0_lowered:
.L_overlay_start_1:
0x0: {  	(tag) =	ssettag $0x1  }
0x1: {  	s0 =	rddreg [dreg:$0x0]  }
0x2: {  	s1 =	simm.s32 $0x0;
	s25 =	srdreg.scid;
	s3 =	stileid.u32  }
0x3: {  	s11 =	simm.s32 $0x2;
	s12 =	simm.s32 $0x400;
	s13 =	simm.s32 $0x40  }
0x4: {  	s19 =	simm.s32 $0xC800;
	s20 =	simm.s32 $0x100;
	s21 =	simm.s32 $0x4800  }
0x5: {  	s22 =	simm.s32 $0x500;
	s23 =	simm.s32 $0xE800;
	s24 =	simm.s32 $0x180  }
0x6: {  	s28 =	simm.s32 $0x10800;
	s29 =	simm.s32 $0x200;
	s30 =	simm.s32 $0x8800  }
0x7: {  	s31 =	simm.s32 $0x600;
	s10 =	simm.s32 $0x1;
	s14 =	simm.s32 $0x0  }
0x8: {  	[smem:$0x7FF] =	sst s1;
	s4 =	sadd.s32 $0x101200, s0;
	s1 =	sand.u32 $0x1, s25  }
0x9: {  	s5 =	sadd.s32 $0x81200, s0;
	s3 =	sshll.u32 s3, $0x1;
	s6 =	sadd.s32 $0xC1200, s0  }
0xa: {  	s7 =	sadd.s32 $0x1200, s0;
	s25 =	simm.s32 $0x6800;
	s2 =	ssub.s32 $0x2, s1  }
0xb: {  	_ =	strace $0x80000047;
	s1 =	sor.u32 s1, s3;
	s8 =	sshrl.u32 s2, $0x1  }
0xc: {  	s3 =	simm.s32 $0x14800;
	s9 =	sshll.u32 s1, $0xC;
	s26 =	ssub.s32 s2, s8  }
0xd: {  	s8 =	sshll.u32 s1, $0xD;
	s1 =	simm.s32 $0x15000;
	s0 =	smax.u32 s26, $0x1  }
0xe: {  	s26 =	simm.s32 $0x580;
	[dreg:$0x3] =	wrdreg s0;
	s0 =	simm.s32 $0x12800  }
.LBB2_1:
0xf: {  	[dreg:$0x4] =	wrdreg s14;
	s2 =	simm.s32 $0x0  }
.LBB2_2:
0x10: {  	s14 =	sshll.u32 s2, $0x7  }
0x11: {  	s17 =	rddreg [dreg:$0x1];
	s15 =	sadd.s32 s9, s14  }
0x12: {  	s14 =	simm.s32 $0x0;
	s16 =	sadd.s32 s17, s15  }
0x13: {  	[tilespmem:s14], [sflag:$0x2] =	stream.linear.gather [hbm4b:s16+s14], $0x280, $0x38;
	[tilespmem:$0x15800] =	vst v63  }
0x14: {  	_ =	swait.ge [sflag:s11], $0x280  }
0x15: {  	[sflag:s11] =	ssyncset.done $0x0  }
0x16: {  	s15 =	sadd.s32 s6, s15;
	[sflag:s11] =	ssyncadd.s32 $0xFFFFFD80  }
0x17: {  	[tilespmem:s12], [sflag:$0x2] =	stream.linear.gather [hbm4b:s15+s14], $0x280, $0x38;
	[tilespmem:$0x15800] =	vst v63  }
0x18: {  	_ =	swait.ge [sflag:s11], $0x280  }
0x19: {  	[sflag:s11] =	ssyncset.done $0x0  }
0x1a: {  	s18 =	simm.s32 $0x800;
	[sflag:s11] =	ssyncadd.s32 $0xFFFFFD80  }
0x1b: {  	[tilespmem:s18], [sflag:$0x1] =	stream.indirect.gather [hbm4b:s4+s13], $0x80, s14, s13, $0xb8;
	[tilespmem:$0x15800] =	vst v63  }
0x1c: {  	s16 =	simm.s32 $0xA800  }
0x1d: {  	[tilespmem:s16], [sflag:$0x1] =	stream.indirect.gather [hbm4b:s4+s13], $0x80, s12, s13, $0xb8;
	[tilespmem:$0x15800] =	vst v63  }
0x1e: {  	s17 =	simm.s32 $0x80;
	s18 =	simm.s32 $0x2800  }
0x1f: {  	[tilespmem:s18], [sflag:$0x1] =	stream.indirect.gather [hbm4b:s4+s13], $0x80, s17, s13, $0xb8;
	[tilespmem:$0x15800] =	vst v63  }
0x20: {  	s16 =	simm.s32 $0x480  }
0x21: {  	[tilespmem:s19], [sflag:$0x1] =	stream.indirect.gather [hbm4b:s4+s13], $0x80, s16, s13, $0xb8;
	[tilespmem:$0x15800] =	vst v63  }
0x22: {  	_ = 	snop  }
0x23: {  	[tilespmem:s21], [sflag:$0x1] =	stream.indirect.gather [hbm4b:s4+s13], $0x80, s20, s13, $0xb8;
	[tilespmem:$0x15800] =	vst v63  }
0x24: {  	_ = 	snop  }
0x25: {  	[tilespmem:s23], [sflag:$0x1] =	stream.indirect.gather [hbm4b:s4+s13], $0x80, s22, s13, $0xb8;
	[tilespmem:$0x15800] =	vst v63  }
0x26: {  	_ = 	snop  }
0x27: {  	[tilespmem:s25], [sflag:$0x1] =	stream.indirect.gather [hbm4b:s4+s13], $0x80, s24, s13, $0xb8;
	[tilespmem:$0x15800] =	vst v63  }
0x28: {  	_ = 	snop  }
0x29: {  	[tilespmem:s28], [sflag:$0x1] =	stream.indirect.gather [hbm4b:s4+s13], $0x80, s26, s13, $0xb8;
	[tilespmem:$0x15800] =	vst v63  }
0x2a: {  	s17 =	sshll.u32 s2, $0x8  }
0x2b: {  	[tilespmem:s30], [sflag:$0x1] =	stream.indirect.gather [hbm4b:s4+s13], $0x80, s29, s13, $0xb8;
	[tilespmem:$0x15800] =	vst v63  }
0x2c: {  	s15 =	sadd.s32 s8, s17  }
0x2d: {  	[tilespmem:s0], [sflag:$0x1] =	stream.indirect.gather [hbm4b:s4+s13], $0x80, s31, s13, $0xb8;
	[tilespmem:$0x15800] =	vst v63  }
0x2e: {  	s18 =	sadd.s32 s5, s15  }
0x2f: {  	[tilespmem:s3], [sflag:$0x2] =	stream.linear.gather [hbm4b:s18+s14], $0x800, $0x38;
	[tilespmem:$0x15800] =	vst v63  }
0x30: {  	_ =	swait.ge [sflag:s11], $0x800  }
0x31: {  	[sflag:s11] =	ssyncset.done $0x0  }
0x32: {  	[sflag:s11] =	ssyncadd.s32 $0xFFFFF800  }
0x33: {  	_ =	swait.ge [sflag:s10], $0x2000  }
0x34: {  	[sflag:s10] =	ssyncset.done $0x0  }
0x35: {  	[sflag:s10] =	ssyncadd.s32 $0xFFFFE000  }
0x36: {  	_ =	swait.ge [sflag:s10], $0x2000  }
0x37: {  	[sflag:s10] =	ssyncset.done $0x0  }
0x38: {  	[sflag:s10] =	ssyncadd.s32 $0xFFFFE000  }
0x39: {  	_ =	swait.ge [sflag:s10], $0x2000  }
0x3a: {  	[sflag:s10] =	ssyncset.done $0x0  }
0x3b: {  	[sflag:s10] =	ssyncadd.s32 $0xFFFFE000  }
0x3c: {  	_ =	swait.ge [sflag:s10], $0x2000  }
0x3d: {  	[sflag:s10] =	ssyncset.done $0x0  }
0x3e: {  	[sflag:s10] =	ssyncadd.s32 $0xFFFFE000  }
0x3f: {  	_ =	swait.ge [sflag:s10], $0x2000  }
0x40: {  	[sflag:s10] =	ssyncset.done $0x0  }
0x41: {  	[sflag:s10] =	ssyncadd.s32 $0xFFFFE000  }
0x42: {  	_ =	swait.ge [sflag:s10], $0x2000  }
0x43: {  	[sflag:s10] =	ssyncset.done $0x0  }
0x44: {  	[sflag:s10] =	ssyncadd.s32 $0xFFFFE000  }
0x45: {  	_ =	swait.ge [sflag:s10], $0x2000  }
0x46: {  	[sflag:s10] =	ssyncset.done $0x0  }
0x47: {  	[sflag:s10] =	ssyncadd.s32 $0xFFFFE000  }
0x48: {  	_ =	swait.ge [sflag:s10], $0x2000  }
0x49: {  	[sflag:s10] =	ssyncset.done $0x0  }
0x4a: {  	[sflag:s10] =	ssyncadd.s32 $0xFFFFE000  }
0x4b: {  	_ =	swait.ge [sflag:s10], $0x2000  }
0x4c: {  	[sflag:s10] =	ssyncset.done $0x0  }
0x4d: {  	[sflag:s10] =	ssyncadd.s32 $0xFFFFE000  }
0x4e: {  	_ =	swait.ge [sflag:s10], $0x2000  }
0x4f: {  	[sflag:s10] =	ssyncset.done $0x0  }
0x50: {  	s17 =	simm.s32 $0xAD40;
	s16 =	simm.s32 $0xD00;
	[sflag:s10] =	ssyncadd.s32 $0xFFFFE000  }
.LBB2_3:
0x51: {  	v1 =	vld [tilespmem:s16+$0xFFFFFB00]  }
0x52: {  	v2 =	vld [tilespmem:s17+$0xFFFFFB00]  }
0x53: {  	v3 =	vld [tilespmem:s16+$0xFFFFFB80]  }
0x54: {  	v4 =	vld [tilespmem:s17+$0xFFFFFB80]  }
0x55: {  	v5 =	vld [tilespmem:s16+$0xFFFFFC00]  }
0x56: {  	v6 =	vld [tilespmem:s17+$0xFFFFFC00]  }
0x57: {  	v7 =	vld [tilespmem:s16+$0xFFFFFC80]  }
0x58: {  	v8 =	vld [tilespmem:s17+$0xFFFFFC80]  }
0x59: {  	v9 =	vld [tilespmem:s16+$0xFFFFFD00]  }
0x5a: {  	v10 =	vld [tilespmem:s17+$0xFFFFFD00]  }
0x5b: {  	v43 =	vld [tilespmem:s16+$0xFFFFFD80]  }
0x5c: {  	v44 =	vld [tilespmem:s17+$0xFFFFFD80]  }
0x5d: {  	v11 =	vld [tilespmem:s16+$0xFFFFFE00]  }
0x5e: {  	v45 =	vld [tilespmem:s17+$0xFFFFFE00]  }
0x5f: {  	v46 =	vld [tilespmem:s16+$0xFFFFFE80]  }
0x60: {  	v14 =	vld [tilespmem:s17+$0xFFFFFE80]  }
0x61: {  	v47 =	vld [tilespmem:s16+$0xFFFFFF00]  }
0x62: {  	v49 =	vld [tilespmem:s17+$0xFFFFFF00]  }
0x63: {  	v15 =	vld [tilespmem:s16+$0xFFFFFF80]  }
0x64: {  	v51 =	vld [tilespmem:s17+$0xFFFFFF80]  }
0x65: {  	v56 =	vld [tilespmem:s16+$0x80]  }
0x66: {  	v58 =	vld [tilespmem:s17+$0x80]  }
0x67: {  	v63 =	vld [tilespmem:s16+$0x180]  }
0x68: {  	v18 =	vld [tilespmem:s17+$0x180]  }
0x69: {  	v23 =	vld [tilespmem:s16+$0x280];
	v1 =	vadd.f32 v2, v1  }
0x6a: {  	s18 =	sshra.s32 s14, $0x2;
	v25 =	vld [tilespmem:s17+$0x280];
	v3 =	vadd.f32 v4, v3;
	v5 =	vadd.f32 v6, v5  }
0x6b: {  	v0 =	vld [tilespmem:s18+$0x14800];
	v7 =	vadd.f32 v8, v7;
	v9 =	vadd.f32 v10, v9  }
0x6c: {  	v2 =	vadd.f32 v44, v43;
	v6 =	vadd.f32 v45, v11  }
0x6d: {  	v55 =	vadd.f32 v14, v46;
	v10 =	vadd.f32 v49, v47  }
0x6e: {  	v4 =	vadd.f32 v51, v15;
	v22 =	vadd.f32 v58, v56  }
0x6f: {  	v31 =	vadd.f32 v18, v63;
	v39 =	vadd.f32 v25, v23  }
0x70: {  	v30 =	vld [tilespmem:s16+$0x380];
	v1 =	vadd.f32 v1, v0;
	v3 =	vadd.f32 v3, v0  }
0x71: {  	v32 =	vld [tilespmem:s17+$0x380];
	v5 =	vadd.f32 v5, v0;
	v7 =	vadd.f32 v7, v0  }
0x72: {  	v9 =	vadd.f32 v9, v0;
	v2 =	vadd.f32 v2, v0  }
0x73: {  	v6 =	vadd.f32 v6, v0;
	v12 =	vmul.f32 $2.000000030e-01, v1;
	v13 =	vmul.f32 $2.000000030e-01, v3  }
0x74: {  	v52 =	vld [tilespmem:s16+$0x0];
	v17 =	vadd.f32 v10, v0;
	v48 =	vmul.f32 $2.000000030e-01, v5;
	v50 =	vmul.f32 $2.000000030e-01, v7  }
0x75: {  	v54 =	vld [tilespmem:s17+$0x0];
	v4 =	vadd.f32 v4, v0;
	v53 =	vmul.f32 $2.000000030e-01, v9;
	v57 =	vmul.f32 $2.000000030e-01, v2  }
0x76: {  	v41 =	vadd.f32 v32, v30;
	v60 =	vmul.f32 $2.000000030e-01, v6;
	v20 =	vmul.f32 $2.000000030e-01, v17  }
0x77: {  	v59 =	vld [tilespmem:s16+$0x100];
	v24 =	vmul.f32 $2.000000030e-01, v4;
	v1 =	vmax.f32 v1, v12;
	v3 =	vmax.f32 v3, v13  }
0x78: {  	v61 =	vld [tilespmem:s17+$0x100];
	v5 =	vmax.f32 v5, v48;
	v2 =	vmax.f32 v2, v57;
	v1 =	vmax.f32 v1, v3  }
0x79: {  	v19 =	vld [tilespmem:s16+$0x200];
	v6 =	vmax.f32 v6, v60;
	v3 =	vmax.f32 v7, v50;
	v1 =	vmax.f32 v1, v5  }
0x7a: {  	v21 =	vld [tilespmem:s17+$0x200];
	v5 =	vadd.f32 v54, v52;
	v1 =	vmax.f32 v1, v3;
	v3 =	vadd.f32 v55, v0  }
0x7b: {  	v26 =	vld [tilespmem:s16+$0x300];
	v4 =	vmax.f32 v4, v24;
	v7 =	vmax.f32 v9, v53;
	v9 =	vadd.f32 v31, v0  }
0x7c: {  	v28 =	vld [tilespmem:s17+$0x300];
	v1 =	vmax.f32 v1, v7;
	v5 =	vadd.f32 v5, v0;
	v62 =	vmul.f32 $2.000000030e-01, v3  }
0x7d: {  	v33 =	vld [tilespmem:s16+$0x400];
	v37 =	vmul.f32 $2.000000030e-01, v9;
	v7 =	vadd.f32 v61, v59;
	v1 =	vmax.f32 v1, v2  }
0x7e: {  	v35 =	vld [tilespmem:s17+$0x400];
	v1 =	vmax.f32 v1, v6;
	v27 =	vmul.f32 $2.000000030e-01, v5;
	v2 =	vmax.f32 v3, v62  }
0x7f: {  	v7 =	vadd.f32 v7, v0;
	v1 =	vmax.f32 v1, v2;
	v2 =	vadd.f32 v22, v0  }
0x80: {  	v36 =	vld [tilespmem:s16+$0x480];
	v6 =	vmax.f32 v17, v20;
	v3 =	vadd.f32 v21, v19;
	v5 =	vmax.f32 v5, v27  }
0x81: {  	v38 =	vld [tilespmem:s17+$0x480];
	v34 =	vmul.f32 $2.000000030e-01, v7;
	v1 =	vmax.f32 v1, v6;
	v29 =	vmul.f32 $2.000000030e-01, v2  }
0x82: {  	v3 =	vadd.f32 v3, v0;
	v6 =	vadd.f32 v28, v26;
	v1 =	vmax.f32 v1, v4  }
0x83: {  	v4 =	vadd.f32 v35, v33;
	v1 =	vmax.f32 v1, v5;
	v2 =	vmax.f32 v2, v29  }
0x84: {  	v5 =	vmax.f32 v7, v34;
	v7 =	vmax.f32 v9, v37;
	v1 =	vmax.f32 v1, v2  }
0x85: {  	v6 =	vadd.f32 v6, v0;
	v1 =	vmax.f32 v1, v5;
	v5 =	vadd.f32 v39, v0  }
0x86: {  	v40 =	vmul.f32 $2.000000030e-01, v3;
	v4 =	vadd.f32 v4, v0;
	v2 =	vadd.f32 v38, v36  }
0x87: {  	v1 =	vmax.f32 v1, v7;
	v7 =	vadd.f32 v41, v0;
	v42 =	vmul.f32 $2.000000030e-01, v5  }
0x88: {  	v3 =	vmax.f32 v3, v40;
	v43 =	vmul.f32 $2.000000030e-01, v6;
	v0 =	vadd.f32 v2, v0  }
0x89: {  	v1 =	vmax.f32 v1, v3;
	v44 =	vmul.f32 $2.000000030e-01, v7;
	v5 =	vmax.f32 v5, v42  }
0x8a: {  	v46 =	vmul.f32 $2.000000030e-01, v4;
	v45 =	vmax.f32 v6, v43;
	v1 =	vmax.f32 v1, v5  }
0x8b: {  	v48 =	vmul.f32 $2.000000030e-01, v0;
	v47 =	vmax.f32 v7, v44;
	v1 =	vmax.f32 v1, v45  }
0x8c: {  	v49 =	vmax.f32 v4, v46;
	v1 =	vmax.f32 v1, v47  }
0x8d: {  	v0 =	vmax.f32 v0, v48;
	v1 =	vmax.f32 v1, v49  }
0x8e: {  	v0 =	vmax.f32 v1, v0  }
0x8f: {  	[tilespmem:s18+$0x15000] =	vst v0;
	v0 =	vld [tilespmem:s18+$0x14810]  }
0x90: {  	v50 =	vld [tilespmem:s16+$0xFFFFFB10]  }
0x91: {  	v51 =	vld [tilespmem:s17+$0xFFFFFB10]  }
0x92: {  	v52 =	vld [tilespmem:s16+$0xFFFFFB90]  }
0x93: {  	v53 =	vld [tilespmem:s17+$0xFFFFFB90]  }
0x94: {  	v54 =	vld [tilespmem:s16+$0xFFFFFC10]  }
0x95: {  	v55 =	vld [tilespmem:s17+$0xFFFFFC10]  }
0x96: {  	v56 =	vld [tilespmem:s16+$0xFFFFFC90]  }
0x97: {  	v57 =	vld [tilespmem:s17+$0xFFFFFC90]  }
0x98: {  	v58 =	vld [tilespmem:s16+$0xFFFFFD10]  }
0x99: {  	v59 =	vld [tilespmem:s17+$0xFFFFFD10]  }
0x9a: {  	v60 =	vld [tilespmem:s16+$0xFFFFFD90]  }
0x9b: {  	v61 =	vld [tilespmem:s17+$0xFFFFFD90]  }
0x9c: {  	v62 =	vld [tilespmem:s16+$0xFFFFFE10]  }
0x9d: {  	v63 =	vld [tilespmem:s17+$0xFFFFFE10]  }
0x9e: {  	v19 =	vld [tilespmem:s16+$0xFFFFFE90]  }
0x9f: {  	v21 =	vld [tilespmem:s17+$0xFFFFFE90]  }
0xa0: {  	v22 =	vld [tilespmem:s16+$0xFFFFFF10]  }
0xa1: {  	v24 =	vld [tilespmem:s17+$0xFFFFFF10]  }
0xa2: {  	v26 =	vld [tilespmem:s16+$0xFFFFFF90]  }
0xa3: {  	v27 =	vld [tilespmem:s17+$0xFFFFFF90]  }
0xa4: {  	v32 =	vld [tilespmem:s16+$0x90]  }
0xa5: {  	v34 =	vld [tilespmem:s17+$0x90];
	v1 =	vadd.f32 v51, v50;
	v3 =	vadd.f32 v53, v52  }
0xa6: {  	v5 =	vadd.f32 v55, v54;
	v7 =	vadd.f32 v57, v56  }
0xa7: {  	v9 =	vadd.f32 v59, v58;
	v2 =	vadd.f32 v61, v60  }
0xa8: {  	v39 =	vld [tilespmem:s16+$0x190];
	v6 =	vadd.f32 v63, v62;
	v31 =	vadd.f32 v21, v19  }
0xa9: {  	v41 =	vld [tilespmem:s17+$0x190];
	v10 =	vadd.f32 v24, v22;
	v4 =	vadd.f32 v27, v26  }
0xaa: {  	v46 =	vld [tilespmem:s16+$0x290];
	v45 =	vadd.f32 v34, v32;
	v1 =	vadd.f32 v1, v0  }
0xab: {  	v48 =	vld [tilespmem:s17+$0x290];
	v3 =	vadd.f32 v3, v0;
	v5 =	vadd.f32 v5, v0  }
0xac: {  	v53 =	vld [tilespmem:s16+$0x390];
	v7 =	vadd.f32 v7, v0;
	v9 =	vadd.f32 v9, v0  }
0xad: {  	v55 =	vld [tilespmem:s17+$0x390];
	v2 =	vadd.f32 v2, v0;
	v6 =	vadd.f32 v6, v0;
	v18 =	vmul.f32 $2.000000030e-01, v1  }
0xae: {  	v40 =	vadd.f32 v10, v0;
	v20 =	vmul.f32 $2.000000030e-01, v3;
	v23 =	vmul.f32 $2.000000030e-01, v5  }
0xaf: {  	v28 =	vld [tilespmem:s16+$0x10];
	v4 =	vadd.f32 v4, v0;
	v25 =	vmul.f32 $2.000000030e-01, v7;
	v29 =	vmul.f32 $2.000000030e-01, v9  }
0xb0: {  	v30 =	vld [tilespmem:s17+$0x10];
	v54 =	vadd.f32 v41, v39;
	v33 =	vmul.f32 $2.000000030e-01, v2;
	v36 =	vmul.f32 $2.000000030e-01, v6  }
0xb1: {  	v62 =	vadd.f32 v48, v46;
	v43 =	vmul.f32 $2.000000030e-01, v40;
	v47 =	vmul.f32 $2.000000030e-01, v4  }
0xb2: {  	v35 =	vld [tilespmem:s16+$0x110];
	v12 =	vadd.f32 v55, v53;
	v1 =	vmax.f32 v1, v18;
	v3 =	vmax.f32 v3, v20  }
0xb3: {  	v37 =	vld [tilespmem:s17+$0x110];
	v5 =	vmax.f32 v5, v23;
	v2 =	vmax.f32 v2, v33;
	v1 =	vmax.f32 v1, v3  }
0xb4: {  	v42 =	vld [tilespmem:s16+$0x210];
	v6 =	vmax.f32 v6, v36;
	v3 =	vmax.f32 v7, v25;
	v1 =	vmax.f32 v1, v5  }
0xb5: {  	v44 =	vld [tilespmem:s17+$0x210];
	v5 =	vadd.f32 v30, v28;
	v1 =	vmax.f32 v1, v3;
	v3 =	vadd.f32 v31, v0  }
0xb6: {  	v49 =	vld [tilespmem:s16+$0x310];
	v4 =	vmax.f32 v4, v47;
	v7 =	vmax.f32 v9, v29;
	v9 =	vadd.f32 v54, v0  }
0xb7: {  	v51 =	vld [tilespmem:s17+$0x310];
	v1 =	vmax.f32 v1, v7;
	v5 =	vadd.f32 v5, v0;
	v38 =	vmul.f32 $2.000000030e-01, v3  }
0xb8: {  	v56 =	vld [tilespmem:s16+$0x410];
	v60 =	vmul.f32 $2.000000030e-01, v9;
	v7 =	vadd.f32 v37, v35;
	v1 =	vmax.f32 v1, v2  }
0xb9: {  	v58 =	vld [tilespmem:s17+$0x410];
	v1 =	vmax.f32 v1, v6;
	v50 =	vmul.f32 $2.000000030e-01, v5;
	v2 =	vmax.f32 v3, v38  }
0xba: {  	v7 =	vadd.f32 v7, v0;
	v1 =	vmax.f32 v1, v2;
	v2 =	vadd.f32 v45, v0  }
0xbb: {  	v59 =	vld [tilespmem:s16+$0x490];
	v6 =	vmax.f32 v40, v43;
	v3 =	vadd.f32 v44, v42;
	v5 =	vmax.f32 v5, v50  }
0xbc: {  	v61 =	vld [tilespmem:s17+$0x490];
	v57 =	vmul.f32 $2.000000030e-01, v7;
	v1 =	vmax.f32 v1, v6;
	v52 =	vmul.f32 $2.000000030e-01, v2  }
0xbd: {  	v3 =	vadd.f32 v3, v0;
	v6 =	vadd.f32 v51, v49;
	v1 =	vmax.f32 v1, v4  }
0xbe: {  	v4 =	vadd.f32 v58, v56;
	v1 =	vmax.f32 v1, v5;
	v2 =	vmax.f32 v2, v52  }
0xbf: {  	v5 =	vmax.f32 v7, v57;
	v7 =	vmax.f32 v9, v60;
	v1 =	vmax.f32 v1, v2  }
0xc0: {  	v6 =	vadd.f32 v6, v0;
	v1 =	vmax.f32 v1, v5;
	v5 =	vadd.f32 v62, v0  }
0xc1: {  	v63 =	vmul.f32 $2.000000030e-01, v3;
	v4 =	vadd.f32 v4, v0;
	v2 =	vadd.f32 v61, v59  }
0xc2: {  	v1 =	vmax.f32 v1, v7;
	v7 =	vadd.f32 v12, v0;
	v13 =	vmul.f32 $2.000000030e-01, v5  }
0xc3: {  	v3 =	vmax.f32 v3, v63;
	v14 =	vmul.f32 $2.000000030e-01, v6;
	v0 =	vadd.f32 v2, v0  }
0xc4: {  	v1 =	vmax.f32 v1, v3;
	v15 =	vmul.f32 $2.000000030e-01, v7;
	v5 =	vmax.f32 v5, v13  }
0xc5: {  	v17 =	vmul.f32 $2.000000030e-01, v4;
	v16 =	vmax.f32 v6, v14;
	v1 =	vmax.f32 v1, v5  }
0xc6: {  	v19 =	vmul.f32 $2.000000030e-01, v0;
	v18 =	vmax.f32 v7, v15;
	v1 =	vmax.f32 v1, v16  }
0xc7: {  	v20 =	vmax.f32 v4, v17;
	v1 =	vmax.f32 v1, v18  }
0xc8: {  	v0 =	vmax.f32 v0, v19;
	v1 =	vmax.f32 v1, v20  }
0xc9: {  	v0 =	vmax.f32 v1, v0  }
0xca: {  	[tilespmem:s18+$0x15010] =	vst v0;
	v0 =	vld [tilespmem:s18+$0x14820]  }
0xcb: {  	v21 =	vld [tilespmem:s16+$0xFFFFFB20]  }
0xcc: {  	v22 =	vld [tilespmem:s17+$0xFFFFFB20]  }
0xcd: {  	v23 =	vld [tilespmem:s16+$0xFFFFFBA0]  }
0xce: {  	v24 =	vld [tilespmem:s17+$0xFFFFFBA0]  }
0xcf: {  	v25 =	vld [tilespmem:s16+$0xFFFFFC20]  }
0xd0: {  	v26 =	vld [tilespmem:s17+$0xFFFFFC20]  }
0xd1: {  	v27 =	vld [tilespmem:s16+$0xFFFFFCA0]  }
0xd2: {  	v28 =	vld [tilespmem:s17+$0xFFFFFCA0]  }
0xd3: {  	v29 =	vld [tilespmem:s16+$0xFFFFFD20]  }
0xd4: {  	v30 =	vld [tilespmem:s17+$0xFFFFFD20]  }
0xd5: {  	v31 =	vld [tilespmem:s16+$0xFFFFFDA0]  }
0xd6: {  	v32 =	vld [tilespmem:s17+$0xFFFFFDA0]  }
0xd7: {  	v33 =	vld [tilespmem:s16+$0xFFFFFE20]  }
0xd8: {  	v34 =	vld [tilespmem:s17+$0xFFFFFE20]  }
0xd9: {  	v36 =	vld [tilespmem:s16+$0xFFFFFEA0]  }
0xda: {  	v38 =	vld [tilespmem:s17+$0xFFFFFEA0]  }
0xdb: {  	v39 =	vld [tilespmem:s16+$0xFFFFFF20]  }
0xdc: {  	v41 =	vld [tilespmem:s17+$0xFFFFFF20]  }
0xdd: {  	v43 =	vld [tilespmem:s16+$0xFFFFFFA0]  }
0xde: {  	v44 =	vld [tilespmem:s17+$0xFFFFFFA0]  }
0xdf: {  	v49 =	vld [tilespmem:s16+$0xA0]  }
0xe0: {  	v51 =	vld [tilespmem:s17+$0xA0];
	v1 =	vadd.f32 v22, v21;
	v3 =	vadd.f32 v24, v23  }
0xe1: {  	v5 =	vadd.f32 v26, v25;
	v7 =	vadd.f32 v28, v27  }
0xe2: {  	v9 =	vadd.f32 v30, v29;
	v2 =	vadd.f32 v32, v31  }
0xe3: {  	v56 =	vld [tilespmem:s16+$0x1A0];
	v6 =	vadd.f32 v34, v33;
	v48 =	vadd.f32 v38, v36  }
0xe4: {  	v58 =	vld [tilespmem:s17+$0x1A0];
	v10 =	vadd.f32 v41, v39;
	v4 =	vadd.f32 v44, v43  }
0xe5: {  	v63 =	vld [tilespmem:s16+$0x2A0];
	v62 =	vadd.f32 v51, v49;
	v1 =	vadd.f32 v1, v0  }
0xe6: {  	v18 =	vld [tilespmem:s17+$0x2A0];
	v3 =	vadd.f32 v3, v0;
	v5 =	vadd.f32 v5, v0  }
0xe7: {  	v23 =	vld [tilespmem:s16+$0x3A0];
	v7 =	vadd.f32 v7, v0;
	v9 =	vadd.f32 v9, v0  }
0xe8: {  	v25 =	vld [tilespmem:s17+$0x3A0];
	v2 =	vadd.f32 v2, v0;
	v6 =	vadd.f32 v6, v0;
	v35 =	vmul.f32 $2.000000030e-01, v1  }
0xe9: {  	v57 =	vadd.f32 v10, v0;
	v37 =	vmul.f32 $2.000000030e-01, v3;
	v40 =	vmul.f32 $2.000000030e-01, v5  }
0xea: {  	v45 =	vld [tilespmem:s16+$0x20];
	v4 =	vadd.f32 v4, v0;
	v42 =	vmul.f32 $2.000000030e-01, v7;
	v46 =	vmul.f32 $2.000000030e-01, v9  }
0xeb: {  	v47 =	vld [tilespmem:s17+$0x20];
	v24 =	vadd.f32 v58, v56;
	v50 =	vmul.f32 $2.000000030e-01, v2;
	v53 =	vmul.f32 $2.000000030e-01, v6  }
0xec: {  	v32 =	vadd.f32 v18, v63;
	v60 =	vmul.f32 $2.000000030e-01, v57;
	v17 =	vmul.f32 $2.000000030e-01, v4  }
0xed: {  	v52 =	vld [tilespmem:s16+$0x120];
	v34 =	vadd.f32 v25, v23;
	v1 =	vmax.f32 v1, v35;
	v3 =	vmax.f32 v3, v37  }
0xee: {  	v54 =	vld [tilespmem:s17+$0x120];
	v5 =	vmax.f32 v5, v40;
	v2 =	vmax.f32 v2, v50;
	v1 =	vmax.f32 v1, v3  }
0xef: {  	v59 =	vld [tilespmem:s16+$0x220];
	v6 =	vmax.f32 v6, v53;
	v3 =	vmax.f32 v7, v42;
	v1 =	vmax.f32 v1, v5  }
0xf0: {  	v61 =	vld [tilespmem:s17+$0x220];
	v5 =	vadd.f32 v47, v45;
	v1 =	vmax.f32 v1, v3;
	v3 =	vadd.f32 v48, v0  }
0xf1: {  	v19 =	vld [tilespmem:s16+$0x320];
	v4 =	vmax.f32 v4, v17;
	v7 =	vmax.f32 v9, v46;
	v9 =	vadd.f32 v24, v0  }
0xf2: {  	v21 =	vld [tilespmem:s17+$0x320];
	v1 =	vmax.f32 v1, v7;
	v5 =	vadd.f32 v5, v0;
	v55 =	vmul.f32 $2.000000030e-01, v3  }
0xf3: {  	v26 =	vld [tilespmem:s16+$0x420];
	v30 =	vmul.f32 $2.000000030e-01, v9;
	v7 =	vadd.f32 v54, v52;
	v1 =	vmax.f32 v1, v2  }
0xf4: {  	v28 =	vld [tilespmem:s17+$0x420];
	v1 =	vmax.f32 v1, v6;
	v20 =	vmul.f32 $2.000000030e-01, v5;
	v2 =	vmax.f32 v3, v55  }
0xf5: {  	v7 =	vadd.f32 v7, v0;
	v1 =	vmax.f32 v1, v2;
	v2 =	vadd.f32 v62, v0  }
0xf6: {  	v29 =	vld [tilespmem:s16+$0x4A0];
	v6 =	vmax.f32 v57, v60;
	v3 =	vadd.f32 v61, v59;
	v5 =	vmax.f32 v5, v20  }
0xf7: {  	v31 =	vld [tilespmem:s17+$0x4A0];
	v27 =	vmul.f32 $2.000000030e-01, v7;
	v1 =	vmax.f32 v1, v6;
	v22 =	vmul.f32 $2.000000030e-01, v2  }
0xf8: {  	v3 =	vadd.f32 v3, v0;
	v6 =	vadd.f32 v21, v19;
	v1 =	vmax.f32 v1, v4  }
0xf9: {  	v4 =	vadd.f32 v28, v26;
	v1 =	vmax.f32 v1, v5;
	v2 =	vmax.f32 v2, v22  }
0xfa: {  	v5 =	vmax.f32 v7, v27;
	v7 =	vmax.f32 v9, v30;
	v1 =	vmax.f32 v1, v2  }
0xfb: {  	v6 =	vadd.f32 v6, v0;
	v1 =	vmax.f32 v1, v5;
	v5 =	vadd.f32 v32, v0  }
0xfc: {  	v33 =	vmul.f32 $2.000000030e-01, v3;
	v4 =	vadd.f32 v4, v0;
	v2 =	vadd.f32 v31, v29  }
0xfd: {  	v1 =	vmax.f32 v1, v7;
	v7 =	vadd.f32 v34, v0;
	v35 =	vmul.f32 $2.000000030e-01, v5  }
0xfe: {  	v3 =	vmax.f32 v3, v33;
	v36 =	vmul.f32 $2.000000030e-01, v6;
	v0 =	vadd.f32 v2, v0  }
0xff: {  	v1 =	vmax.f32 v1, v3;
	v37 =	vmul.f32 $2.000000030e-01, v7;
	v5 =	vmax.f32 v5, v35  }
0x100: {  	v39 =	vmul.f32 $2.000000030e-01, v4;
	v38 =	vmax.f32 v6, v36;
	v1 =	vmax.f32 v1, v5  }
0x101: {  	v41 =	vmul.f32 $2.000000030e-01, v0;
	v40 =	vmax.f32 v7, v37;
	v1 =	vmax.f32 v1, v38  }
0x102: {  	v42 =	vmax.f32 v4, v39;
	v1 =	vmax.f32 v1, v40  }
0x103: {  	v0 =	vmax.f32 v0, v41;
	v1 =	vmax.f32 v1, v42  }
0x104: {  	v0 =	vmax.f32 v1, v0  }
0x105: {  	[tilespmem:s18+$0x15020] =	vst v0;
	v0 =	vld [tilespmem:s18+$0x14830]  }
0x106: {  	v43 =	vld [tilespmem:s16+$0xFFFFFB30]  }
0x107: {  	v44 =	vld [tilespmem:s17+$0xFFFFFB30]  }
0x108: {  	v45 =	vld [tilespmem:s16+$0xFFFFFBB0]  }
0x109: {  	v46 =	vld [tilespmem:s17+$0xFFFFFBB0]  }
0x10a: {  	v47 =	vld [tilespmem:s16+$0xFFFFFC30]  }
0x10b: {  	v48 =	vld [tilespmem:s17+$0xFFFFFC30]  }
0x10c: {  	v49 =	vld [tilespmem:s16+$0xFFFFFCB0]  }
0x10d: {  	v50 =	vld [tilespmem:s17+$0xFFFFFCB0]  }
0x10e: {  	v51 =	vld [tilespmem:s16+$0xFFFFFD30]  }
0x10f: {  	v52 =	vld [tilespmem:s17+$0xFFFFFD30]  }
0x110: {  	v53 =	vld [tilespmem:s16+$0xFFFFFDB0]  }
0x111: {  	v54 =	vld [tilespmem:s17+$0xFFFFFDB0]  }
0x112: {  	v55 =	vld [tilespmem:s16+$0xFFFFFE30]  }
0x113: {  	v56 =	vld [tilespmem:s17+$0xFFFFFE30]  }
0x114: {  	v58 =	vld [tilespmem:s16+$0xFFFFFEB0]  }
0x115: {  	v60 =	vld [tilespmem:s17+$0xFFFFFEB0]  }
0x116: {  	v61 =	vld [tilespmem:s16+$0xFFFFFF30]  }
0x117: {  	v63 =	vld [tilespmem:s17+$0xFFFFFF30]  }
0x118: {  	v19 =	vld [tilespmem:s16+$0xFFFFFFB0]  }
0x119: {  	v20 =	vld [tilespmem:s17+$0xFFFFFFB0]  }
0x11a: {  	v25 =	vld [tilespmem:s16+$0xB0]  }
0x11b: {  	v27 =	vld [tilespmem:s17+$0xB0];
	v1 =	vadd.f32 v44, v43;
	v3 =	vadd.f32 v46, v45  }
0x11c: {  	v5 =	vadd.f32 v48, v47;
	v7 =	vadd.f32 v50, v49  }
0x11d: {  	v9 =	vadd.f32 v52, v51;
	v2 =	vadd.f32 v54, v53  }
0x11e: {  	v6 =	vadd.f32 v56, v55;
	v24 =	vadd.f32 v60, v58  }
0x11f: {  	v32 =	vld [tilespmem:s16+$0x1B0];
	v10 =	vadd.f32 v63, v61;
	v4 =	vadd.f32 v20, v19  }
0x120: {  	v34 =	vld [tilespmem:s17+$0x1B0];
	v38 =	vadd.f32 v27, v25;
	v1 =	vadd.f32 v1, v0  }
0x121: {  	v39 =	vld [tilespmem:s16+$0x2B0];
	v3 =	vadd.f32 v3, v0;
	v5 =	vadd.f32 v5, v0  }
0x122: {  	v41 =	vld [tilespmem:s17+$0x2B0];
	v7 =	vadd.f32 v7, v0;
	v9 =	vadd.f32 v9, v0  }
0x123: {  	v2 =	vadd.f32 v2, v0;
	v6 =	vadd.f32 v6, v0;
	v57 =	vmul.f32 $2.000000030e-01, v1  }
0x124: {  	v21 =	vld [tilespmem:s16+$0x30];
	v33 =	vadd.f32 v10, v0;
	v59 =	vmul.f32 $2.000000030e-01, v3;
	v62 =	vmul.f32 $2.000000030e-01, v5  }
0x125: {  	v23 =	vld [tilespmem:s17+$0x30];
	v4 =	vadd.f32 v4, v0;
	v18 =	vmul.f32 $2.000000030e-01, v7;
	v22 =	vmul.f32 $2.000000030e-01, v9  }
0x126: {  	v46 =	vld [tilespmem:s16+$0x3B0];
	v47 =	vadd.f32 v34, v32;
	v26 =	vmul.f32 $2.000000030e-01, v2;
	v29 =	vmul.f32 $2.000000030e-01, v6  }
0x127: {  	v48 =	vld [tilespmem:s17+$0x3B0];
	v55 =	vadd.f32 v41, v39;
	v36 =	vmul.f32 $2.000000030e-01, v33;
	v40 =	vmul.f32 $2.000000030e-01, v4  }
0x128: {  	v28 =	vld [tilespmem:s16+$0x130];
	v1 =	vmax.f32 v1, v57;
	v3 =	vmax.f32 v3, v59;
	v5 =	vmax.f32 v5, v62  }
0x129: {  	v30 =	vld [tilespmem:s17+$0x130];
	v2 =	vmax.f32 v2, v26;
	v6 =	vmax.f32 v6, v29;
	v1 =	vmax.f32 v1, v3  }
0x12a: {  	v35 =	vld [tilespmem:s16+$0x230];
	v4 =	vmax.f32 v4, v40;
	v3 =	vmax.f32 v7, v18;
	v1 =	vmax.f32 v1, v5  }
0x12b: {  	v37 =	vld [tilespmem:s17+$0x230];
	v5 =	vadd.f32 v23, v21;
	v1 =	vmax.f32 v1, v3;
	v3 =	vadd.f32 v24, v0  }
0x12c: {  	v42 =	vld [tilespmem:s16+$0x330];
	v57 =	vadd.f32 v48, v46;
	v7 =	vmax.f32 v9, v22;
	v9 =	vadd.f32 v47, v0  }
0x12d: {  	v44 =	vld [tilespmem:s17+$0x330];
	v1 =	vmax.f32 v1, v7;
	v5 =	vadd.f32 v5, v0;
	v31 =	vmul.f32 $2.000000030e-01, v3  }
0x12e: {  	v49 =	vld [tilespmem:s16+$0x430];
	v53 =	vmul.f32 $2.000000030e-01, v9;
	v7 =	vadd.f32 v30, v28;
	v1 =	vmax.f32 v1, v2  }
0x12f: {  	v51 =	vld [tilespmem:s17+$0x430];
	v1 =	vmax.f32 v1, v6;
	v43 =	vmul.f32 $2.000000030e-01, v5;
	v2 =	vmax.f32 v3, v31  }
0x130: {  	v7 =	vadd.f32 v7, v0;
	v1 =	vmax.f32 v1, v2;
	v2 =	vadd.f32 v38, v0  }
0x131: {  	v52 =	vld [tilespmem:s16+$0x4B0];
	v6 =	vmax.f32 v33, v36;
	v3 =	vadd.f32 v37, v35;
	v5 =	vmax.f32 v5, v43  }
0x132: {  	v54 =	vld [tilespmem:s17+$0x4B0];
	v50 =	vmul.f32 $2.000000030e-01, v7;
	v1 =	vmax.f32 v1, v6;
	v45 =	vmul.f32 $2.000000030e-01, v2  }
0x133: {  	v3 =	vadd.f32 v3, v0;
	v6 =	vadd.f32 v44, v42;
	v1 =	vmax.f32 v1, v4  }
0x134: {  	v4 =	vadd.f32 v51, v49;
	v1 =	vmax.f32 v1, v5;
	v2 =	vmax.f32 v2, v45  }
0x135: {  	v5 =	vmax.f32 v7, v50;
	v7 =	vmax.f32 v9, v53;
	v1 =	vmax.f32 v1, v2  }
0x136: {  	v6 =	vadd.f32 v6, v0;
	v1 =	vmax.f32 v1, v5;
	v5 =	vadd.f32 v55, v0  }
0x137: {  	v56 =	vmul.f32 $2.000000030e-01, v3;
	v4 =	vadd.f32 v4, v0;
	v2 =	vadd.f32 v54, v52  }
0x138: {  	v1 =	vmax.f32 v1, v7;
	v7 =	vadd.f32 v57, v0;
	v58 =	vmul.f32 $2.000000030e-01, v5  }
0x139: {  	v3 =	vmax.f32 v3, v56;
	v59 =	vmul.f32 $2.000000030e-01, v6;
	v0 =	vadd.f32 v2, v0  }
0x13a: {  	v1 =	vmax.f32 v1, v3;
	v60 =	vmul.f32 $2.000000030e-01, v7;
	v5 =	vmax.f32 v5, v58  }
0x13b: {  	p0 =	sne.s32 s14, $0x1E00;
	v61 =	vmul.f32 $2.000000030e-01, v4;
	v3 =	vmax.f32 v6, v59;
	v1 =	vmax.f32 v1, v5  }
.Ltmp0:
0x13c: {  	v62 =	vmul.f32 $2.000000030e-01, v0;
	v2 =	vmax.f32 v7, v60;
	v1 =	vmax.f32 v1, v3;
	(pc) =	sbr.rel @p0 .LBB2_3-.Ltmp0, $4  }
0x13d: {  	v63 =	vmax.f32 v4, v61;
	v1 =	vmax.f32 v1, v2  }
0x13e: {  	v0 =	vmax.f32 v0, v62;
	v1 =	vmax.f32 v1, v63  }
0x13f: {  	v0 =	vmax.f32 v1, v0  }
0x140: {  	s14 =	sadd.s32 $0x200, s14;
	s16 =	sadd.s32 $0xA00, s16;
	s17 =	sadd.s32 $0xA00, s17;
	[tilespmem:s18+$0x15030] =	vst v0  }
0x141: {  	s2 =	sadd.s32 $0x1, s2  }
0x142: {  	p0 =	sne.s32 s2, $0x20  }
.Ltmp1:
0x143: {  	s14 =	sadd.s32 s7, s15;
	s18 =	simm.s32 $0x0;
	(pc) =	sbr.rel @p0 .LBB2_2-.Ltmp1, $4  }
0x144: {  	[hbm4b:s14+s18] =	stream.linear.scatter [tilespmem:s1], [sflag:$0x2], $0x800, $0x38;
	[tilespmem:$0x15800] =	vst v63  }
0x145: {  	_ =	swait.ge [sflag:s11], $0x800  }
0x146: {  	[sflag:s11] =	ssyncset.done $0x0  }
0x147: {  	[sflag:s11] =	ssyncadd.s32 $0xFFFFF800  }
0x148: {  	s14 =	rddreg [dreg:$0x4]  }
0x149: {  	s2 =	rddreg [dreg:$0x3];
	s14 =	sadd.s32 $0x1, s14  }
0x14a: {  	p0 =	sne.s32 s14, s2  }
.Ltmp2:
0x14b: {  	_ = 	snop;
	(pc) =	sbr.rel @p0 .LBB2_1-.Ltmp2, $1  }
0x14c: {  	_ =	sdelay $0x3  }
0x14d: {  	_ =	sfence.sel $0x180000  }
0x14e: {  	[bflag:$0x0] =	sbarrier.arrive $0xFFFF  }
0x14f: {  	_ =	strace $0x90000047  }
0x150: {  	s0 =	stileid.u32;
	[bflag:$0x2] =	sbarrier.arrive $0xFFFF  }
0x151: {  	p0 =	sne.s32 s0, $0x0;
	s0 =	rddreg [dreg:$0x2]  }
0x152: {  	s0 =	sadd.s32 @!p0 $0x100000, s0  }
0x153: {  	[sflag:s0] =	ssyncadd.tile.s32 @!p0 $0x1;
	_ =	shalt  }
.Lfunc_end2:
_tile_overlayer_lowered:
.L_overlay_start_2:
0x154: {  	(tag) =	ssettag $0x2  }
0x155: {  	s0 =	rddreg [dreg:$0x0];
	s2 =	stileid.u32  }
0x156: {  	s1 =	rddreg [dreg:$0x1];
	p0 =	sne.s32 s2, $0x0  }
0x157: {  	s3 =	rddreg [dreg:$0x2];
	[bflag:$0x3] =	sbarrier.arrive $0xFFFF;
	s2 =	simm.s32 @!p0 $0x1C02  }
0x158: {  	[timem:s3], [sflag:s2] =	dma.local @!p0 [hbm:s0], s1  }
0x159: {  	s0 =	simm.s32 @!p0 $0x2  }
0x15a: {  	_ =	swait.ge @!p0 [sflag:s0], s1  }
0x15b: {  	s1 =	ssub.s32 @!p0 $0x0, s1;
	[sflag:s0] =	ssyncset.done @!p0 $0x0  }
0x15c: {  	[sflag:s0] =	ssyncadd.s32 @!p0 s1  }
0x15d: {  	[bflag:$0x3] =	sbarrier.arrive $0xFFFF  }
0x15e: {  	_ =	shalt  }

</sc_bundles>
